<compile_context>
chip_gen: v7x
topology: tpu7x:2x2x1
jax: 0.10.2.dev20260603
libtpu: 0.0.44.dev20260713+nightly
codegen_flags: <defaults>
</compile_context>

<pallas_src>
import functools

import jax
import jax.numpy as jnp
from jax import lax
from jax.experimental import pallas as pl
from jax.experimental.pallas import tpu as pltpu
from jax.experimental.pallas import tpu_sc as plsc

N = 10000
E = 320000
H = 128
BD = 16
EPS = 1e-5
LN2 = 0.6931471805599453

NC = 2
NS = 16
L = 16
NW = NC * NS
EPW = E // NW
CH = 80
NCHUNK = EPW // CH
NRCH = N // CH


def _ceil_div(a, b):
    return -(-a // b)

NB = 2000
EB = 2560


def _ssp(v):
    return jnp.maximum(v, 0.0) + jnp.log(1.0 + jnp.exp(-jnp.abs(v))) - LN2


def _nodeproj_body(x_ref, ws_ref, wd_ref, wl_ref, lb_ref, wb_ref, bb_ref,
                   w0b_ref, be0_ref, as_ref, ad_ref, xl_ref, wc_ref, bc_ref):
    x = x_ref[...]
    as_ref[...] = jnp.dot(x, ws_ref[...], preferred_element_type=jnp.float32)
    ad_ref[...] = jnp.dot(x, wd_ref[...], preferred_element_type=jnp.float32)
    xl_ref[...] = jnp.dot(x, wl_ref[...], preferred_element_type=jnp.float32) + lb_ref[...]

    @pl.when(pl.program_id(0) == 0)
    def _():
        w0b = w0b_ref[...]
        wc_ref[...] = jnp.dot(wb_ref[...], w0b, preferred_element_type=jnp.float32)
        bc_ref[...] = jnp.dot(bb_ref[...], w0b, preferred_element_type=jnp.float32) + be0_ref[...]


def _node_proj(x, We0_s, We0_d, linW, linb2, Wb, bb2, We0_b, be02):
    grid = (N // NB,)
    full = lambda i: (0, 0)
    return pl.pallas_call(
        _nodeproj_body,
        grid=grid,
        in_specs=[
            pl.BlockSpec((NB, H), lambda i: (i, 0)),
            pl.BlockSpec((H, H), full),
            pl.BlockSpec((H, H), full),
            pl.BlockSpec((H, H), full),
            pl.BlockSpec((1, H), full),
            pl.BlockSpec((BD, H), full),
            pl.BlockSpec((1, H), full),
            pl.BlockSpec((H, H), full),
            pl.BlockSpec((1, H), full),
        ],
        out_specs=[
            pl.BlockSpec((NB, H), lambda i: (i, 0)),
            pl.BlockSpec((NB, H), lambda i: (i, 0)),
            pl.BlockSpec((NB, H), lambda i: (i, 0)),
            pl.BlockSpec((BD, H), full),
            pl.BlockSpec((1, H), full),
        ],
        out_shape=[
            jax.ShapeDtypeStruct((N, H), jnp.float32),
            jax.ShapeDtypeStruct((N, H), jnp.float32),
            jax.ShapeDtypeStruct((N, H), jnp.float32),
            jax.ShapeDtypeStruct((BD, H), jnp.float32),
            jax.ShapeDtypeStruct((1, H), jnp.float32),
        ],
    )(x, We0_s, We0_d, linW, linb2, Wb, bb2, We0_b, be02)


def _sc_gather_body(as_hbm, ad_hbm, src_hbm, dst_hbm, gsum_hbm,
                    idx_s, idx_d, rows_s, rows_d, sem1, sem2):
    wid = lax.axis_index("s") * NC + lax.axis_index("c")
    base0 = wid * EPW

    def chunk(i, carry):
        base = base0 + i * CH
        pltpu.sync_copy(src_hbm.at[pl.ds(base, CH)], idx_s)
        pltpu.sync_copy(dst_hbm.at[pl.ds(base, CH)], idx_d)
        c1 = pltpu.async_copy(as_hbm.at[idx_s], rows_s, sem1)
        c2 = pltpu.async_copy(ad_hbm.at[idx_d], rows_d, sem2)
        c1.wait()
        c2.wait()

        def row(r, c):
            for g in range(H // L):
                sl = pl.ds(g * L, L)
                rows_s[r, sl] = rows_s[r, sl] + rows_d[r, sl]
            return c

        lax.fori_loop(0, CH, row, 0, unroll=4)
        pltpu.sync_copy(rows_s, gsum_hbm.at[pl.ds(base, CH)])
        return carry

    lax.fori_loop(0, NCHUNK, chunk, 0)


@functools.cache
def _sc_gather_kernel():
    return pl.kernel(
        _sc_gather_body,
        out_type=jax.ShapeDtypeStruct((E, H), jnp.float32),
        mesh=plsc.VectorSubcoreMesh(core_axis_name="c", subcore_axis_name="s",
                                    num_cores=NC, num_subcores=NS),
        scratch_types=[
            pltpu.VMEM((CH,), jnp.int32),
            pltpu.VMEM((CH,), jnp.int32),
            pltpu.VMEM((CH, H), jnp.float32),
            pltpu.VMEM((CH, H), jnp.float32),
            pltpu.SemaphoreType.DMA,
            pltpu.SemaphoreType.DMA,
        ],
    )


def _sc_gather(As, Ad, src, dst):
    return _sc_gather_kernel()(As, Ad, src, dst)


def _edgemlp_body(ea_ref, gs_ref, ew_ref, wc_ref, bc_ref, w1_ref, b1_ref,
                  w2_ref, b2_ref, hw_ref):
    h0 = jnp.dot(ea_ref[...], wc_ref[...], preferred_element_type=jnp.float32)
    h0 = h0 + gs_ref[...] + bc_ref[...]
    h = _ssp(h0)
    h = _ssp(jnp.dot(h, w1_ref[...], preferred_element_type=jnp.float32) + b1_ref[...])
    h2 = jnp.dot(h, w2_ref[...], preferred_element_type=jnp.float32) + b2_ref[...]
    hw_ref[...] = h2 * ew_ref[...]


def _edge_mlp(edge_attr, gsum, ew2, Wcomb, bcomb, We1, be12, We2, be22):
    grid = (E // EB,)
    full = lambda i: (0, 0)
    return pl.pallas_call(
        _edgemlp_body,
        grid=grid,
        in_specs=[
            pl.BlockSpec((EB, BD), lambda i: (i, 0)),
            pl.BlockSpec((EB, H), lambda i: (i, 0)),
            pl.BlockSpec((EB, 1), lambda i: (i, 0)),
            pl.BlockSpec((BD, H), full),
            pl.BlockSpec((1, H), full),
            pl.BlockSpec((H, H), full),
            pl.BlockSpec((1, H), full),
            pl.BlockSpec((H, H), full),
            pl.BlockSpec((1, H), full),
        ],
        out_specs=pl.BlockSpec((EB, H), lambda i: (i, 0)),
        out_shape=jax.ShapeDtypeStruct((E, H), jnp.float32),
    )(edge_attr, gsum, ew2, Wcomb, bcomb, We1, be12, We2, be22)


def _sc_scatter_body(xl_hbm, hw_hbm, src_hbm, dst_hbm, out_hbm,
                     agg, idx_s, idx_d, rows_xl, rows_hw, zbuf, sem1):
    cid = lax.axis_index("c")
    sid = lax.axis_index("s")
    wid = sid * NC + cid
    base0 = wid * EPW

    zero = jnp.zeros((L,), jnp.float32)

    def zrow(r, c):
        for g in range(H // L):
            zbuf[r, pl.ds(g * L, L)] = zero
        return c

    lax.fori_loop(0, CH, zrow, 0, unroll=4)
    for k in range(_ceil_div(NRCH, NS)):
        cidx = sid + k * NS

        @pl.when(cidx < NRCH)
        def _():
            pltpu.sync_copy(zbuf, agg.at[pl.ds(cidx * CH, CH)])

    plsc.subcore_barrier()

    def chunk(i, carry):
        base = base0 + i * CH
        pltpu.sync_copy(src_hbm.at[pl.ds(base, CH)], idx_s)
        pltpu.sync_copy(dst_hbm.at[pl.ds(base, CH)], idx_d)
        c1 = pltpu.async_copy(xl_hbm.at[idx_s], rows_xl, sem1)
        pltpu.sync_copy(hw_hbm.at[pl.ds(base, CH)], rows_hw)
        c1.wait()

        def row(r, c):
            for g in range(H // L):
                sl = pl.ds(g * L, L)
                rows_hw[r, sl] = rows_hw[r, sl] * rows_xl[r, sl]
            return c

        lax.fori_loop(0, CH, row, 0, unroll=4)
        pltpu.sync_copy(rows_hw, agg.at[idx_d], add=True)
        return carry

    lax.fori_loop(0, NCHUNK, chunk, 0)
    plsc.subcore_barrier()

    for k in range(_ceil_div(NRCH, NS)):
        cidx = sid + k * NS

        @pl.when(cidx < NRCH)
        def _():
            pltpu.sync_copy(agg.at[pl.ds(cidx * CH, CH)],
                            out_hbm.at[cid, pl.ds(cidx * CH, CH)])


@functools.cache
def _sc_scatter_kernel():
    return pl.kernel(
        _sc_scatter_body,
        out_type=jax.ShapeDtypeStruct((NC, N, H), jnp.float32),
        mesh=plsc.VectorSubcoreMesh(core_axis_name="c", subcore_axis_name="s",
                                    num_cores=NC, num_subcores=NS),
        scratch_types=[
            pltpu.VMEM_SHARED((N, H), jnp.float32),
            pltpu.VMEM((CH,), jnp.int32),
            pltpu.VMEM((CH,), jnp.int32),
            pltpu.VMEM((CH, H), jnp.float32),
            pltpu.VMEM((CH, H), jnp.float32),
            pltpu.VMEM((CH, H), jnp.float32),
            pltpu.SemaphoreType.DMA,
        ],
    )


def _sc_scatter(xl, hw, src, dst):
    return _sc_scatter_kernel()(xl, hw, src, dst)


def _trans1_body(p_ref, xl_ref, cw_ref, wt0_ref, bt0_ref, t_ref, s_ref, ss_ref):
    xo = p_ref[0] + p_ref[1] + cw_ref[...] * xl_ref[...]
    t = jnp.dot(xo, wt0_ref[...], preferred_element_type=jnp.float32) + bt0_ref[...]
    t_ref[...] = t

    @pl.when(pl.program_id(0) == 0)
    def _():
        s_ref[...] = jnp.zeros_like(s_ref)
        ss_ref[...] = jnp.zeros_like(ss_ref)

    s_ref[...] += jnp.sum(t, axis=0, keepdims=True)
    ss_ref[...] += jnp.sum(t * t, axis=0, keepdims=True)


def _trans1(partials, xl, centerW, Wt0, bt02):
    grid = (N // NB,)
    full = lambda i: (0, 0)
    return pl.pallas_call(
        _trans1_body,
        grid=grid,
        in_specs=[
            pl.BlockSpec((NC, NB, H), lambda i: (0, i, 0)),
            pl.BlockSpec((NB, H), lambda i: (i, 0)),
            pl.BlockSpec((1, H), full),
            pl.BlockSpec((H, H), full),
            pl.BlockSpec((1, H), full),
        ],
        out_specs=[
            pl.BlockSpec((NB, H), lambda i: (i, 0)),
            pl.BlockSpec((1, H), full),
            pl.BlockSpec((1, H), full),
        ],
        out_shape=[
            jax.ShapeDtypeStruct((N, H), jnp.float32),
            jax.ShapeDtypeStruct((1, H), jnp.float32),
            jax.ShapeDtypeStruct((1, H), jnp.float32),
        ],
    )(partials, xl, centerW, Wt0, bt02)


def _trans2_body(t_ref, s_ref, ss_ref, g_ref, b_ref, wt1_ref, bt1_ref, o_ref):
    mu = s_ref[...] * (1.0 / N)
    var = ss_ref[...] * (1.0 / N) - mu * mu
    inv = lax.rsqrt(var + EPS) * g_ref[...]
    th = (t_ref[...] - mu) * inv + b_ref[...]
    o_ref[...] = jnp.dot(_ssp(th), wt1_ref[...], preferred_element_type=jnp.float32) + bt1_ref[...]


def _trans2(t, s, ss, gamma2, beta2, Wt1, bt12):
    grid = (N // NB,)
    full = lambda i: (0, 0)
    return pl.pallas_call(
        _trans2_body,
        grid=grid,
        in_specs=[
            pl.BlockSpec((NB, H), lambda i: (i, 0)),
            pl.BlockSpec((1, H), full),
            pl.BlockSpec((1, H), full),
            pl.BlockSpec((1, H), full),
            pl.BlockSpec((1, H), full),
            pl.BlockSpec((H, H), full),
            pl.BlockSpec((1, H), full),
        ],
        out_specs=pl.BlockSpec((NB, H), lambda i: (i, 0)),
        out_shape=jax.ShapeDtypeStruct((N, H), jnp.float32),
    )(t, s, ss, gamma2, beta2, Wt1, bt12)


def kernel(x, edge_index, edge_attr, edge_weight, Wb, bb, We0, be0, We1, be1,
           We2, be2, linW, linb, centerW, Wt0, bt0, gamma, beta, Wt1, bt1):
    We0_b = We0[:H]
    We0_s = We0[H:2 * H]
    We0_d = We0[2 * H:]
    r1 = lambda v: v.reshape(1, H)

    As, Ad, xl, Wcomb, bcomb = _node_proj(
        x, We0_s, We0_d, linW, r1(linb), Wb, r1(bb), We0_b, r1(be0))

    src = edge_index[0]
    dst = edge_index[1]
    gsum = _sc_gather(As, Ad, src, dst)

    hw = _edge_mlp(edge_attr, gsum, edge_weight.reshape(E, 1),
                   Wcomb, bcomb, We1, r1(be1), We2, r1(be2))

    partials = _sc_scatter(xl, hw, src, dst)

    t, s, ss = _trans1(partials, xl, centerW, Wt0, r1(bt0))
    out = _trans2(t, s, ss, r1(gamma), r1(beta), Wt1, r1(bt1))
    return out

# --- scband reference (transcript-rebuilt; emitter-appended) ---
"""Pipeline reference for scband-force-net-55070070669862 (READ-ONLY COPY).

The authoritative reference and input builder live on the scoring server;
editing this copy changes nothing except your own understanding.
"""

import jax, jax.numpy as jnp
import numpy as np

N = 10000
E = 320000
H = 128
BD = 16
EPS = 1e-5


def _xavier(k, shape):
    fan_in, fan_out = shape
    lim = np.sqrt(6.0 / (fan_in + fan_out))
    return jax.random.uniform(k, shape, minval=-lim, maxval=lim, dtype=jnp.float32)


def setup_inputs(seed: int = 0):
    key = jax.random.key(seed)
    ks = jax.random.split(key, 16)
    inp = {}
    inp['x'] = jax.random.normal(ks[0], (N, H), dtype=jnp.float32)
    inp['edge_index'] = jax.random.randint(ks[1], (2, E), 0, N, dtype=jnp.int32)
    inp['edge_attr'] = jax.random.normal(ks[2], (E, BD), dtype=jnp.float32)
    inp['edge_weight'] = jax.random.uniform(ks[3], (E,), dtype=jnp.float32)
    # lin_basis
    inp['Wb'] = _xavier(ks[4], (BD, H)); inp['bb'] = jnp.zeros((H,), jnp.float32)
    # mlp_edge: Linear(3H,H), ssp, Linear(H,H), ssp, Linear(H,H)
    inp['We0'] = _xavier(ks[5], (3 * H, H)); inp['be0'] = jnp.zeros((H,), jnp.float32)
    inp['We1'] = _xavier(ks[6], (H, H)); inp['be1'] = jnp.zeros((H,), jnp.float32)
    inp['We2'] = _xavier(ks[7], (H, H)); inp['be2'] = jnp.zeros((H,), jnp.float32)
    # self lin
    inp['linW'] = _xavier(ks[8], (H, H)); inp['linb'] = jnp.zeros((H,), jnp.float32)
    # center self weight
    inp['centerW'] = _xavier(ks[9], (1, H))
    # mlp_trans: Linear(H,H), BN, ssp, Linear(H,H)
    inp['Wt0'] = _xavier(ks[10], (H, H)); inp['bt0'] = jnp.zeros((H,), jnp.float32)
    inp['gamma'] = jnp.ones((H,), jnp.float32); inp['beta'] = jnp.zeros((H,), jnp.float32)
    inp['Wt1'] = _xavier(ks[11], (H, H)); inp['bt1'] = jnp.zeros((H,), jnp.float32)
    return inp


def _ssp(v):
    # shifted softplus
    return jax.nn.softplus(v) - jnp.log(2.0)


def reference(x, edge_index, edge_attr, edge_weight, Wb, bb, We0, be0, We1, be1, We2, be2, linW, linb, centerW, Wt0, bt0, gamma, beta, Wt1, bt1):
    src = edge_index[0]
    dst = edge_index[1]
    # lin_basis
    edge_emb = edge_attr @ Wb + bb
    # condition on endpoint node embeddings (gather)
    emb = jnp.concatenate([edge_emb, x[src], x[dst]], axis=1)
    # mlp_edge
    h = emb @ We0 + be0
    h = _ssp(h)
    h = h @ We1 + be1
    h = _ssp(h)
    h = h @ We2 + be2
    W = h * edge_weight[:, None]
    # self linear
    xl = x @ linW + linb
    # message + scatter-add aggregation at dst
    msg = xl[src] * W
    agg = jax.ops.segment_sum(msg, dst, num_segments=N)
    xo = agg + centerW * xl
    # mlp_trans with batchnorm (training mode: batch stats)
    t = xo @ Wt0 + bt0
    mu = jnp.mean(t, axis=0)
    var = jnp.var(t, axis=0)
    t = (t - mu) / jnp.sqrt(var + EPS) * gamma + beta
    t = _ssp(t)
    out = t @ Wt1 + bt1
    return out

if __name__ == "__main__":
    import jax
    _d = setup_inputs()
    print(jax.jit(kernel)(*tuple(_d.values())))

</pallas_src>

<mosaic_0001>
#map = affine_map<(d0, d1) -> (0, 0)>
#map1 = affine_map<(d0, d1) -> (0)>
module attributes {stable_mosaic.version = 14 : i64} {
  func.func @_sc_gather_body(%arg0: i32, %arg1: i32, %arg2: memref<10000x128xf32, #tpu.memory_space<hbm>>, %arg3: memref<10000x128xf32, #tpu.memory_space<hbm>>, %arg4: memref<320000xi32, #tpu.memory_space<hbm>>, %arg5: memref<320000xi32, #tpu.memory_space<hbm>>, %arg6: memref<320000x128xf32, #tpu.memory_space<hbm>>, %arg7: memref<80xi32, #tpu.memory_space<vmem>>, %arg8: memref<80xi32, #tpu.memory_space<vmem>>, %arg9: memref<80x128xf32, #tpu.memory_space<vmem>>, %arg10: memref<80x128xf32, #tpu.memory_space<vmem>>, %arg11: memref<!tpu.dma_semaphore, #tpu.memory_space<semaphore_mem>>, %arg12: memref<!tpu.dma_semaphore, #tpu.memory_space<semaphore_mem>>) attributes {dimension_semantics = [#tpu.dimension_semantics<core_parallel>, #tpu.dimension_semantics<subcore_parallel>], iteration_bounds = array<i64: 2, 16>, scalar_prefetch = 0 : i64, scratch_operands = 6 : i64, tpu.core_type = #tpu.core_type<sc_vector_subcore>, window_params = [{transform_indices = #map}, {transform_indices = #map}, {transform_indices = #map1}, {transform_indices = #map1}, {transform_indices = #map}]} {
    %mul3A = arith.constant 2 : i32
    %mul3A_0 = arith.muli %arg1, %mul3A : i32
    %add3A = arith.addi %mul3A_0, %arg0 : i32
    %mul3A_1 = arith.constant 10000 : i32
    %mul3A_2 = arith.muli %add3A, %mul3A_1 : i32
    %scan3A = arith.constant 0 : i32
    %scan3A_3 = arith.constant 0 : i32
    %scan3A_4 = arith.constant 125 : i32
    %scan3A_5 = arith.addi %scan3A_3, %scan3A_4 : i32
    %scan3A_6 = arith.constant 1 : i32
    scf.for %scan3A_8 = %scan3A_3 to %scan3A_5 step %scan3A_6  : i32 {
      %mul3A_9 = arith.constant 80 : i32
      %mul3A_10 = arith.muli %scan3A_8, %mul3A_9 : i32
      %add3A_11 = arith.addi %mul3A_2, %mul3A_10 : i32
      "tpu.region"() ({
        %run_scoped3A = tpu.sem_alloc : memref<!tpu.dma_semaphore, #tpu.memory_space<semaphore_mem>>
        %dma_start3A_28 = tpu.memref_slice %arg4[%add3A_11] : memref<320000xi32, #tpu.memory_space<hbm>> -> memref<80xi32, #tpu.memory_space<hbm>>
        %dma_start3A_29 = tpu.memref_slice %arg4[%add3A_11] : memref<320000xi32, #tpu.memory_space<hbm>> -> memref<80xi32, #tpu.memory_space<hbm>>
        tpu.enqueue_dma source(%dma_start3A_29 : memref<80xi32, #tpu.memory_space<hbm>>) target(%arg7 : memref<80xi32, #tpu.memory_space<vmem>>) target_semaphore(%run_scoped3A : memref<!tpu.dma_semaphore, #tpu.memory_space<semaphore_mem>>)
        %dma_wait3A_30 = tpu.memref_slice %arg4[%add3A_11] : memref<320000xi32, #tpu.memory_space<hbm>> -> memref<80xi32, #tpu.memory_space<hbm>>
        %dma_wait3A_31 = tpu.memref_slice %arg4[%add3A_11] : memref<320000xi32, #tpu.memory_space<hbm>> -> memref<80xi32, #tpu.memory_space<hbm>>
        tpu.wait_dma2 semaphore(%run_scoped3A : memref<!tpu.dma_semaphore, #tpu.memory_space<semaphore_mem>>) src(%dma_wait3A_31 : memref<80xi32, #tpu.memory_space<hbm>>) dst(%arg7 : memref<80xi32, #tpu.memory_space<vmem>>)
        tpu.yield
      }) : () -> ()
      "tpu.region"() ({
        %run_scoped3A = tpu.sem_alloc : memref<!tpu.dma_semaphore, #tpu.memory_space<semaphore_mem>>
        %dma_start3A_28 = tpu.memref_slice %arg5[%add3A_11] : memref<320000xi32, #tpu.memory_space<hbm>> -> memref<80xi32, #tpu.memory_space<hbm>>
        %dma_start3A_29 = tpu.memref_slice %arg5[%add3A_11] : memref<320000xi32, #tpu.memory_space<hbm>> -> memref<80xi32, #tpu.memory_space<hbm>>
        tpu.enqueue_dma source(%dma_start3A_29 : memref<80xi32, #tpu.memory_space<hbm>>) target(%arg8 : memref<80xi32, #tpu.memory_space<vmem>>) target_semaphore(%run_scoped3A : memref<!tpu.dma_semaphore, #tpu.memory_space<semaphore_mem>>)
        %dma_wait3A_30 = tpu.memref_slice %arg5[%add3A_11] : memref<320000xi32, #tpu.memory_space<hbm>> -> memref<80xi32, #tpu.memory_space<hbm>>
        %dma_wait3A_31 = tpu.memref_slice %arg5[%add3A_11] : memref<320000xi32, #tpu.memory_space<hbm>> -> memref<80xi32, #tpu.memory_space<hbm>>
        tpu.wait_dma2 semaphore(%run_scoped3A : memref<!tpu.dma_semaphore, #tpu.memory_space<semaphore_mem>>) src(%dma_wait3A_31 : memref<80xi32, #tpu.memory_space<hbm>>) dst(%arg8 : memref<80xi32, #tpu.memory_space<vmem>>)
        tpu.yield
      }) : () -> ()
      %dma_start3A = arith.constant 0 : i32
      %dma_start3A_12 = arith.constant 0 : i32
      %dma_start3A_13 = tpu.memref_slice %arg2[%dma_start3A, %dma_start3A_12] : memref<10000x128xf32, #tpu.memory_space<hbm>> -> memref<10000x128xf32, #tpu.memory_space<hbm>>
      tpu.enqueue_indirect_dma source(%dma_start3A_13 : memref<10000x128xf32, #tpu.memory_space<hbm>>) target(%arg9 : memref<80x128xf32, #tpu.memory_space<vmem>>) offsets(%arg7 : memref<80xi32, #tpu.memory_space<vmem>>) semaphore(%arg11 : memref<!tpu.dma_semaphore, #tpu.memory_space<semaphore_mem>>)
      %dma_start3A_14 = arith.constant 0 : i32
      %dma_start3A_15 = arith.constant 0 : i32
      %dma_start3A_16 = tpu.memref_slice %arg3[%dma_start3A_14, %dma_start3A_15] : memref<10000x128xf32, #tpu.memory_space<hbm>> -> memref<10000x128xf32, #tpu.memory_space<hbm>>
      tpu.enqueue_indirect_dma source(%dma_start3A_16 : memref<10000x128xf32, #tpu.memory_space<hbm>>) target(%arg10 : memref<80x128xf32, #tpu.memory_space<vmem>>) offsets(%arg8 : memref<80xi32, #tpu.memory_space<vmem>>) semaphore(%arg12 : memref<!tpu.dma_semaphore, #tpu.memory_space<semaphore_mem>>)
      %dma_wait3A = arith.constant 0 : i32
      %dma_wait3A_17 = arith.constant 0 : i32
      %dma_wait3A_18 = tpu.memref_slice %arg2[%dma_wait3A, %dma_wait3A_17] : memref<10000x128xf32, #tpu.memory_space<hbm>> -> memref<10000x128xf32, #tpu.memory_space<hbm>>
      tpu.wait_indirect_dma semaphore(%arg11 : memref<!tpu.dma_semaphore, #tpu.memory_space<semaphore_mem>>) src(%dma_wait3A_18 : memref<10000x128xf32, #tpu.memory_space<hbm>>) dst(%arg9 : memref<80x128xf32, #tpu.memory_space<vmem>>)
      %dma_wait3A_19 = arith.constant 0 : i32
      %dma_wait3A_20 = arith.constant 0 : i32
      %dma_wait3A_21 = tpu.memref_slice %arg3[%dma_wait3A_19, %dma_wait3A_20] : memref<10000x128xf32, #tpu.memory_space<hbm>> -> memref<10000x128xf32, #tpu.memory_space<hbm>>
      tpu.wait_indirect_dma semaphore(%arg12 : memref<!tpu.dma_semaphore, #tpu.memory_space<semaphore_mem>>) src(%dma_wait3A_21 : memref<10000x128xf32, #tpu.memory_space<hbm>>) dst(%arg10 : memref<80x128xf32, #tpu.memory_space<vmem>>)
      %scan3A_22 = arith.constant 0 : i32
      %scan3A_23 = arith.constant 0 : i32
      %scan3A_24 = arith.constant 80 : i32
      %scan3A_25 = arith.addi %scan3A_23, %scan3A_24 : i32
      %scan3A_26 = arith.constant 4 : i32
      scf.for %scan3A_28 = %scan3A_23 to %scan3A_25 step %scan3A_26  : i32 {
        %get3A = arith.index_cast %scan3A_28 : i32 to index
        %get3A_29 = arith.constant 0 : index
        %get3A_30 = tpu.vector_load %arg9[%get3A, %get3A_29] {strides = array<i32>} : memref<80x128xf32, #tpu.memory_space<vmem>>, vector<1x16xf32>,
        %get3A_31 = vector.shape_cast %get3A_30 : vector<1x16xf32> to vector<16xf32>
        %get3A_32 = arith.index_cast %scan3A_28 : i32 to index
        %get3A_33 = arith.constant 0 : index
        %get3A_34 = tpu.vector_load %arg10[%get3A_32, %get3A_33] {strides = array<i32>} : memref<80x128xf32, #tpu.memory_space<vmem>>, vector<1x16xf32>,
        %get3A_35 = vector.shape_cast %get3A_34 : vector<1x16xf32> to vector<16xf32>
        %add3A_36 = arith.addf %get3A_31, %get3A_35 : vector<16xf32>
        %swap3A = arith.index_cast %scan3A_28 : i32 to index
        %swap3A_37 = arith.constant 0 : index
        %swap3A_38 = tpu.vector_load %arg9[%swap3A, %swap3A_37] {strides = array<i32>} : memref<80x128xf32, #tpu.memory_space<vmem>>, vector<1x16xf32>,
        %swap3A_39 = vector.shape_cast %swap3A_38 : vector<1x16xf32> to vector<16xf32>
        %swap3A_40 = vector.shape_cast %add3A_36 : vector<16xf32> to vector<1x16xf32>
        tpu.vector_store %arg9[%swap3A, %swap3A_37], %swap3A_40 {strides = array<i32>} : memref<80x128xf32, #tpu.memory_space<vmem>>, vector<1x16xf32>,
        %get3A_41 = arith.index_cast %scan3A_28 : i32 to index
        %get3A_42 = arith.constant 16 : index
        %get3A_43 = tpu.vector_load %arg9[%get3A_41, %get3A_42] {strides = array<i32>} : memref<80x128xf32, #tpu.memory_space<vmem>>, vector<1x16xf32>,
        %get3A_44 = vector.shape_cast %get3A_43 : vector<1x16xf32> to vector<16xf32>
        %get3A_45 = arith.index_cast %scan3A_28 : i32 to index
        %get3A_46 = arith.constant 16 : index
        %get3A_47 = tpu.vector_load %arg10[%get3A_45, %get3A_46] {strides = array<i32>} : memref<80x128xf32, #tpu.memory_space<vmem>>, vector<1x16xf32>,
        %get3A_48 = vector.shape_cast %get3A_47 : vector<1x16xf32> to vector<16xf32>
        %add3A_49 = arith.addf %get3A_44, %get3A_48 : vector<16xf32>
        %swap3A_50 = arith.index_cast %scan3A_28 : i32 to index
        %swap3A_51 = arith.constant 16 : index
        %swap3A_52 = tpu.vector_load %arg9[%swap3A_50, %swap3A_51] {strides = array<i32>} : memref<80x128xf32, #tpu.memory_space<vmem>>, vector<1x16xf32>,
        %swap3A_53 = vector.shape_cast %swap3A_52 : vector<1x16xf32> to vector<16xf32>
        %swap3A_54 = vector.shape_cast %add3A_49 : vector<16xf32> to vector<1x16xf32>
        tpu.vector_store %arg9[%swap3A_50, %swap3A_51], %swap3A_54 {strides = array<i32>} : memref<80x128xf32, #tpu.memory_space<vmem>>, vector<1x16xf32>,
        %get3A_55 = arith.index_cast %scan3A_28 : i32 to index
        %get3A_56 = arith.constant 32 : index
        %get3A_57 = tpu.vector_load %arg9[%get3A_55, %get3A_56] {strides = array<i32>} : memref<80x128xf32, #tpu.memory_space<vmem>>, vector<1x16xf32>,
        %get3A_58 = vector.shape_cast %get3A_57 : vector<1x16xf32> to vector<16xf32>
        %get3A_59 = arith.index_cast %scan3A_28 : i32 to index
        %get3A_60 = arith.constant 32 : index
        %get3A_61 = tpu.vector_load %arg10[%get3A_59, %get3A_60] {strides = array<i32>} : memref<80x128xf32, #tpu.memory_space<vmem>>, vector<1x16xf32>,
        %get3A_62 = vector.shape_cast %get3A_61 : vector<1x16xf32> to vector<16xf32>
        %add3A_63 = arith.addf %get3A_58, %get3A_62 : vector<16xf32>
        %swap3A_64 = arith.index_cast %scan3A_28 : i32 to index
        %swap3A_65 = arith.constant 32 : index
        %swap3A_66 = tpu.vector_load %arg9[%swap3A_64, %swap3A_65] {strides = array<i32>} : memref<80x128xf32, #tpu.memory_space<vmem>>, vector<1x16xf32>,
        %swap3A_67 = vector.shape_cast %swap3A_66 : vector<1x16xf32> to vector<16xf32>
        %swap3A_68 = vector.shape_cast %add3A_63 : vector<16xf32> to vector<1x16xf32>
        tpu.vector_store %arg9[%swap3A_64, %swap3A_65], %swap3A_68 {strides = array<i32>} : memref<80x128xf32, #tpu.memory_space<vmem>>, vector<1x16xf32>,
        %get3A_69 = arith.index_cast %scan3A_28 : i32 to index
        %get3A_70 = arith.constant 48 : index
        %get3A_71 = tpu.vector_load %arg9[%get3A_69, %get3A_70] {strides = array<i32>} : memref<80x128xf32, #tpu.memory_space<vmem>>, vector<1x16xf32>,
        %get3A_72 = vector.shape_cast %get3A_71 : vector<1x16xf32> to vector<16xf32>
        %get3A_73 = arith.index_cast %scan3A_28 : i32 to index
        %get3A_74 = arith.constant 48 : index
        %get3A_75 = tpu.vector_load %arg10[%get3A_73, %get3A_74] {strides = array<i32>} : memref<80x128xf32, #tpu.memory_space<vmem>>, vector<1x16xf32>,
        %get3A_76 = vector.shape_cast %get3A_75 : vector<1x16xf32> to vector<16xf32>
        %add3A_77 = arith.addf %get3A_72, %get3A_76 : vector<16xf32>
        %swap3A_78 = arith.index_cast %scan3A_28 : i32 to index
        %swap3A_79 = arith.constant 48 : index
        %swap3A_80 = tpu.vector_load %arg9[%swap3A_78, %swap3A_79] {strides = array<i32>} : memref<80x128xf32, #tpu.memory_space<vmem>>, vector<1x16xf32>,
        %swap3A_81 = vector.shape_cast %swap3A_80 : vector<1x16xf32> to vector<16xf32>
        %swap3A_82 = vector.shape_cast %add3A_77 : vector<16xf32> to vector<1x16xf32>
        tpu.vector_store %arg9[%swap3A_78, %swap3A_79], %swap3A_82 {strides = array<i32>} : memref<80x128xf32, #tpu.memory_space<vmem>>, vector<1x16xf32>,
        %get3A_83 = arith.index_cast %scan3A_28 : i32 to index
        %get3A_84 = arith.constant 64 : index
        %get3A_85 = tpu.vector_load %arg9[%get3A_83, %get3A_84] {strides = array<i32>} : memref<80x128xf32, #tpu.memory_space<vmem>>, vector<1x16xf32>,
        %get3A_86 = vector.shape_cast %get3A_85 : vector<1x16xf32> to vector<16xf32>
        %get3A_87 = arith.index_cast %scan3A_28 : i32 to index
        %get3A_88 = arith.constant 64 : index
        %get3A_89 = tpu.vector_load %arg10[%get3A_87, %get3A_88] {strides = array<i32>} : memref<80x128xf32, #tpu.memory_space<vmem>>, vector<1x16xf32>,
        %get3A_90 = vector.shape_cast %get3A_89 : vector<1x16xf32> to vector<16xf32>
        %add3A_91 = arith.addf %get3A_86, %get3A_90 : vector<16xf32>
        %swap3A_92 = arith.index_cast %scan3A_28 : i32 to index
        %swap3A_93 = arith.constant 64 : index
        %swap3A_94 = tpu.vector_load %arg9[%swap3A_92, %swap3A_93] {strides = array<i32>} : memref<80x128xf32, #tpu.memory_space<vmem>>, vector<1x16xf32>,
        %swap3A_95 = vector.shape_cast %swap3A_94 : vector<1x16xf32> to vector<16xf32>
        %swap3A_96 = vector.shape_cast %add3A_91 : vector<16xf32> to vector<1x16xf32>
        tpu.vector_store %arg9[%swap3A_92, %swap3A_93], %swap3A_96 {strides = array<i32>} : memref<80x128xf32, #tpu.memory_space<vmem>>, vector<1x16xf32>,
        %get3A_97 = arith.index_cast %scan3A_28 : i32 to index
        %get3A_98 = arith.constant 80 : index
        %get3A_99 = tpu.vector_load %arg9[%get3A_97, %get3A_98] {strides = array<i32>} : memref<80x128xf32, #tpu.memory_space<vmem>>, vector<1x16xf32>,
        %get3A_100 = vector.shape_cast %get3A_99 : vector<1x16xf32> to vector<16xf32>
        %get3A_101 = arith.index_cast %scan3A_28 : i32 to index
        %get3A_102 = arith.constant 80 : index
        %get3A_103 = tpu.vector_load %arg10[%get3A_101, %get3A_102] {strides = array<i32>} : memref<80x128xf32, #tpu.memory_space<vmem>>, vector<1x16xf32>,
        %get3A_104 = vector.shape_cast %get3A_103 : vector<1x16xf32> to vector<16xf32>
        %add3A_105 = arith.addf %get3A_100, %get3A_104 : vector<16xf32>
        %swap3A_106 = arith.index_cast %scan3A_28 : i32 to index
        %swap3A_107 = arith.constant 80 : index
        %swap3A_108 = tpu.vector_load %arg9[%swap3A_106, %swap3A_107] {strides = array<i32>} : memref<80x128xf32, #tpu.memory_space<vmem>>, vector<1x16xf32>,
        %swap3A_109 = vector.shape_cast %swap3A_108 : vector<1x16xf32> to vector<16xf32>
        %swap3A_110 = vector.shape_cast %add3A_105 : vector<16xf32> to vector<1x16xf32>
        tpu.vector_store %arg9[%swap3A_106, %swap3A_107], %swap3A_110 {strides = array<i32>} : memref<80x128xf32, #tpu.memory_space<vmem>>, vector<1x16xf32>,
        %get3A_111 = arith.index_cast %scan3A_28 : i32 to index
        %get3A_112 = arith.constant 96 : index
        %get3A_113 = tpu.vector_load %arg9[%get3A_111, %get3A_112] {strides = array<i32>} : memref<80x128xf32, #tpu.memory_space<vmem>>, vector<1x16xf32>,
        %get3A_114 = vector.shape_cast %get3A_113 : vector<1x16xf32> to vector<16xf32>
        %get3A_115 = arith.index_cast %scan3A_28 : i32 to index
        %get3A_116 = arith.constant 96 : index
        %get3A_117 = tpu.vector_load %arg10[%get3A_115, %get3A_116] {strides = array<i32>} : memref<80x128xf32, #tpu.memory_space<vmem>>, vector<1x16xf32>,
        %get3A_118 = vector.shape_cast %get3A_117 : vector<1x16xf32> to vector<16xf32>
        %add3A_119 = arith.addf %get3A_114, %get3A_118 : vector<16xf32>
        %swap3A_120 = arith.index_cast %scan3A_28 : i32 to index
        %swap3A_121 = arith.constant 96 : index
        %swap3A_122 = tpu.vector_load %arg9[%swap3A_120, %swap3A_121] {strides = array<i32>} : memref<80x128xf32, #tpu.memory_space<vmem>>, vector<1x16xf32>,
        %swap3A_123 = vector.shape_cast %swap3A_122 : vector<1x16xf32> to vector<16xf32>
        %swap3A_124 = vector.shape_cast %add3A_119 : vector<16xf32> to vector<1x16xf32>
        tpu.vector_store %arg9[%swap3A_120, %swap3A_121], %swap3A_124 {strides = array<i32>} : memref<80x128xf32, #tpu.memory_space<vmem>>, vector<1x16xf32>,
        %get3A_125 = arith.index_cast %scan3A_28 : i32 to index
        %get3A_126 = arith.constant 112 : index
        %get3A_127 = tpu.vector_load %arg9[%get3A_125, %get3A_126] {strides = array<i32>} : memref<80x128xf32, #tpu.memory_space<vmem>>, vector<1x16xf32>,
        %get3A_128 = vector.shape_cast %get3A_127 : vector<1x16xf32> to vector<16xf32>
        %get3A_129 = arith.index_cast %scan3A_28 : i32 to index
        %get3A_130 = arith.constant 112 : index
        %get3A_131 = tpu.vector_load %arg10[%get3A_129, %get3A_130] {strides = array<i32>} : memref<80x128xf32, #tpu.memory_space<vmem>>, vector<1x16xf32>,
        %get3A_132 = vector.shape_cast %get3A_131 : vector<1x16xf32> to vector<16xf32>
        %add3A_133 = arith.addf %get3A_128, %get3A_132 : vector<16xf32>
        %swap3A_134 = arith.index_cast %scan3A_28 : i32 to index
        %swap3A_135 = arith.constant 112 : index
        %swap3A_136 = tpu.vector_load %arg9[%swap3A_134, %swap3A_135] {strides = array<i32>} : memref<80x128xf32, #tpu.memory_space<vmem>>, vector<1x16xf32>,
        %swap3A_137 = vector.shape_cast %swap3A_136 : vector<1x16xf32> to vector<16xf32>
        %swap3A_138 = vector.shape_cast %add3A_133 : vector<16xf32> to vector<1x16xf32>
        tpu.vector_store %arg9[%swap3A_134, %swap3A_135], %swap3A_138 {strides = array<i32>} : memref<80x128xf32, #tpu.memory_space<vmem>>, vector<1x16xf32>,
        %scan3A_139 = arith.constant 1 : i32
        %scan3A_140 = arith.addi %scan3A_28, %scan3A_139 : i32
        %get3A_141 = arith.index_cast %scan3A_140 : i32 to index
        %get3A_142 = arith.constant 0 : index
        %get3A_143 = tpu.vector_load %arg9[%get3A_141, %get3A_142] {strides = array<i32>} : memref<80x128xf32, #tpu.memory_space<vmem>>, vector<1x16xf32>,
        %get3A_144 = vector.shape_cast %get3A_143 : vector<1x16xf32> to vector<16xf32>
        %get3A_145 = arith.index_cast %scan3A_140 : i32 to index
        %get3A_146 = arith.constant 0 : index
        %get3A_147 = tpu.vector_load %arg10[%get3A_145, %get3A_146] {strides = array<i32>} : memref<80x128xf32, #tpu.memory_space<vmem>>, vector<1x16xf32>,
        %get3A_148 = vector.shape_cast %get3A_147 : vector<1x16xf32> to vector<16xf32>
        %add3A_149 = arith.addf %get3A_144, %get3A_148 : vector<16xf32>
        %swap3A_150 = arith.index_cast %scan3A_140 : i32 to index
        %swap3A_151 = arith.constant 0 : index
        %swap3A_152 = tpu.vector_load %arg9[%swap3A_150, %swap3A_151] {strides = array<i32>} : memref<80x128xf32, #tpu.memory_space<vmem>>, vector<1x16xf32>,
        %swap3A_153 = vector.shape_cast %swap3A_152 : vector<1x16xf32> to vector<16xf32>
        %swap3A_154 = vector.shape_cast %add3A_149 : vector<16xf32> to vector<1x16xf32>
        tpu.vector_store %arg9[%swap3A_150, %swap3A_151], %swap3A_154 {strides = array<i32>} : memref<80x128xf32, #tpu.memory_space<vmem>>, vector<1x16xf32>,
        %get3A_155 = arith.index_cast %scan3A_140 : i32 to index
        %get3A_156 = arith.constant 16 : index
        %get3A_157 = tpu.vector_load %arg9[%get3A_155, %get3A_156] {strides = array<i32>} : memref<80x128xf32, #tpu.memory_space<vmem>>, vector<1x16xf32>,
        %get3A_158 = vector.shape_cast %get3A_157 : vector<1x16xf32> to vector<16xf32>
        %get3A_159 = arith.index_cast %scan3A_140 : i32 to index
        %get3A_160 = arith.constant 16 : index
        %get3A_161 = tpu.vector_load %arg10[%get3A_159, %get3A_160] {strides = array<i32>} : memref<80x128xf32, #tpu.memory_space<vmem>>, vector<1x16xf32>,
        %get3A_162 = vector.shape_cast %get3A_161 : vector<1x16xf32> to vector<16xf32>
        %add3A_163 = arith.addf %get3A_158, %get3A_162 : vector<16xf32>
        %swap3A_164 = arith.index_cast %scan3A_140 : i32 to index
        %swap3A_165 = arith.constant 16 : index
        %swap3A_166 = tpu.vector_load %arg9[%swap3A_164, %swap3A_165] {strides = array<i32>} : memref<80x128xf32, #tpu.memory_space<vmem>>, vector<1x16xf32>,
        %swap3A_167 = vector.shape_cast %swap3A_166 : vector<1x16xf32> to vector<16xf32>
        %swap3A_168 = vector.shape_cast %add3A_163 : vector<16xf32> to vector<1x16xf32>
        tpu.vector_store %arg9[%swap3A_164, %swap3A_165], %swap3A_168 {strides = array<i32>} : memref<80x128xf32, #tpu.memory_space<vmem>>, vector<1x16xf32>,
        %get3A_169 = arith.index_cast %scan3A_140 : i32 to index
        %get3A_170 = arith.constant 32 : index
        %get3A_171 = tpu.vector_load %arg9[%get3A_169, %get3A_170] {strides = array<i32>} : memref<80x128xf32, #tpu.memory_space<vmem>>, vector<1x16xf32>,
        %get3A_172 = vector.shape_cast %get3A_171 : vector<1x16xf32> to vector<16xf32>
        %get3A_173 = arith.index_cast %scan3A_140 : i32 to index
        %get3A_174 = arith.constant 32 : index
        %get3A_175 = tpu.vector_load %arg10[%get3A_173, %get3A_174] {strides = array<i32>} : memref<80x128xf32, #tpu.memory_space<vmem>>, vector<1x16xf32>,
        %get3A_176 = vector.shape_cast %get3A_175 : vector<1x16xf32> to vector<16xf32>
        %add3A_177 = arith.addf %get3A_172, %get3A_176 : vector<16xf32>
        %swap3A_178 = arith.index_cast %scan3A_140 : i32 to index
        %swap3A_179 = arith.constant 32 : index
        %swap3A_180 = tpu.vector_load %arg9[%swap3A_178, %swap3A_179] {strides = array<i32>} : memref<80x128xf32, #tpu.memory_space<vmem>>, vector<1x16xf32>,
        %swap3A_181 = vector.shape_cast %swap3A_180 : vector<1x16xf32> to vector<16xf32>
        %swap3A_182 = vector.shape_cast %add3A_177 : vector<16xf32> to vector<1x16xf32>
        tpu.vector_store %arg9[%swap3A_178, %swap3A_179], %swap3A_182 {strides = array<i32>} : memref<80x128xf32, #tpu.memory_space<vmem>>, vector<1x16xf32>,
        %get3A_183 = arith.index_cast %scan3A_140 : i32 to index
        %get3A_184 = arith.constant 48 : index
        %get3A_185 = tpu.vector_load %arg9[%get3A_183, %get3A_184] {strides = array<i32>} : memref<80x128xf32, #tpu.memory_space<vmem>>, vector<1x16xf32>,
        %get3A_186 = vector.shape_cast %get3A_185 : vector<1x16xf32> to vector<16xf32>
        %get3A_187 = arith.index_cast %scan3A_140 : i32 to index
        %get3A_188 = arith.constant 48 : index
        %get3A_189 = tpu.vector_load %arg10[%get3A_187, %get3A_188] {strides = array<i32>} : memref<80x128xf32, #tpu.memory_space<vmem>>, vector<1x16xf32>,
        %get3A_190 = vector.shape_cast %get3A_189 : vector<1x16xf32> to vector<16xf32>
        %add3A_191 = arith.addf %get3A_186, %get3A_190 : vector<16xf32>
        %swap3A_192 = arith.index_cast %scan3A_140 : i32 to index
        %swap3A_193 = arith.constant 48 : index
        %swap3A_194 = tpu.vector_load %arg9[%swap3A_192, %swap3A_193] {strides = array<i32>} : memref<80x128xf32, #tpu.memory_space<vmem>>, vector<1x16xf32>,
        %swap3A_195 = vector.shape_cast %swap3A_194 : vector<1x16xf32> to vector<16xf32>
        %swap3A_196 = vector.shape_cast %add3A_191 : vector<16xf32> to vector<1x16xf32>
        tpu.vector_store %arg9[%swap3A_192, %swap3A_193], %swap3A_196 {strides = array<i32>} : memref<80x128xf32, #tpu.memory_space<vmem>>, vector<1x16xf32>,
        %get3A_197 = arith.index_cast %scan3A_140 : i32 to index
        %get3A_198 = arith.constant 64 : index
        %get3A_199 = tpu.vector_load %arg9[%get3A_197, %get3A_198] {strides = array<i32>} : memref<80x128xf32, #tpu.memory_space<vmem>>, vector<1x16xf32>,
        %get3A_200 = vector.shape_cast %get3A_199 : vector<1x16xf32> to vector<16xf32>
        %get3A_201 = arith.index_cast %scan3A_140 : i32 to index
        %get3A_202 = arith.constant 64 : index
        %get3A_203 = tpu.vector_load %arg10[%get3A_201, %get3A_202] {strides = array<i32>} : memref<80x128xf32, #tpu.memory_space<vmem>>, vector<1x16xf32>,
        %get3A_204 = vector.shape_cast %get3A_203 : vector<1x16xf32> to vector<16xf32>
        %add3A_205 = arith.addf %get3A_200, %get3A_204 : vector<16xf32>
        %swap3A_206 = arith.index_cast %scan3A_140 : i32 to index
        %swap3A_207 = arith.constant 64 : index
        %swap3A_208 = tpu.vector_load %arg9[%swap3A_206, %swap3A_207] {strides = array<i32>} : memref<80x128xf32, #tpu.memory_space<vmem>>, vector<1x16xf32>,
        %swap3A_209 = vector.shape_cast %swap3A_208 : vector<1x16xf32> to vector<16xf32>
        %swap3A_210 = vector.shape_cast %add3A_205 : vector<16xf32> to vector<1x16xf32>
        tpu.vector_store %arg9[%swap3A_206, %swap3A_207], %swap3A_210 {strides = array<i32>} : memref<80x128xf32, #tpu.memory_space<vmem>>, vector<1x16xf32>,
        %get3A_211 = arith.index_cast %scan3A_140 : i32 to index
        %get3A_212 = arith.constant 80 : index
        %get3A_213 = tpu.vector_load %arg9[%get3A_211, %get3A_212] {strides = array<i32>} : memref<80x128xf32, #tpu.memory_space<vmem>>, vector<1x16xf32>,
        %get3A_214 = vector.shape_cast %get3A_213 : vector<1x16xf32> to vector<16xf32>
        %get3A_215 = arith.index_cast %scan3A_140 : i32 to index
        %get3A_216 = arith.constant 80 : index
        %get3A_217 = tpu.vector_load %arg10[%get3A_215, %get3A_216] {strides = array<i32>} : memref<80x128xf32, #tpu.memory_space<vmem>>, vector<1x16xf32>,
        %get3A_218 = vector.shape_cast %get3A_217 : vector<1x16xf32> to vector<16xf32>
        %add3A_219 = arith.addf %get3A_214, %get3A_218 : vector<16xf32>
        %swap3A_220 = arith.index_cast %scan3A_140 : i32 to index
        %swap3A_221 = arith.constant 80 : index
        %swap3A_222 = tpu.vector_load %arg9[%swap3A_220, %swap3A_221] {strides = array<i32>} : memref<80x128xf32, #tpu.memory_space<vmem>>, vector<1x16xf32>,
        %swap3A_223 = vector.shape_cast %swap3A_222 : vector<1x16xf32> to vector<16xf32>
        %swap3A_224 = vector.shape_cast %add3A_219 : vector<16xf32> to vector<1x16xf32>
        tpu.vector_store %arg9[%swap3A_220, %swap3A_221], %swap3A_224 {strides = array<i32>} : memref<80x128xf32, #tpu.memory_space<vmem>>, vector<1x16xf32>,
        %get3A_225 = arith.index_cast %scan3A_140 : i32 to index
        %get3A_226 = arith.constant 96 : index
        %get3A_227 = tpu.vector_load %arg9[%get3A_225, %get3A_226] {strides = array<i32>} : memref<80x128xf32, #tpu.memory_space<vmem>>, vector<1x16xf32>,
        %get3A_228 = vector.shape_cast %get3A_227 : vector<1x16xf32> to vector<16xf32>
        %get3A_229 = arith.index_cast %scan3A_140 : i32 to index
        %get3A_230 = arith.constant 96 : index
        %get3A_231 = tpu.vector_load %arg10[%get3A_229, %get3A_230] {strides = array<i32>} : memref<80x128xf32, #tpu.memory_space<vmem>>, vector<1x16xf32>,
        %get3A_232 = vector.shape_cast %get3A_231 : vector<1x16xf32> to vector<16xf32>
        %add3A_233 = arith.addf %get3A_228, %get3A_232 : vector<16xf32>
        %swap3A_234 = arith.index_cast %scan3A_140 : i32 to index
        %swap3A_235 = arith.constant 96 : index
        %swap3A_236 = tpu.vector_load %arg9[%swap3A_234, %swap3A_235] {strides = array<i32>} : memref<80x128xf32, #tpu.memory_space<vmem>>, vector<1x16xf32>,
        %swap3A_237 = vector.shape_cast %swap3A_236 : vector<1x16xf32> to vector<16xf32>
        %swap3A_238 = vector.shape_cast %add3A_233 : vector<16xf32> to vector<1x16xf32>
        tpu.vector_store %arg9[%swap3A_234, %swap3A_235], %swap3A_238 {strides = array<i32>} : memref<80x128xf32, #tpu.memory_space<vmem>>, vector<1x16xf32>,
        %get3A_239 = arith.index_cast %scan3A_140 : i32 to index
        %get3A_240 = arith.constant 112 : index
        %get3A_241 = tpu.vector_load %arg9[%get3A_239, %get3A_240] {strides = array<i32>} : memref<80x128xf32, #tpu.memory_space<vmem>>, vector<1x16xf32>,
        %get3A_242 = vector.shape_cast %get3A_241 : vector<1x16xf32> to vector<16xf32>
        %get3A_243 = arith.index_cast %scan3A_140 : i32 to index
        %get3A_244 = arith.constant 112 : index
        %get3A_245 = tpu.vector_load %arg10[%get3A_243, %get3A_244] {strides = array<i32>} : memref<80x128xf32, #tpu.memory_space<vmem>>, vector<1x16xf32>,
        %get3A_246 = vector.shape_cast %get3A_245 : vector<1x16xf32> to vector<16xf32>
        %add3A_247 = arith.addf %get3A_242, %get3A_246 : vector<16xf32>
        %swap3A_248 = arith.index_cast %scan3A_140 : i32 to index
        %swap3A_249 = arith.constant 112 : index
        %swap3A_250 = tpu.vector_load %arg9[%swap3A_248, %swap3A_249] {strides = array<i32>} : memref<80x128xf32, #tpu.memory_space<vmem>>, vector<1x16xf32>,
        %swap3A_251 = vector.shape_cast %swap3A_250 : vector<1x16xf32> to vector<16xf32>
        %swap3A_252 = vector.shape_cast %add3A_247 : vector<16xf32> to vector<1x16xf32>
        tpu.vector_store %arg9[%swap3A_248, %swap3A_249], %swap3A_252 {strides = array<i32>} : memref<80x128xf32, #tpu.memory_space<vmem>>, vector<1x16xf32>,
        %scan3A_253 = arith.constant 2 : i32
        %scan3A_254 = arith.addi %scan3A_28, %scan3A_253 : i32
        %get3A_255 = arith.index_cast %scan3A_254 : i32 to index
        %get3A_256 = arith.constant 0 : index
        %get3A_257 = tpu.vector_load %arg9[%get3A_255, %get3A_256] {strides = array<i32>} : memref<80x128xf32, #tpu.memory_space<vmem>>, vector<1x16xf32>,
        %get3A_258 = vector.shape_cast %get3A_257 : vector<1x16xf32> to vector<16xf32>
        %get3A_259 = arith.index_cast %scan3A_254 : i32 to index
        %get3A_260 = arith.constant 0 : index
        %get3A_261 = tpu.vector_load %arg10[%get3A_259, %get3A_260] {strides = array<i32>} : memref<80x128xf32, #tpu.memory_space<vmem>>, vector<1x16xf32>,
        %get3A_262 = vector.shape_cast %get3A_261 : vector<1x16xf32> to vector<16xf32>
        %add3A_263 = arith.addf %get3A_258, %get3A_262 : vector<16xf32>
        %swap3A_264 = arith.index_cast %scan3A_254 : i32 to index
        %swap3A_265 = arith.constant 0 : index
        %swap3A_266 = tpu.vector_load %arg9[%swap3A_264, %swap3A_265] {strides = array<i32>} : memref<80x128xf32, #tpu.memory_space<vmem>>, vector<1x16xf32>,
        %swap3A_267 = vector.shape_cast %swap3A_266 : vector<1x16xf32> to vector<16xf32>
        %swap3A_268 = vector.shape_cast %add3A_263 : vector<16xf32> to vector<1x16xf32>
        tpu.vector_store %arg9[%swap3A_264, %swap3A_265], %swap3A_268 {strides = array<i32>} : memref<80x128xf32, #tpu.memory_space<vmem>>, vector<1x16xf32>,
        %get3A_269 = arith.index_cast %scan3A_254 : i32 to index
        %get3A_270 = arith.constant 16 : index
        %get3A_271 = tpu.vector_load %arg9[%get3A_269, %get3A_270] {strides = array<i32>} : memref<80x128xf32, #tpu.memory_space<vmem>>, vector<1x16xf32>,
        %get3A_272 = vector.shape_cast %get3A_271 : vector<1x16xf32> to vector<16xf32>
        %get3A_273 = arith.index_cast %scan3A_254 : i32 to index
        %get3A_274 = arith.constant 16 : index
        %get3A_275 = tpu.vector_load %arg10[%get3A_273, %get3A_274] {strides = array<i32>} : memref<80x128xf32, #tpu.memory_space<vmem>>, vector<1x16xf32>,
        %get3A_276 = vector.shape_cast %get3A_275 : vector<1x16xf32> to vector<16xf32>
        %add3A_277 = arith.addf %get3A_272, %get3A_276 : vector<16xf32>
        %swap3A_278 = arith.index_cast %scan3A_254 : i32 to index
        %swap3A_279 = arith.constant 16 : index
        %swap3A_280 = tpu.vector_load %arg9[%swap3A_278, %swap3A_279] {strides = array<i32>} : memref<80x128xf32, #tpu.memory_space<vmem>>, vector<1x16xf32>,
        %swap3A_281 = vector.shape_cast %swap3A_280 : vector<1x16xf32> to vector<16xf32>
        %swap3A_282 = vector.shape_cast %add3A_277 : vector<16xf32> to vector<1x16xf32>
        tpu.vector_store %arg9[%swap3A_278, %swap3A_279], %swap3A_282 {strides = array<i32>} : memref<80x128xf32, #tpu.memory_space<vmem>>, vector<1x16xf32>,
        %get3A_283 = arith.index_cast %scan3A_254 : i32 to index
        %get3A_284 = arith.constant 32 : index
        %get3A_285 = tpu.vector_load %arg9[%get3A_283, %get3A_284] {strides = array<i32>} : memref<80x128xf32, #tpu.memory_space<vmem>>, vector<1x16xf32>,
        %get3A_286 = vector.shape_cast %get3A_285 : vector<1x16xf32> to vector<16xf32>
        %get3A_287 = arith.index_cast %scan3A_254 : i32 to index
        %get3A_288 = arith.constant 32 : index
        %get3A_289 = tpu.vector_load %arg10[%get3A_287, %get3A_288] {strides = array<i32>} : memref<80x128xf32, #tpu.memory_space<vmem>>, vector<1x16xf32>,
        %get3A_290 = vector.shape_cast %get3A_289 : vector<1x16xf32> to vector<16xf32>
        %add3A_291 = arith.addf %get3A_286, %get3A_290 : vector<16xf32>
        %swap3A_292 = arith.index_cast %scan3A_254 : i32 to index
        %swap3A_293 = arith.constant 32 : index
        %swap3A_294 = tpu.vector_load %arg9[%swap3A_292, %swap3A_293] {strides = array<i32>} : memref<80x128xf32, #tpu.memory_space<vmem>>, vector<1x16xf32>,
        %swap3A_295 = vector.shape_cast %swap3A_294 : vector<1x16xf32> to vector<16xf32>
        %swap3A_296 = vector.shape_cast %add3A_291 : vector<16xf32> to vector<1x16xf32>
        tpu.vector_store %arg9[%swap3A_292, %swap3A_293], %swap3A_296 {strides = array<i32>} : memref<80x128xf32, #tpu.memory_space<vmem>>, vector<1x16xf32>,
        %get3A_297 = arith.index_cast %scan3A_254 : i32 to index
        %get3A_298 = arith.constant 48 : index
        %get3A_299 = tpu.vector_load %arg9[%get3A_297, %get3A_298] {strides = array<i32>} : memref<80x128xf32, #tpu.memory_space<vmem>>, vector<1x16xf32>,
        %get3A_300 = vector.shape_cast %get3A_299 : vector<1x16xf32> to vector<16xf32>
        %get3A_301 = arith.index_cast %scan3A_254 : i32 to index
        %get3A_302 = arith.constant 48 : index
        %get3A_303 = tpu.vector_load %arg10[%get3A_301, %get3A_302] {strides = array<i32>} : memref<80x128xf32, #tpu.memory_space<vmem>>, vector<1x16xf32>,
        %get3A_304 = vector.shape_cast %get3A_303 : vector<1x16xf32> to vector<16xf32>
        %add3A_305 = arith.addf %get3A_300, %get3A_304 : vector<16xf32>
        %swap3A_306 = arith.index_cast %scan3A_254 : i32 to index
        %swap3A_307 = arith.constant 48 : index
        %swap3A_308 = tpu.vector_load %arg9[%swap3A_306, %swap3A_307] {strides = array<i32>} : memref<80x128xf32, #tpu.memory_space<vmem>>, vector<1x16xf32>,
        %swap3A_309 = vector.shape_cast %swap3A_308 : vector<1x16xf32> to vector<16xf32>
        %swap3A_310 = vector.shape_cast %add3A_305 : vector<16xf32> to vector<1x16xf32>
        tpu.vector_store %arg9[%swap3A_306, %swap3A_307], %swap3A_310 {strides = array<i32>} : memref<80x128xf32, #tpu.memory_space<vmem>>, vector<1x16xf32>,
        %get3A_311 = arith.index_cast %scan3A_254 : i32 to index
        %get3A_312 = arith.constant 64 : index
        %get3A_313 = tpu.vector_load %arg9[%get3A_311, %get3A_312] {strides = array<i32>} : memref<80x128xf32, #tpu.memory_space<vmem>>, vector<1x16xf32>,
        %get3A_314 = vector.shape_cast %get3A_313 : vector<1x16xf32> to vector<16xf32>
        %get3A_315 = arith.index_cast %scan3A_254 : i32 to index
        %get3A_316 = arith.constant 64 : index
        %get3A_317 = tpu.vector_load %arg10[%get3A_315, %get3A_316] {strides = array<i32>} : memref<80x128xf32, #tpu.memory_space<vmem>>, vector<1x16xf32>,
        %get3A_318 = vector.shape_cast %get3A_317 : vector<1x16xf32> to vector<16xf32>
        %add3A_319 = arith.addf %get3A_314, %get3A_318 : vector<16xf32>
        %swap3A_320 = arith.index_cast %scan3A_254 : i32 to index
        %swap3A_321 = arith.constant 64 : index
        %swap3A_322 = tpu.vector_load %arg9[%swap3A_320, %swap3A_321] {strides = array<i32>} : memref<80x128xf32, #tpu.memory_space<vmem>>, vector<1x16xf32>,
        %swap3A_323 = vector.shape_cast %swap3A_322 : vector<1x16xf32> to vector<16xf32>
        %swap3A_324 = vector.shape_cast %add3A_319 : vector<16xf32> to vector<1x16xf32>
        tpu.vector_store %arg9[%swap3A_320, %swap3A_321], %swap3A_324 {strides = array<i32>} : memref<80x128xf32, #tpu.memory_space<vmem>>, vector<1x16xf32>,
        %get3A_325 = arith.index_cast %scan3A_254 : i32 to index
        %get3A_326 = arith.constant 80 : index
        %get3A_327 = tpu.vector_load %arg9[%get3A_325, %get3A_326] {strides = array<i32>} : memref<80x128xf32, #tpu.memory_space<vmem>>, vector<1x16xf32>,
        %get3A_328 = vector.shape_cast %get3A_327 : vector<1x16xf32> to vector<16xf32>
        %get3A_329 = arith.index_cast %scan3A_254 : i32 to index
        %get3A_330 = arith.constant 80 : index
        %get3A_331 = tpu.vector_load %arg10[%get3A_329, %get3A_330] {strides = array<i32>} : memref<80x128xf32, #tpu.memory_space<vmem>>, vector<1x16xf32>,
        %get3A_332 = vector.shape_cast %get3A_331 : vector<1x16xf32> to vector<16xf32>
        %add3A_333 = arith.addf %get3A_328, %get3A_332 : vector<16xf32>
        %swap3A_334 = arith.index_cast %scan3A_254 : i32 to index
        %swap3A_335 = arith.constant 80 : index
        %swap3A_336 = tpu.vector_load %arg9[%swap3A_334, %swap3A_335] {strides = array<i32>} : memref<80x128xf32, #tpu.memory_space<vmem>>, vector<1x16xf32>,
        %swap3A_337 = vector.shape_cast %swap3A_336 : vector<1x16xf32> to vector<16xf32>
        %swap3A_338 = vector.shape_cast %add3A_333 : vector<16xf32> to vector<1x16xf32>
        tpu.vector_store %arg9[%swap3A_334, %swap3A_335], %swap3A_338 {strides = array<i32>} : memref<80x128xf32, #tpu.memory_space<vmem>>, vector<1x16xf32>,
        %get3A_339 = arith.index_cast %scan3A_254 : i32 to index
        %get3A_340 = arith.constant 96 : index
        %get3A_341 = tpu.vector_load %arg9[%get3A_339, %get3A_340] {strides = array<i32>} : memref<80x128xf32, #tpu.memory_space<vmem>>, vector<1x16xf32>,
        %get3A_342 = vector.shape_cast %get3A_341 : vector<1x16xf32> to vector<16xf32>
        %get3A_343 = arith.index_cast %scan3A_254 : i32 to index
        %get3A_344 = arith.constant 96 : index
        %get3A_345 = tpu.vector_load %arg10[%get3A_343, %get3A_344] {strides = array<i32>} : memref<80x128xf32, #tpu.memory_space<vmem>>, vector<1x16xf32>,
        %get3A_346 = vector.shape_cast %get3A_345 : vector<1x16xf32> to vector<16xf32>
        %add3A_347 = arith.addf %get3A_342, %get3A_346 : vector<16xf32>
        %swap3A_348 = arith.index_cast %scan3A_254 : i32 to index
        %swap3A_349 = arith.constant 96 : index
        %swap3A_350 = tpu.vector_load %arg9[%swap3A_348, %swap3A_349] {strides = array<i32>} : memref<80x128xf32, #tpu.memory_space<vmem>>, vector<1x16xf32>,
        %swap3A_351 = vector.shape_cast %swap3A_350 : vector<1x16xf32> to vector<16xf32>
        %swap3A_352 = vector.shape_cast %add3A_347 : vector<16xf32> to vector<1x16xf32>
        tpu.vector_store %arg9[%swap3A_348, %swap3A_349], %swap3A_352 {strides = array<i32>} : memref<80x128xf32, #tpu.memory_space<vmem>>, vector<1x16xf32>,
        %get3A_353 = arith.index_cast %scan3A_254 : i32 to index
        %get3A_354 = arith.constant 112 : index
        %get3A_355 = tpu.vector_load %arg9[%get3A_353, %get3A_354] {strides = array<i32>} : memref<80x128xf32, #tpu.memory_space<vmem>>, vector<1x16xf32>,
        %get3A_356 = vector.shape_cast %get3A_355 : vector<1x16xf32> to vector<16xf32>
        %get3A_357 = arith.index_cast %scan3A_254 : i32 to index
        %get3A_358 = arith.constant 112 : index
        %get3A_359 = tpu.vector_load %arg10[%get3A_357, %get3A_358] {strides = array<i32>} : memref<80x128xf32, #tpu.memory_space<vmem>>, vector<1x16xf32>,
        %get3A_360 = vector.shape_cast %get3A_359 : vector<1x16xf32> to vector<16xf32>
        %add3A_361 = arith.addf %get3A_356, %get3A_360 : vector<16xf32>
        %swap3A_362 = arith.index_cast %scan3A_254 : i32 to index
        %swap3A_363 = arith.constant 112 : index
        %swap3A_364 = tpu.vector_load %arg9[%swap3A_362, %swap3A_363] {strides = array<i32>} : memref<80x128xf32, #tpu.memory_space<vmem>>, vector<1x16xf32>,
        %swap3A_365 = vector.shape_cast %swap3A_364 : vector<1x16xf32> to vector<16xf32>
        %swap3A_366 = vector.shape_cast %add3A_361 : vector<16xf32> to vector<1x16xf32>
        tpu.vector_store %arg9[%swap3A_362, %swap3A_363], %swap3A_366 {strides = array<i32>} : memref<80x128xf32, #tpu.memory_space<vmem>>, vector<1x16xf32>,
        %scan3A_367 = arith.constant 3 : i32
        %scan3A_368 = arith.addi %scan3A_28, %scan3A_367 : i32
        %get3A_369 = arith.index_cast %scan3A_368 : i32 to index
        %get3A_370 = arith.constant 0 : index
        %get3A_371 = tpu.vector_load %arg9[%get3A_369, %get3A_370] {strides = array<i32>} : memref<80x128xf32, #tpu.memory_space<vmem>>, vector<1x16xf32>,
        %get3A_372 = vector.shape_cast %get3A_371 : vector<1x16xf32> to vector<16xf32>
        %get3A_373 = arith.index_cast %scan3A_368 : i32 to index
        %get3A_374 = arith.constant 0 : index
        %get3A_375 = tpu.vector_load %arg10[%get3A_373, %get3A_374] {strides = array<i32>} : memref<80x128xf32, #tpu.memory_space<vmem>>, vector<1x16xf32>,
        %get3A_376 = vector.shape_cast %get3A_375 : vector<1x16xf32> to vector<16xf32>
        %add3A_377 = arith.addf %get3A_372, %get3A_376 : vector<16xf32>
        %swap3A_378 = arith.index_cast %scan3A_368 : i32 to index
        %swap3A_379 = arith.constant 0 : index
        %swap3A_380 = tpu.vector_load %arg9[%swap3A_378, %swap3A_379] {strides = array<i32>} : memref<80x128xf32, #tpu.memory_space<vmem>>, vector<1x16xf32>,
        %swap3A_381 = vector.shape_cast %swap3A_380 : vector<1x16xf32> to vector<16xf32>
        %swap3A_382 = vector.shape_cast %add3A_377 : vector<16xf32> to vector<1x16xf32>
        tpu.vector_store %arg9[%swap3A_378, %swap3A_379], %swap3A_382 {strides = array<i32>} : memref<80x128xf32, #tpu.memory_space<vmem>>, vector<1x16xf32>,
        %get3A_383 = arith.index_cast %scan3A_368 : i32 to index
        %get3A_384 = arith.constant 16 : index
        %get3A_385 = tpu.vector_load %arg9[%get3A_383, %get3A_384] {strides = array<i32>} : memref<80x128xf32, #tpu.memory_space<vmem>>, vector<1x16xf32>,
        %get3A_386 = vector.shape_cast %get3A_385 : vector<1x16xf32> to vector<16xf32>
        %get3A_387 = arith.index_cast %scan3A_368 : i32 to index
        %get3A_388 = arith.constant 16 : index
        %get3A_389 = tpu.vector_load %arg10[%get3A_387, %get3A_388] {strides = array<i32>} : memref<80x128xf32, #tpu.memory_space<vmem>>, vector<1x16xf32>,
        %get3A_390 = vector.shape_cast %get3A_389 : vector<1x16xf32> to vector<16xf32>
        %add3A_391 = arith.addf %get3A_386, %get3A_390 : vector<16xf32>
        %swap3A_392 = arith.index_cast %scan3A_368 : i32 to index
        %swap3A_393 = arith.constant 16 : index
        %swap3A_394 = tpu.vector_load %arg9[%swap3A_392, %swap3A_393] {strides = array<i32>} : memref<80x128xf32, #tpu.memory_space<vmem>>, vector<1x16xf32>,
        %swap3A_395 = vector.shape_cast %swap3A_394 : vector<1x16xf32> to vector<16xf32>
        %swap3A_396 = vector.shape_cast %add3A_391 : vector<16xf32> to vector<1x16xf32>
        tpu.vector_store %arg9[%swap3A_392, %swap3A_393], %swap3A_396 {strides = array<i32>} : memref<80x128xf32, #tpu.memory_space<vmem>>, vector<1x16xf32>,
        %get3A_397 = arith.index_cast %scan3A_368 : i32 to index
        %get3A_398 = arith.constant 32 : index
        %get3A_399 = tpu.vector_load %arg9[%get3A_397, %get3A_398] {strides = array<i32>} : memref<80x128xf32, #tpu.memory_space<vmem>>, vector<1x16xf32>,
        %get3A_400 = vector.shape_cast %get3A_399 : vector<1x16xf32> to vector<16xf32>
        %get3A_401 = arith.index_cast %scan3A_368 : i32 to index
        %get3A_402 = arith.constant 32 : index
        %get3A_403 = tpu.vector_load %arg10[%get3A_401, %get3A_402] {strides = array<i32>} : memref<80x128xf32, #tpu.memory_space<vmem>>, vector<1x16xf32>,
        %get3A_404 = vector.shape_cast %get3A_403 : vector<1x16xf32> to vector<16xf32>
        %add3A_405 = arith.addf %get3A_400, %get3A_404 : vector<16xf32>
        %swap3A_406 = arith.index_cast %scan3A_368 : i32 to index
        %swap3A_407 = arith.constant 32 : index
        %swap3A_408 = tpu.vector_load %arg9[%swap3A_406, %swap3A_407] {strides = array<i32>} : memref<80x128xf32, #tpu.memory_space<vmem>>, vector<1x16xf32>,
        %swap3A_409 = vector.shape_cast %swap3A_408 : vector<1x16xf32> to vector<16xf32>
        %swap3A_410 = vector.shape_cast %add3A_405 : vector<16xf32> to vector<1x16xf32>
        tpu.vector_store %arg9[%swap3A_406, %swap3A_407], %swap3A_410 {strides = array<i32>} : memref<80x128xf32, #tpu.memory_space<vmem>>, vector<1x16xf32>,
        %get3A_411 = arith.index_cast %scan3A_368 : i32 to index
        %get3A_412 = arith.constant 48 : index
        %get3A_413 = tpu.vector_load %arg9[%get3A_411, %get3A_412] {strides = array<i32>} : memref<80x128xf32, #tpu.memory_space<vmem>>, vector<1x16xf32>,
        %get3A_414 = vector.shape_cast %get3A_413 : vector<1x16xf32> to vector<16xf32>
        %get3A_415 = arith.index_cast %scan3A_368 : i32 to index
        %get3A_416 = arith.constant 48 : index
        %get3A_417 = tpu.vector_load %arg10[%get3A_415, %get3A_416] {strides = array<i32>} : memref<80x128xf32, #tpu.memory_space<vmem>>, vector<1x16xf32>,
        %get3A_418 = vector.shape_cast %get3A_417 : vector<1x16xf32> to vector<16xf32>
        %add3A_419 = arith.addf %get3A_414, %get3A_418 : vector<16xf32>
        %swap3A_420 = arith.index_cast %scan3A_368 : i32 to index
        %swap3A_421 = arith.constant 48 : index
        %swap3A_422 = tpu.vector_load %arg9[%swap3A_420, %swap3A_421] {strides = array<i32>} : memref<80x128xf32, #tpu.memory_space<vmem>>, vector<1x16xf32>,
        %swap3A_423 = vector.shape_cast %swap3A_422 : vector<1x16xf32> to vector<16xf32>
        %swap3A_424 = vector.shape_cast %add3A_419 : vector<16xf32> to vector<1x16xf32>
        tpu.vector_store %arg9[%swap3A_420, %swap3A_421], %swap3A_424 {strides = array<i32>} : memref<80x128xf32, #tpu.memory_space<vmem>>, vector<1x16xf32>,
        %get3A_425 = arith.index_cast %scan3A_368 : i32 to index
        %get3A_426 = arith.constant 64 : index
        %get3A_427 = tpu.vector_load %arg9[%get3A_425, %get3A_426] {strides = array<i32>} : memref<80x128xf32, #tpu.memory_space<vmem>>, vector<1x16xf32>,
        %get3A_428 = vector.shape_cast %get3A_427 : vector<1x16xf32> to vector<16xf32>
        %get3A_429 = arith.index_cast %scan3A_368 : i32 to index
        %get3A_430 = arith.constant 64 : index
        %get3A_431 = tpu.vector_load %arg10[%get3A_429, %get3A_430] {strides = array<i32>} : memref<80x128xf32, #tpu.memory_space<vmem>>, vector<1x16xf32>,
        %get3A_432 = vector.shape_cast %get3A_431 : vector<1x16xf32> to vector<16xf32>
        %add3A_433 = arith.addf %get3A_428, %get3A_432 : vector<16xf32>
        %swap3A_434 = arith.index_cast %scan3A_368 : i32 to index
        %swap3A_435 = arith.constant 64 : index
        %swap3A_436 = tpu.vector_load %arg9[%swap3A_434, %swap3A_435] {strides = array<i32>} : memref<80x128xf32, #tpu.memory_space<vmem>>, vector<1x16xf32>,
        %swap3A_437 = vector.shape_cast %swap3A_436 : vector<1x16xf32> to vector<16xf32>
        %swap3A_438 = vector.shape_cast %add3A_433 : vector<16xf32> to vector<1x16xf32>
        tpu.vector_store %arg9[%swap3A_434, %swap3A_435], %swap3A_438 {strides = array<i32>} : memref<80x128xf32, #tpu.memory_space<vmem>>, vector<1x16xf32>,
        %get3A_439 = arith.index_cast %scan3A_368 : i32 to index
        %get3A_440 = arith.constant 80 : index
        %get3A_441 = tpu.vector_load %arg9[%get3A_439, %get3A_440] {strides = array<i32>} : memref<80x128xf32, #tpu.memory_space<vmem>>, vector<1x16xf32>,
        %get3A_442 = vector.shape_cast %get3A_441 : vector<1x16xf32> to vector<16xf32>
        %get3A_443 = arith.index_cast %scan3A_368 : i32 to index
        %get3A_444 = arith.constant 80 : index
        %get3A_445 = tpu.vector_load %arg10[%get3A_443, %get3A_444] {strides = array<i32>} : memref<80x128xf32, #tpu.memory_space<vmem>>, vector<1x16xf32>,
        %get3A_446 = vector.shape_cast %get3A_445 : vector<1x16xf32> to vector<16xf32>
        %add3A_447 = arith.addf %get3A_442, %get3A_446 : vector<16xf32>
        %swap3A_448 = arith.index_cast %scan3A_368 : i32 to index
        %swap3A_449 = arith.constant 80 : index
        %swap3A_450 = tpu.vector_load %arg9[%swap3A_448, %swap3A_449] {strides = array<i32>} : memref<80x128xf32, #tpu.memory_space<vmem>>, vector<1x16xf32>,
        %swap3A_451 = vector.shape_cast %swap3A_450 : vector<1x16xf32> to vector<16xf32>
        %swap3A_452 = vector.shape_cast %add3A_447 : vector<16xf32> to vector<1x16xf32>
        tpu.vector_store %arg9[%swap3A_448, %swap3A_449], %swap3A_452 {strides = array<i32>} : memref<80x128xf32, #tpu.memory_space<vmem>>, vector<1x16xf32>,
        %get3A_453 = arith.index_cast %scan3A_368 : i32 to index
        %get3A_454 = arith.constant 96 : index
        %get3A_455 = tpu.vector_load %arg9[%get3A_453, %get3A_454] {strides = array<i32>} : memref<80x128xf32, #tpu.memory_space<vmem>>, vector<1x16xf32>,
        %get3A_456 = vector.shape_cast %get3A_455 : vector<1x16xf32> to vector<16xf32>
        %get3A_457 = arith.index_cast %scan3A_368 : i32 to index
        %get3A_458 = arith.constant 96 : index
        %get3A_459 = tpu.vector_load %arg10[%get3A_457, %get3A_458] {strides = array<i32>} : memref<80x128xf32, #tpu.memory_space<vmem>>, vector<1x16xf32>,
        %get3A_460 = vector.shape_cast %get3A_459 : vector<1x16xf32> to vector<16xf32>
        %add3A_461 = arith.addf %get3A_456, %get3A_460 : vector<16xf32>
        %swap3A_462 = arith.index_cast %scan3A_368 : i32 to index
        %swap3A_463 = arith.constant 96 : index
        %swap3A_464 = tpu.vector_load %arg9[%swap3A_462, %swap3A_463] {strides = array<i32>} : memref<80x128xf32, #tpu.memory_space<vmem>>, vector<1x16xf32>,
        %swap3A_465 = vector.shape_cast %swap3A_464 : vector<1x16xf32> to vector<16xf32>
        %swap3A_466 = vector.shape_cast %add3A_461 : vector<16xf32> to vector<1x16xf32>
        tpu.vector_store %arg9[%swap3A_462, %swap3A_463], %swap3A_466 {strides = array<i32>} : memref<80x128xf32, #tpu.memory_space<vmem>>, vector<1x16xf32>,
        %get3A_467 = arith.index_cast %scan3A_368 : i32 to index
        %get3A_468 = arith.constant 112 : index
        %get3A_469 = tpu.vector_load %arg9[%get3A_467, %get3A_468] {strides = array<i32>} : memref<80x128xf32, #tpu.memory_space<vmem>>, vector<1x16xf32>,
        %get3A_470 = vector.shape_cast %get3A_469 : vector<1x16xf32> to vector<16xf32>
        %get3A_471 = arith.index_cast %scan3A_368 : i32 to index
        %get3A_472 = arith.constant 112 : index
        %get3A_473 = tpu.vector_load %arg10[%get3A_471, %get3A_472] {strides = array<i32>} : memref<80x128xf32, #tpu.memory_space<vmem>>, vector<1x16xf32>,
        %get3A_474 = vector.shape_cast %get3A_473 : vector<1x16xf32> to vector<16xf32>
        %add3A_475 = arith.addf %get3A_470, %get3A_474 : vector<16xf32>
        %swap3A_476 = arith.index_cast %scan3A_368 : i32 to index
        %swap3A_477 = arith.constant 112 : index
        %swap3A_478 = tpu.vector_load %arg9[%swap3A_476, %swap3A_477] {strides = array<i32>} : memref<80x128xf32, #tpu.memory_space<vmem>>, vector<1x16xf32>,
        %swap3A_479 = vector.shape_cast %swap3A_478 : vector<1x16xf32> to vector<16xf32>
        %swap3A_480 = vector.shape_cast %add3A_475 : vector<16xf32> to vector<1x16xf32>
        tpu.vector_store %arg9[%swap3A_476, %swap3A_477], %swap3A_480 {strides = array<i32>} : memref<80x128xf32, #tpu.memory_space<vmem>>, vector<1x16xf32>,
      }
      %scan3A_27 = arith.constant 80 : i32
      "tpu.region"() ({
        %run_scoped3A = tpu.sem_alloc : memref<!tpu.dma_semaphore, #tpu.memory_space<semaphore_mem>>
        %dma_start3A_28 = arith.constant 0 : i32
        %dma_start3A_29 = tpu.memref_slice %arg6[%add3A_11, %dma_start3A_28] : memref<320000x128xf32, #tpu.memory_space<hbm>> -> memref<80x128xf32, #tpu.memory_space<hbm>>
        %dma_start3A_30 = arith.constant 0 : i32
        %dma_start3A_31 = tpu.memref_slice %arg6[%add3A_11, %dma_start3A_30] : memref<320000x128xf32, #tpu.memory_space<hbm>> -> memref<80x128xf32, #tpu.memory_space<hbm>>
        tpu.enqueue_dma source(%arg9 : memref<80x128xf32, #tpu.memory_space<vmem>>) target(%dma_start3A_31 : memref<80x128xf32, #tpu.memory_space<hbm>>) target_semaphore(%run_scoped3A : memref<!tpu.dma_semaphore, #tpu.memory_space<semaphore_mem>>)
        %dma_wait3A_32 = arith.constant 0 : i32
        %dma_wait3A_33 = tpu.memref_slice %arg6[%add3A_11, %dma_wait3A_32] : memref<320000x128xf32, #tpu.memory_space<hbm>> -> memref<80x128xf32, #tpu.memory_space<hbm>>
        %dma_wait3A_34 = arith.constant 0 : i32
        %dma_wait3A_35 = tpu.memref_slice %arg6[%add3A_11, %dma_wait3A_34] : memref<320000x128xf32, #tpu.memory_space<hbm>> -> memref<80x128xf32, #tpu.memory_space<hbm>>
        tpu.wait_dma2 semaphore(%run_scoped3A : memref<!tpu.dma_semaphore, #tpu.memory_space<semaphore_mem>>) src(%arg9 : memref<80x128xf32, #tpu.memory_space<vmem>>) dst(%dma_wait3A_35 : memref<80x128xf32, #tpu.memory_space<hbm>>)
        tpu.yield
      }) : () -> ()
    }
    %scan3A_7 = arith.constant 125 : i32
    return
  }
}

#map = affine_map<(d0, d1) -> (0, 0)>
#map1 = affine_map<(d0, d1) -> (0)>
#map2 = affine_map<(d0, d1) -> (0, 0, 0)>
module attributes {stable_mosaic.version = 14 : i64} {
  func.func @_sc_scatter_body(%arg0: i32, %arg1: i32, %arg2: memref<10000x128xf32, #tpu.memory_space<hbm>>, %arg3: memref<320000x128xf32, #tpu.memory_space<hbm>>, %arg4: memref<320000xi32, #tpu.memory_space<hbm>>, %arg5: memref<320000xi32, #tpu.memory_space<hbm>>, %arg6: memref<2x10000x128xf32, #tpu.memory_space<hbm>>, %arg7: memref<10000x128xf32, #tpu.memory_space<vmem_shared>>, %arg8: memref<80xi32, #tpu.memory_space<vmem>>, %arg9: memref<80xi32, #tpu.memory_space<vmem>>, %arg10: memref<80x128xf32, #tpu.memory_space<vmem>>, %arg11: memref<80x128xf32, #tpu.memory_space<vmem>>, %arg12: memref<80x128xf32, #tpu.memory_space<vmem>>, %arg13: memref<!tpu.dma_semaphore, #tpu.memory_space<semaphore_mem>>) attributes {dimension_semantics = [#tpu.dimension_semantics<core_parallel>, #tpu.dimension_semantics<subcore_parallel>], iteration_bounds = array<i64: 2, 16>, scalar_prefetch = 0 : i64, scratch_operands = 7 : i64, tpu.core_type = #tpu.core_type<sc_vector_subcore>, window_params = [{transform_indices = #map}, {transform_indices = #map}, {transform_indices = #map1}, {transform_indices = #map1}, {transform_indices = #map2}]} {
    %mul3A = arith.constant 2 : i32
    %mul3A_0 = arith.muli %arg1, %mul3A : i32
    %add3A = arith.addi %mul3A_0, %arg0 : i32
    %mul3A_1 = arith.constant 10000 : i32
    %mul3A_2 = arith.muli %add3A, %mul3A_1 : i32
    %broadcast_in_dim3A = arith.constant 0.000000e+00 : f32
    %broadcast_in_dim3A_3 = vector.broadcast %broadcast_in_dim3A : f32 to vector<16xf32>
    %scan3A = arith.constant 0 : i32
    %scan3A_4 = arith.constant 0 : i32
    %scan3A_5 = arith.constant 80 : i32
    %scan3A_6 = arith.addi %scan3A_4, %scan3A_5 : i32
    %scan3A_7 = arith.constant 4 : i32
    scf.for %scan3A_125 = %scan3A_4 to %scan3A_6 step %scan3A_7  : i32 {
      %swap3A = arith.index_cast %scan3A_125 : i32 to index
      %swap3A_126 = arith.constant 0 : index
      %swap3A_127 = tpu.vector_load %arg12[%swap3A, %swap3A_126] {strides = array<i32>} : memref<80x128xf32, #tpu.memory_space<vmem>>, vector<1x16xf32>,
      %swap3A_128 = vector.shape_cast %swap3A_127 : vector<1x16xf32> to vector<16xf32>
      %swap3A_129 = vector.shape_cast %broadcast_in_dim3A_3 : vector<16xf32> to vector<1x16xf32>
      tpu.vector_store %arg12[%swap3A, %swap3A_126], %swap3A_129 {strides = array<i32>} : memref<80x128xf32, #tpu.memory_space<vmem>>, vector<1x16xf32>,
      %swap3A_130 = arith.index_cast %scan3A_125 : i32 to index
      %swap3A_131 = arith.constant 16 : index
      %swap3A_132 = tpu.vector_load %arg12[%swap3A_130, %swap3A_131] {strides = array<i32>} : memref<80x128xf32, #tpu.memory_space<vmem>>, vector<1x16xf32>,
      %swap3A_133 = vector.shape_cast %swap3A_132 : vector<1x16xf32> to vector<16xf32>
      %swap3A_134 = vector.shape_cast %broadcast_in_dim3A_3 : vector<16xf32> to vector<1x16xf32>
      tpu.vector_store %arg12[%swap3A_130, %swap3A_131], %swap3A_134 {strides = array<i32>} : memref<80x128xf32, #tpu.memory_space<vmem>>, vector<1x16xf32>,
      %swap3A_135 = arith.index_cast %scan3A_125 : i32 to index
      %swap3A_136 = arith.constant 32 : index
      %swap3A_137 = tpu.vector_load %arg12[%swap3A_135, %swap3A_136] {strides = array<i32>} : memref<80x128xf32, #tpu.memory_space<vmem>>, vector<1x16xf32>,
      %swap3A_138 = vector.shape_cast %swap3A_137 : vector<1x16xf32> to vector<16xf32>
      %swap3A_139 = vector.shape_cast %broadcast_in_dim3A_3 : vector<16xf32> to vector<1x16xf32>
      tpu.vector_store %arg12[%swap3A_135, %swap3A_136], %swap3A_139 {strides = array<i32>} : memref<80x128xf32, #tpu.memory_space<vmem>>, vector<1x16xf32>,
      %swap3A_140 = arith.index_cast %scan3A_125 : i32 to index
      %swap3A_141 = arith.constant 48 : index
      %swap3A_142 = tpu.vector_load %arg12[%swap3A_140, %swap3A_141] {strides = array<i32>} : memref<80x128xf32, #tpu.memory_space<vmem>>, vector<1x16xf32>,
      %swap3A_143 = vector.shape_cast %swap3A_142 : vector<1x16xf32> to vector<16xf32>
      %swap3A_144 = vector.shape_cast %broadcast_in_dim3A_3 : vector<16xf32> to vector<1x16xf32>
      tpu.vector_store %arg12[%swap3A_140, %swap3A_141], %swap3A_144 {strides = array<i32>} : memref<80x128xf32, #tpu.memory_space<vmem>>, vector<1x16xf32>,
      %swap3A_145 = arith.index_cast %scan3A_125 : i32 to index
      %swap3A_146 = arith.constant 64 : index
      %swap3A_147 = tpu.vector_load %arg12[%swap3A_145, %swap3A_146] {strides = array<i32>} : memref<80x128xf32, #tpu.memory_space<vmem>>, vector<1x16xf32>,
      %swap3A_148 = vector.shape_cast %swap3A_147 : vector<1x16xf32> to vector<16xf32>
      %swap3A_149 = vector.shape_cast %broadcast_in_dim3A_3 : vector<16xf32> to vector<1x16xf32>
      tpu.vector_store %arg12[%swap3A_145, %swap3A_146], %swap3A_149 {strides = array<i32>} : memref<80x128xf32, #tpu.memory_space<vmem>>, vector<1x16xf32>,
      %swap3A_150 = arith.index_cast %scan3A_125 : i32 to index
      %swap3A_151 = arith.constant 80 : index
      %swap3A_152 = tpu.vector_load %arg12[%swap3A_150, %swap3A_151] {strides = array<i32>} : memref<80x128xf32, #tpu.memory_space<vmem>>, vector<1x16xf32>,
      %swap3A_153 = vector.shape_cast %swap3A_152 : vector<1x16xf32> to vector<16xf32>
      %swap3A_154 = vector.shape_cast %broadcast_in_dim3A_3 : vector<16xf32> to vector<1x16xf32>
      tpu.vector_store %arg12[%swap3A_150, %swap3A_151], %swap3A_154 {strides = array<i32>} : memref<80x128xf32, #tpu.memory_space<vmem>>, vector<1x16xf32>,
      %swap3A_155 = arith.index_cast %scan3A_125 : i32 to index
      %swap3A_156 = arith.constant 96 : index
      %swap3A_157 = tpu.vector_load %arg12[%swap3A_155, %swap3A_156] {strides = array<i32>} : memref<80x128xf32, #tpu.memory_space<vmem>>, vector<1x16xf32>,
      %swap3A_158 = vector.shape_cast %swap3A_157 : vector<1x16xf32> to vector<16xf32>
      %swap3A_159 = vector.shape_cast %broadcast_in_dim3A_3 : vector<16xf32> to vector<1x16xf32>
      tpu.vector_store %arg12[%swap3A_155, %swap3A_156], %swap3A_159 {strides = array<i32>} : memref<80x128xf32, #tpu.memory_space<vmem>>, vector<1x16xf32>,
      %swap3A_160 = arith.index_cast %scan3A_125 : i32 to index
      %swap3A_161 = arith.constant 112 : index
      %swap3A_162 = tpu.vector_load %arg12[%swap3A_160, %swap3A_161] {strides = array<i32>} : memref<80x128xf32, #tpu.memory_space<vmem>>, vector<1x16xf32>,
      %swap3A_163 = vector.shape_cast %swap3A_162 : vector<1x16xf32> to vector<16xf32>
      %swap3A_164 = vector.shape_cast %broadcast_in_dim3A_3 : vector<16xf32> to vector<1x16xf32>
      tpu.vector_store %arg12[%swap3A_160, %swap3A_161], %swap3A_164 {strides = array<i32>} : memref<80x128xf32, #tpu.memory_space<vmem>>, vector<1x16xf32>,
      %scan3A_165 = arith.constant 1 : i32
      %scan3A_166 = arith.addi %scan3A_125, %scan3A_165 : i32
      %swap3A_167 = arith.index_cast %scan3A_166 : i32 to index
      %swap3A_168 = arith.constant 0 : index
      %swap3A_169 = tpu.vector_load %arg12[%swap3A_167, %swap3A_168] {strides = array<i32>} : memref<80x128xf32, #tpu.memory_space<vmem>>, vector<1x16xf32>,
      %swap3A_170 = vector.shape_cast %swap3A_169 : vector<1x16xf32> to vector<16xf32>
      %swap3A_171 = vector.shape_cast %broadcast_in_dim3A_3 : vector<16xf32> to vector<1x16xf32>
      tpu.vector_store %arg12[%swap3A_167, %swap3A_168], %swap3A_171 {strides = array<i32>} : memref<80x128xf32, #tpu.memory_space<vmem>>, vector<1x16xf32>,
      %swap3A_172 = arith.index_cast %scan3A_166 : i32 to index
      %swap3A_173 = arith.constant 16 : index
      %swap3A_174 = tpu.vector_load %arg12[%swap3A_172, %swap3A_173] {strides = array<i32>} : memref<80x128xf32, #tpu.memory_space<vmem>>, vector<1x16xf32>,
      %swap3A_175 = vector.shape_cast %swap3A_174 : vector<1x16xf32> to vector<16xf32>
      %swap3A_176 = vector.shape_cast %broadcast_in_dim3A_3 : vector<16xf32> to vector<1x16xf32>
      tpu.vector_store %arg12[%swap3A_172, %swap3A_173], %swap3A_176 {strides = array<i32>} : memref<80x128xf32, #tpu.memory_space<vmem>>, vector<1x16xf32>,
      %swap3A_177 = arith.index_cast %scan3A_166 : i32 to index
      %swap3A_178 = arith.constant 32 : index
      %swap3A_179 = tpu.vector_load %arg12[%swap3A_177, %swap3A_178] {strides = array<i32>} : memref<80x128xf32, #tpu.memory_space<vmem>>, vector<1x16xf32>,
      %swap3A_180 = vector.shape_cast %swap3A_179 : vector<1x16xf32> to vector<16xf32>
      %swap3A_181 = vector.shape_cast %broadcast_in_dim3A_3 : vector<16xf32> to vector<1x16xf32>
      tpu.vector_store %arg12[%swap3A_177, %swap3A_178], %swap3A_181 {strides = array<i32>} : memref<80x128xf32, #tpu.memory_space<vmem>>, vector<1x16xf32>,
      %swap3A_182 = arith.index_cast %scan3A_166 : i32 to index
      %swap3A_183 = arith.constant 48 : index
      %swap3A_184 = tpu.vector_load %arg12[%swap3A_182, %swap3A_183] {strides = array<i32>} : memref<80x128xf32, #tpu.memory_space<vmem>>, vector<1x16xf32>,
      %swap3A_185 = vector.shape_cast %swap3A_184 : vector<1x16xf32> to vector<16xf32>
      %swap3A_186 = vector.shape_cast %broadcast_in_dim3A_3 : vector<16xf32> to vector<1x16xf32>
      tpu.vector_store %arg12[%swap3A_182, %swap3A_183], %swap3A_186 {strides = array<i32>} : memref<80x128xf32, #tpu.memory_space<vmem>>, vector<1x16xf32>,
      %swap3A_187 = arith.index_cast %scan3A_166 : i32 to index
      %swap3A_188 = arith.constant 64 : index
      %swap3A_189 = tpu.vector_load %arg12[%swap3A_187, %swap3A_188] {strides = array<i32>} : memref<80x128xf32, #tpu.memory_space<vmem>>, vector<1x16xf32>,
      %swap3A_190 = vector.shape_cast %swap3A_189 : vector<1x16xf32> to vector<16xf32>
      %swap3A_191 = vector.shape_cast %broadcast_in_dim3A_3 : vector<16xf32> to vector<1x16xf32>
      tpu.vector_store %arg12[%swap3A_187, %swap3A_188], %swap3A_191 {strides = array<i32>} : memref<80x128xf32, #tpu.memory_space<vmem>>, vector<1x16xf32>,
      %swap3A_192 = arith.index_cast %scan3A_166 : i32 to index
      %swap3A_193 = arith.constant 80 : index
      %swap3A_194 = tpu.vector_load %arg12[%swap3A_192, %swap3A_193] {strides = array<i32>} : memref<80x128xf32, #tpu.memory_space<vmem>>, vector<1x16xf32>,
      %swap3A_195 = vector.shape_cast %swap3A_194 : vector<1x16xf32> to vector<16xf32>
      %swap3A_196 = vector.shape_cast %broadcast_in_dim3A_3 : vector<16xf32> to vector<1x16xf32>
      tpu.vector_store %arg12[%swap3A_192, %swap3A_193], %swap3A_196 {strides = array<i32>} : memref<80x128xf32, #tpu.memory_space<vmem>>, vector<1x16xf32>,
      %swap3A_197 = arith.index_cast %scan3A_166 : i32 to index
      %swap3A_198 = arith.constant 96 : index
      %swap3A_199 = tpu.vector_load %arg12[%swap3A_197, %swap3A_198] {strides = array<i32>} : memref<80x128xf32, #tpu.memory_space<vmem>>, vector<1x16xf32>,
      %swap3A_200 = vector.shape_cast %swap3A_199 : vector<1x16xf32> to vector<16xf32>
      %swap3A_201 = vector.shape_cast %broadcast_in_dim3A_3 : vector<16xf32> to vector<1x16xf32>
      tpu.vector_store %arg12[%swap3A_197, %swap3A_198], %swap3A_201 {strides = array<i32>} : memref<80x128xf32, #tpu.memory_space<vmem>>, vector<1x16xf32>,
      %swap3A_202 = arith.index_cast %scan3A_166 : i32 to index
      %swap3A_203 = arith.constant 112 : index
      %swap3A_204 = tpu.vector_load %arg12[%swap3A_202, %swap3A_203] {strides = array<i32>} : memref<80x128xf32, #tpu.memory_space<vmem>>, vector<1x16xf32>,
      %swap3A_205 = vector.shape_cast %swap3A_204 : vector<1x16xf32> to vector<16xf32>
      %swap3A_206 = vector.shape_cast %broadcast_in_dim3A_3 : vector<16xf32> to vector<1x16xf32>
      tpu.vector_store %arg12[%swap3A_202, %swap3A_203], %swap3A_206 {strides = array<i32>} : memref<80x128xf32, #tpu.memory_space<vmem>>, vector<1x16xf32>,
      %scan3A_207 = arith.constant 2 : i32
      %scan3A_208 = arith.addi %scan3A_125, %scan3A_207 : i32
      %swap3A_209 = arith.index_cast %scan3A_208 : i32 to index
      %swap3A_210 = arith.constant 0 : index
      %swap3A_211 = tpu.vector_load %arg12[%swap3A_209, %swap3A_210] {strides = array<i32>} : memref<80x128xf32, #tpu.memory_space<vmem>>, vector<1x16xf32>,
      %swap3A_212 = vector.shape_cast %swap3A_211 : vector<1x16xf32> to vector<16xf32>
      %swap3A_213 = vector.shape_cast %broadcast_in_dim3A_3 : vector<16xf32> to vector<1x16xf32>
      tpu.vector_store %arg12[%swap3A_209, %swap3A_210], %swap3A_213 {strides = array<i32>} : memref<80x128xf32, #tpu.memory_space<vmem>>, vector<1x16xf32>,
      %swap3A_214 = arith.index_cast %scan3A_208 : i32 to index
      %swap3A_215 = arith.constant 16 : index
      %swap3A_216 = tpu.vector_load %arg12[%swap3A_214, %swap3A_215] {strides = array<i32>} : memref<80x128xf32, #tpu.memory_space<vmem>>, vector<1x16xf32>,
      %swap3A_217 = vector.shape_cast %swap3A_216 : vector<1x16xf32> to vector<16xf32>
      %swap3A_218 = vector.shape_cast %broadcast_in_dim3A_3 : vector<16xf32> to vector<1x16xf32>
      tpu.vector_store %arg12[%swap3A_214, %swap3A_215], %swap3A_218 {strides = array<i32>} : memref<80x128xf32, #tpu.memory_space<vmem>>, vector<1x16xf32>,
      %swap3A_219 = arith.index_cast %scan3A_208 : i32 to index
      %swap3A_220 = arith.constant 32 : index
      %swap3A_221 = tpu.vector_load %arg12[%swap3A_219, %swap3A_220] {strides = array<i32>} : memref<80x128xf32, #tpu.memory_space<vmem>>, vector<1x16xf32>,
      %swap3A_222 = vector.shape_cast %swap3A_221 : vector<1x16xf32> to vector<16xf32>
      %swap3A_223 = vector.shape_cast %broadcast_in_dim3A_3 : vector<16xf32> to vector<1x16xf32>
      tpu.vector_store %arg12[%swap3A_219, %swap3A_220], %swap3A_223 {strides = array<i32>} : memref<80x128xf32, #tpu.memory_space<vmem>>, vector<1x16xf32>,
      %swap3A_224 = arith.index_cast %scan3A_208 : i32 to index
      %swap3A_225 = arith.constant 48 : index
      %swap3A_226 = tpu.vector_load %arg12[%swap3A_224, %swap3A_225] {strides = array<i32>} : memref<80x128xf32, #tpu.memory_space<vmem>>, vector<1x16xf32>,
      %swap3A_227 = vector.shape_cast %swap3A_226 : vector<1x16xf32> to vector<16xf32>
      %swap3A_228 = vector.shape_cast %broadcast_in_dim3A_3 : vector<16xf32> to vector<1x16xf32>
      tpu.vector_store %arg12[%swap3A_224, %swap3A_225], %swap3A_228 {strides = array<i32>} : memref<80x128xf32, #tpu.memory_space<vmem>>, vector<1x16xf32>,
      %swap3A_229 = arith.index_cast %scan3A_208 : i32 to index
      %swap3A_230 = arith.constant 64 : index
      %swap3A_231 = tpu.vector_load %arg12[%swap3A_229, %swap3A_230] {strides = array<i32>} : memref<80x128xf32, #tpu.memory_space<vmem>>, vector<1x16xf32>,
      %swap3A_232 = vector.shape_cast %swap3A_231 : vector<1x16xf32> to vector<16xf32>
      %swap3A_233 = vector.shape_cast %broadcast_in_dim3A_3 : vector<16xf32> to vector<1x16xf32>
      tpu.vector_store %arg12[%swap3A_229, %swap3A_230], %swap3A_233 {strides = array<i32>} : memref<80x128xf32, #tpu.memory_space<vmem>>, vector<1x16xf32>,
      %swap3A_234 = arith.index_cast %scan3A_208 : i32 to index
      %swap3A_235 = arith.constant 80 : index
      %swap3A_236 = tpu.vector_load %arg12[%swap3A_234, %swap3A_235] {strides = array<i32>} : memref<80x128xf32, #tpu.memory_space<vmem>>, vector<1x16xf32>,
      %swap3A_237 = vector.shape_cast %swap3A_236 : vector<1x16xf32> to vector<16xf32>
      %swap3A_238 = vector.shape_cast %broadcast_in_dim3A_3 : vector<16xf32> to vector<1x16xf32>
      tpu.vector_store %arg12[%swap3A_234, %swap3A_235], %swap3A_238 {strides = array<i32>} : memref<80x128xf32, #tpu.memory_space<vmem>>, vector<1x16xf32>,
      %swap3A_239 = arith.index_cast %scan3A_208 : i32 to index
      %swap3A_240 = arith.constant 96 : index
      %swap3A_241 = tpu.vector_load %arg12[%swap3A_239, %swap3A_240] {strides = array<i32>} : memref<80x128xf32, #tpu.memory_space<vmem>>, vector<1x16xf32>,
      %swap3A_242 = vector.shape_cast %swap3A_241 : vector<1x16xf32> to vector<16xf32>
      %swap3A_243 = vector.shape_cast %broadcast_in_dim3A_3 : vector<16xf32> to vector<1x16xf32>
      tpu.vector_store %arg12[%swap3A_239, %swap3A_240], %swap3A_243 {strides = array<i32>} : memref<80x128xf32, #tpu.memory_space<vmem>>, vector<1x16xf32>,
      %swap3A_244 = arith.index_cast %scan3A_208 : i32 to index
      %swap3A_245 = arith.constant 112 : index
      %swap3A_246 = tpu.vector_load %arg12[%swap3A_244, %swap3A_245] {strides = array<i32>} : memref<80x128xf32, #tpu.memory_space<vmem>>, vector<1x16xf32>,
      %swap3A_247 = vector.shape_cast %swap3A_246 : vector<1x16xf32> to vector<16xf32>
      %swap3A_248 = vector.shape_cast %broadcast_in_dim3A_3 : vector<16xf32> to vector<1x16xf32>
      tpu.vector_store %arg12[%swap3A_244, %swap3A_245], %swap3A_248 {strides = array<i32>} : memref<80x128xf32, #tpu.memory_space<vmem>>, vector<1x16xf32>,
      %scan3A_249 = arith.constant 3 : i32
      %scan3A_250 = arith.addi %scan3A_125, %scan3A_249 : i32
      %swap3A_251 = arith.index_cast %scan3A_250 : i32 to index
      %swap3A_252 = arith.constant 0 : index
      %swap3A_253 = tpu.vector_load %arg12[%swap3A_251, %swap3A_252] {strides = array<i32>} : memref<80x128xf32, #tpu.memory_space<vmem>>, vector<1x16xf32>,
      %swap3A_254 = vector.shape_cast %swap3A_253 : vector<1x16xf32> to vector<16xf32>
      %swap3A_255 = vector.shape_cast %broadcast_in_dim3A_3 : vector<16xf32> to vector<1x16xf32>
      tpu.vector_store %arg12[%swap3A_251, %swap3A_252], %swap3A_255 {strides = array<i32>} : memref<80x128xf32, #tpu.memory_space<vmem>>, vector<1x16xf32>,
      %swap3A_256 = arith.index_cast %scan3A_250 : i32 to index
      %swap3A_257 = arith.constant 16 : index
      %swap3A_258 = tpu.vector_load %arg12[%swap3A_256, %swap3A_257] {strides = array<i32>} : memref<80x128xf32, #tpu.memory_space<vmem>>, vector<1x16xf32>,
      %swap3A_259 = vector.shape_cast %swap3A_258 : vector<1x16xf32> to vector<16xf32>
      %swap3A_260 = vector.shape_cast %broadcast_in_dim3A_3 : vector<16xf32> to vector<1x16xf32>
      tpu.vector_store %arg12[%swap3A_256, %swap3A_257], %swap3A_260 {strides = array<i32>} : memref<80x128xf32, #tpu.memory_space<vmem>>, vector<1x16xf32>,
      %swap3A_261 = arith.index_cast %scan3A_250 : i32 to index
      %swap3A_262 = arith.constant 32 : index
      %swap3A_263 = tpu.vector_load %arg12[%swap3A_261, %swap3A_262] {strides = array<i32>} : memref<80x128xf32, #tpu.memory_space<vmem>>, vector<1x16xf32>,
      %swap3A_264 = vector.shape_cast %swap3A_263 : vector<1x16xf32> to vector<16xf32>
      %swap3A_265 = vector.shape_cast %broadcast_in_dim3A_3 : vector<16xf32> to vector<1x16xf32>
      tpu.vector_store %arg12[%swap3A_261, %swap3A_262], %swap3A_265 {strides = array<i32>} : memref<80x128xf32, #tpu.memory_space<vmem>>, vector<1x16xf32>,
      %swap3A_266 = arith.index_cast %scan3A_250 : i32 to index
      %swap3A_267 = arith.constant 48 : index
      %swap3A_268 = tpu.vector_load %arg12[%swap3A_266, %swap3A_267] {strides = array<i32>} : memref<80x128xf32, #tpu.memory_space<vmem>>, vector<1x16xf32>,
      %swap3A_269 = vector.shape_cast %swap3A_268 : vector<1x16xf32> to vector<16xf32>
      %swap3A_270 = vector.shape_cast %broadcast_in_dim3A_3 : vector<16xf32> to vector<1x16xf32>
      tpu.vector_store %arg12[%swap3A_266, %swap3A_267], %swap3A_270 {strides = array<i32>} : memref<80x128xf32, #tpu.memory_space<vmem>>, vector<1x16xf32>,
      %swap3A_271 = arith.index_cast %scan3A_250 : i32 to index
      %swap3A_272 = arith.constant 64 : index
      %swap3A_273 = tpu.vector_load %arg12[%swap3A_271, %swap3A_272] {strides = array<i32>} : memref<80x128xf32, #tpu.memory_space<vmem>>, vector<1x16xf32>,
      %swap3A_274 = vector.shape_cast %swap3A_273 : vector<1x16xf32> to vector<16xf32>
      %swap3A_275 = vector.shape_cast %broadcast_in_dim3A_3 : vector<16xf32> to vector<1x16xf32>
      tpu.vector_store %arg12[%swap3A_271, %swap3A_272], %swap3A_275 {strides = array<i32>} : memref<80x128xf32, #tpu.memory_space<vmem>>, vector<1x16xf32>,
      %swap3A_276 = arith.index_cast %scan3A_250 : i32 to index
      %swap3A_277 = arith.constant 80 : index
      %swap3A_278 = tpu.vector_load %arg12[%swap3A_276, %swap3A_277] {strides = array<i32>} : memref<80x128xf32, #tpu.memory_space<vmem>>, vector<1x16xf32>,
      %swap3A_279 = vector.shape_cast %swap3A_278 : vector<1x16xf32> to vector<16xf32>
      %swap3A_280 = vector.shape_cast %broadcast_in_dim3A_3 : vector<16xf32> to vector<1x16xf32>
      tpu.vector_store %arg12[%swap3A_276, %swap3A_277], %swap3A_280 {strides = array<i32>} : memref<80x128xf32, #tpu.memory_space<vmem>>, vector<1x16xf32>,
      %swap3A_281 = arith.index_cast %scan3A_250 : i32 to index
      %swap3A_282 = arith.constant 96 : index
      %swap3A_283 = tpu.vector_load %arg12[%swap3A_281, %swap3A_282] {strides = array<i32>} : memref<80x128xf32, #tpu.memory_space<vmem>>, vector<1x16xf32>,
      %swap3A_284 = vector.shape_cast %swap3A_283 : vector<1x16xf32> to vector<16xf32>
      %swap3A_285 = vector.shape_cast %broadcast_in_dim3A_3 : vector<16xf32> to vector<1x16xf32>
      tpu.vector_store %arg12[%swap3A_281, %swap3A_282], %swap3A_285 {strides = array<i32>} : memref<80x128xf32, #tpu.memory_space<vmem>>, vector<1x16xf32>,
      %swap3A_286 = arith.index_cast %scan3A_250 : i32 to index
      %swap3A_287 = arith.constant 112 : index
      %swap3A_288 = tpu.vector_load %arg12[%swap3A_286, %swap3A_287] {strides = array<i32>} : memref<80x128xf32, #tpu.memory_space<vmem>>, vector<1x16xf32>,
      %swap3A_289 = vector.shape_cast %swap3A_288 : vector<1x16xf32> to vector<16xf32>
      %swap3A_290 = vector.shape_cast %broadcast_in_dim3A_3 : vector<16xf32> to vector<1x16xf32>
      tpu.vector_store %arg12[%swap3A_286, %swap3A_287], %swap3A_290 {strides = array<i32>} : memref<80x128xf32, #tpu.memory_space<vmem>>, vector<1x16xf32>,
    }
    %scan3A_8 = arith.constant 80 : i32
    %add3A_9 = arith.constant 0 : i32
    %add3A_10 = arith.addi %arg1, %add3A_9 : i32
    %lt3A = arith.constant 125 : i32
    %lt3A_11 = arith.cmpi slt, %add3A_10, %lt3A : i32
    %convert_element_type3A = arith.extui %lt3A_11 : i1 to i32
    %cond3A = arith.constant 0 : i32
    %cond3A_12 = arith.cmpi ne, %convert_element_type3A, %cond3A : i32
    scf.if %cond3A_12 {
      %mul3A_125 = arith.constant 80 : i32
      %mul3A_126 = arith.muli %add3A_10, %mul3A_125 : i32
      "tpu.region"() ({
        %run_scoped3A = tpu.sem_alloc : memref<!tpu.dma_semaphore, #tpu.memory_space<semaphore_mem>>
        %dma_start3A = arith.constant 0 : i32
        %dma_start3A_127 = tpu.memref_slice %arg7[%mul3A_126, %dma_start3A] : memref<10000x128xf32, #tpu.memory_space<vmem_shared>> -> memref<80x128xf32, #tpu.memory_space<vmem_shared>>
        %dma_start3A_128 = arith.constant 0 : i32
        %dma_start3A_129 = tpu.memref_slice %arg7[%mul3A_126, %dma_start3A_128] : memref<10000x128xf32, #tpu.memory_space<vmem_shared>> -> memref<80x128xf32, #tpu.memory_space<vmem_shared>>
        tpu.enqueue_dma source(%arg12 : memref<80x128xf32, #tpu.memory_space<vmem>>) target(%dma_start3A_129 : memref<80x128xf32, #tpu.memory_space<vmem_shared>>) target_semaphore(%run_scoped3A : memref<!tpu.dma_semaphore, #tpu.memory_space<semaphore_mem>>)
        %dma_wait3A = arith.constant 0 : i32
        %dma_wait3A_130 = tpu.memref_slice %arg7[%mul3A_126, %dma_wait3A] : memref<10000x128xf32, #tpu.memory_space<vmem_shared>> -> memref<80x128xf32, #tpu.memory_space<vmem_shared>>
        %dma_wait3A_131 = arith.constant 0 : i32
        %dma_wait3A_132 = tpu.memref_slice %arg7[%mul3A_126, %dma_wait3A_131] : memref<10000x128xf32, #tpu.memory_space<vmem_shared>> -> memref<80x128xf32, #tpu.memory_space<vmem_shared>>
        tpu.wait_dma2 semaphore(%run_scoped3A : memref<!tpu.dma_semaphore, #tpu.memory_space<semaphore_mem>>) src(%arg12 : memref<80x128xf32, #tpu.memory_space<vmem>>) dst(%dma_wait3A_132 : memref<80x128xf32, #tpu.memory_space<vmem_shared>>)
        tpu.yield
      }) : () -> ()
    } else {
    }
    %add3A_13 = arith.constant 16 : i32
    %add3A_14 = arith.addi %arg1, %add3A_13 : i32
    %lt3A_15 = arith.constant 125 : i32
    %lt3A_16 = arith.cmpi slt, %add3A_14, %lt3A_15 : i32
    %convert_element_type3A_17 = arith.extui %lt3A_16 : i1 to i32
    %cond3A_18 = arith.constant 0 : i32
    %cond3A_19 = arith.cmpi ne, %convert_element_type3A_17, %cond3A_18 : i32
    scf.if %cond3A_19 {
      %mul3A_125 = arith.constant 80 : i32
      %mul3A_126 = arith.muli %add3A_14, %mul3A_125 : i32
      "tpu.region"() ({
        %run_scoped3A = tpu.sem_alloc : memref<!tpu.dma_semaphore, #tpu.memory_space<semaphore_mem>>
        %dma_start3A = arith.constant 0 : i32
        %dma_start3A_127 = tpu.memref_slice %arg7[%mul3A_126, %dma_start3A] : memref<10000x128xf32, #tpu.memory_space<vmem_shared>> -> memref<80x128xf32, #tpu.memory_space<vmem_shared>>
        %dma_start3A_128 = arith.constant 0 : i32
        %dma_start3A_129 = tpu.memref_slice %arg7[%mul3A_126, %dma_start3A_128] : memref<10000x128xf32, #tpu.memory_space<vmem_shared>> -> memref<80x128xf32, #tpu.memory_space<vmem_shared>>
        tpu.enqueue_dma source(%arg12 : memref<80x128xf32, #tpu.memory_space<vmem>>) target(%dma_start3A_129 : memref<80x128xf32, #tpu.memory_space<vmem_shared>>) target_semaphore(%run_scoped3A : memref<!tpu.dma_semaphore, #tpu.memory_space<semaphore_mem>>)
        %dma_wait3A = arith.constant 0 : i32
        %dma_wait3A_130 = tpu.memref_slice %arg7[%mul3A_126, %dma_wait3A] : memref<10000x128xf32, #tpu.memory_space<vmem_shared>> -> memref<80x128xf32, #tpu.memory_space<vmem_shared>>
        %dma_wait3A_131 = arith.constant 0 : i32
        %dma_wait3A_132 = tpu.memref_slice %arg7[%mul3A_126, %dma_wait3A_131] : memref<10000x128xf32, #tpu.memory_space<vmem_shared>> -> memref<80x128xf32, #tpu.memory_space<vmem_shared>>
        tpu.wait_dma2 semaphore(%run_scoped3A : memref<!tpu.dma_semaphore, #tpu.memory_space<semaphore_mem>>) src(%arg12 : memref<80x128xf32, #tpu.memory_space<vmem>>) dst(%dma_wait3A_132 : memref<80x128xf32, #tpu.memory_space<vmem_shared>>)
        tpu.yield
      }) : () -> ()
    } else {
    }
    %add3A_20 = arith.constant 32 : i32
    %add3A_21 = arith.addi %arg1, %add3A_20 : i32
    %lt3A_22 = arith.constant 125 : i32
    %lt3A_23 = arith.cmpi slt, %add3A_21, %lt3A_22 : i32
    %convert_element_type3A_24 = arith.extui %lt3A_23 : i1 to i32
    %cond3A_25 = arith.constant 0 : i32
    %cond3A_26 = arith.cmpi ne, %convert_element_type3A_24, %cond3A_25 : i32
    scf.if %cond3A_26 {
      %mul3A_125 = arith.constant 80 : i32
      %mul3A_126 = arith.muli %add3A_21, %mul3A_125 : i32
      "tpu.region"() ({
        %run_scoped3A = tpu.sem_alloc : memref<!tpu.dma_semaphore, #tpu.memory_space<semaphore_mem>>
        %dma_start3A = arith.constant 0 : i32
        %dma_start3A_127 = tpu.memref_slice %arg7[%mul3A_126, %dma_start3A] : memref<10000x128xf32, #tpu.memory_space<vmem_shared>> -> memref<80x128xf32, #tpu.memory_space<vmem_shared>>
        %dma_start3A_128 = arith.constant 0 : i32
        %dma_start3A_129 = tpu.memref_slice %arg7[%mul3A_126, %dma_start3A_128] : memref<10000x128xf32, #tpu.memory_space<vmem_shared>> -> memref<80x128xf32, #tpu.memory_space<vmem_shared>>
        tpu.enqueue_dma source(%arg12 : memref<80x128xf32, #tpu.memory_space<vmem>>) target(%dma_start3A_129 : memref<80x128xf32, #tpu.memory_space<vmem_shared>>) target_semaphore(%run_scoped3A : memref<!tpu.dma_semaphore, #tpu.memory_space<semaphore_mem>>)
        %dma_wait3A = arith.constant 0 : i32
        %dma_wait3A_130 = tpu.memref_slice %arg7[%mul3A_126, %dma_wait3A] : memref<10000x128xf32, #tpu.memory_space<vmem_shared>> -> memref<80x128xf32, #tpu.memory_space<vmem_shared>>
        %dma_wait3A_131 = arith.constant 0 : i32
        %dma_wait3A_132 = tpu.memref_slice %arg7[%mul3A_126, %dma_wait3A_131] : memref<10000x128xf32, #tpu.memory_space<vmem_shared>> -> memref<80x128xf32, #tpu.memory_space<vmem_shared>>
        tpu.wait_dma2 semaphore(%run_scoped3A : memref<!tpu.dma_semaphore, #tpu.memory_space<semaphore_mem>>) src(%arg12 : memref<80x128xf32, #tpu.memory_space<vmem>>) dst(%dma_wait3A_132 : memref<80x128xf32, #tpu.memory_space<vmem_shared>>)
        tpu.yield
      }) : () -> ()
    } else {
    }
    %add3A_27 = arith.constant 48 : i32
    %add3A_28 = arith.addi %arg1, %add3A_27 : i32
    %lt3A_29 = arith.constant 125 : i32
    %lt3A_30 = arith.cmpi slt, %add3A_28, %lt3A_29 : i32
    %convert_element_type3A_31 = arith.extui %lt3A_30 : i1 to i32
    %cond3A_32 = arith.constant 0 : i32
    %cond3A_33 = arith.cmpi ne, %convert_element_type3A_31, %cond3A_32 : i32
    scf.if %cond3A_33 {
      %mul3A_125 = arith.constant 80 : i32
      %mul3A_126 = arith.muli %add3A_28, %mul3A_125 : i32
      "tpu.region"() ({
        %run_scoped3A = tpu.sem_alloc : memref<!tpu.dma_semaphore, #tpu.memory_space<semaphore_mem>>
        %dma_start3A = arith.constant 0 : i32
        %dma_start3A_127 = tpu.memref_slice %arg7[%mul3A_126, %dma_start3A] : memref<10000x128xf32, #tpu.memory_space<vmem_shared>> -> memref<80x128xf32, #tpu.memory_space<vmem_shared>>
        %dma_start3A_128 = arith.constant 0 : i32
        %dma_start3A_129 = tpu.memref_slice %arg7[%mul3A_126, %dma_start3A_128] : memref<10000x128xf32, #tpu.memory_space<vmem_shared>> -> memref<80x128xf32, #tpu.memory_space<vmem_shared>>
        tpu.enqueue_dma source(%arg12 : memref<80x128xf32, #tpu.memory_space<vmem>>) target(%dma_start3A_129 : memref<80x128xf32, #tpu.memory_space<vmem_shared>>) target_semaphore(%run_scoped3A : memref<!tpu.dma_semaphore, #tpu.memory_space<semaphore_mem>>)
        %dma_wait3A = arith.constant 0 : i32
        %dma_wait3A_130 = tpu.memref_slice %arg7[%mul3A_126, %dma_wait3A] : memref<10000x128xf32, #tpu.memory_space<vmem_shared>> -> memref<80x128xf32, #tpu.memory_space<vmem_shared>>
        %dma_wait3A_131 = arith.constant 0 : i32
        %dma_wait3A_132 = tpu.memref_slice %arg7[%mul3A_126, %dma_wait3A_131] : memref<10000x128xf32, #tpu.memory_space<vmem_shared>> -> memref<80x128xf32, #tpu.memory_space<vmem_shared>>
        tpu.wait_dma2 semaphore(%run_scoped3A : memref<!tpu.dma_semaphore, #tpu.memory_space<semaphore_mem>>) src(%arg12 : memref<80x128xf32, #tpu.memory_space<vmem>>) dst(%dma_wait3A_132 : memref<80x128xf32, #tpu.memory_space<vmem_shared>>)
        tpu.yield
      }) : () -> ()
    } else {
    }
    %add3A_34 = arith.constant 64 : i32
    %add3A_35 = arith.addi %arg1, %add3A_34 : i32
    %lt3A_36 = arith.constant 125 : i32
    %lt3A_37 = arith.cmpi slt, %add3A_35, %lt3A_36 : i32
    %convert_element_type3A_38 = arith.extui %lt3A_37 : i1 to i32
    %cond3A_39 = arith.constant 0 : i32
    %cond3A_40 = arith.cmpi ne, %convert_element_type3A_38, %cond3A_39 : i32
    scf.if %cond3A_40 {
      %mul3A_125 = arith.constant 80 : i32
      %mul3A_126 = arith.muli %add3A_35, %mul3A_125 : i32
      "tpu.region"() ({
        %run_scoped3A = tpu.sem_alloc : memref<!tpu.dma_semaphore, #tpu.memory_space<semaphore_mem>>
        %dma_start3A = arith.constant 0 : i32
        %dma_start3A_127 = tpu.memref_slice %arg7[%mul3A_126, %dma_start3A] : memref<10000x128xf32, #tpu.memory_space<vmem_shared>> -> memref<80x128xf32, #tpu.memory_space<vmem_shared>>
        %dma_start3A_128 = arith.constant 0 : i32
        %dma_start3A_129 = tpu.memref_slice %arg7[%mul3A_126, %dma_start3A_128] : memref<10000x128xf32, #tpu.memory_space<vmem_shared>> -> memref<80x128xf32, #tpu.memory_space<vmem_shared>>
        tpu.enqueue_dma source(%arg12 : memref<80x128xf32, #tpu.memory_space<vmem>>) target(%dma_start3A_129 : memref<80x128xf32, #tpu.memory_space<vmem_shared>>) target_semaphore(%run_scoped3A : memref<!tpu.dma_semaphore, #tpu.memory_space<semaphore_mem>>)
        %dma_wait3A = arith.constant 0 : i32
        %dma_wait3A_130 = tpu.memref_slice %arg7[%mul3A_126, %dma_wait3A] : memref<10000x128xf32, #tpu.memory_space<vmem_shared>> -> memref<80x128xf32, #tpu.memory_space<vmem_shared>>
        %dma_wait3A_131 = arith.constant 0 : i32
        %dma_wait3A_132 = tpu.memref_slice %arg7[%mul3A_126, %dma_wait3A_131] : memref<10000x128xf32, #tpu.memory_space<vmem_shared>> -> memref<80x128xf32, #tpu.memory_space<vmem_shared>>
        tpu.wait_dma2 semaphore(%run_scoped3A : memref<!tpu.dma_semaphore, #tpu.memory_space<semaphore_mem>>) src(%arg12 : memref<80x128xf32, #tpu.memory_space<vmem>>) dst(%dma_wait3A_132 : memref<80x128xf32, #tpu.memory_space<vmem_shared>>)
        tpu.yield
      }) : () -> ()
    } else {
    }
    %add3A_41 = arith.constant 80 : i32
    %add3A_42 = arith.addi %arg1, %add3A_41 : i32
    %lt3A_43 = arith.constant 125 : i32
    %lt3A_44 = arith.cmpi slt, %add3A_42, %lt3A_43 : i32
    %convert_element_type3A_45 = arith.extui %lt3A_44 : i1 to i32
    %cond3A_46 = arith.constant 0 : i32
    %cond3A_47 = arith.cmpi ne, %convert_element_type3A_45, %cond3A_46 : i32
    scf.if %cond3A_47 {
      %mul3A_125 = arith.constant 80 : i32
      %mul3A_126 = arith.muli %add3A_42, %mul3A_125 : i32
      "tpu.region"() ({
        %run_scoped3A = tpu.sem_alloc : memref<!tpu.dma_semaphore, #tpu.memory_space<semaphore_mem>>
        %dma_start3A = arith.constant 0 : i32
        %dma_start3A_127 = tpu.memref_slice %arg7[%mul3A_126, %dma_start3A] : memref<10000x128xf32, #tpu.memory_space<vmem_shared>> -> memref<80x128xf32, #tpu.memory_space<vmem_shared>>
        %dma_start3A_128 = arith.constant 0 : i32
        %dma_start3A_129 = tpu.memref_slice %arg7[%mul3A_126, %dma_start3A_128] : memref<10000x128xf32, #tpu.memory_space<vmem_shared>> -> memref<80x128xf32, #tpu.memory_space<vmem_shared>>
        tpu.enqueue_dma source(%arg12 : memref<80x128xf32, #tpu.memory_space<vmem>>) target(%dma_start3A_129 : memref<80x128xf32, #tpu.memory_space<vmem_shared>>) target_semaphore(%run_scoped3A : memref<!tpu.dma_semaphore, #tpu.memory_space<semaphore_mem>>)
        %dma_wait3A = arith.constant 0 : i32
        %dma_wait3A_130 = tpu.memref_slice %arg7[%mul3A_126, %dma_wait3A] : memref<10000x128xf32, #tpu.memory_space<vmem_shared>> -> memref<80x128xf32, #tpu.memory_space<vmem_shared>>
        %dma_wait3A_131 = arith.constant 0 : i32
        %dma_wait3A_132 = tpu.memref_slice %arg7[%mul3A_126, %dma_wait3A_131] : memref<10000x128xf32, #tpu.memory_space<vmem_shared>> -> memref<80x128xf32, #tpu.memory_space<vmem_shared>>
        tpu.wait_dma2 semaphore(%run_scoped3A : memref<!tpu.dma_semaphore, #tpu.memory_space<semaphore_mem>>) src(%arg12 : memref<80x128xf32, #tpu.memory_space<vmem>>) dst(%dma_wait3A_132 : memref<80x128xf32, #tpu.memory_space<vmem_shared>>)
        tpu.yield
      }) : () -> ()
    } else {
    }
    %add3A_48 = arith.constant 96 : i32
    %add3A_49 = arith.addi %arg1, %add3A_48 : i32
    %lt3A_50 = arith.constant 125 : i32
    %lt3A_51 = arith.cmpi slt, %add3A_49, %lt3A_50 : i32
    %convert_element_type3A_52 = arith.extui %lt3A_51 : i1 to i32
    %cond3A_53 = arith.constant 0 : i32
    %cond3A_54 = arith.cmpi ne, %convert_element_type3A_52, %cond3A_53 : i32
    scf.if %cond3A_54 {
      %mul3A_125 = arith.constant 80 : i32
      %mul3A_126 = arith.muli %add3A_49, %mul3A_125 : i32
      "tpu.region"() ({
        %run_scoped3A = tpu.sem_alloc : memref<!tpu.dma_semaphore, #tpu.memory_space<semaphore_mem>>
        %dma_start3A = arith.constant 0 : i32
        %dma_start3A_127 = tpu.memref_slice %arg7[%mul3A_126, %dma_start3A] : memref<10000x128xf32, #tpu.memory_space<vmem_shared>> -> memref<80x128xf32, #tpu.memory_space<vmem_shared>>
        %dma_start3A_128 = arith.constant 0 : i32
        %dma_start3A_129 = tpu.memref_slice %arg7[%mul3A_126, %dma_start3A_128] : memref<10000x128xf32, #tpu.memory_space<vmem_shared>> -> memref<80x128xf32, #tpu.memory_space<vmem_shared>>
        tpu.enqueue_dma source(%arg12 : memref<80x128xf32, #tpu.memory_space<vmem>>) target(%dma_start3A_129 : memref<80x128xf32, #tpu.memory_space<vmem_shared>>) target_semaphore(%run_scoped3A : memref<!tpu.dma_semaphore, #tpu.memory_space<semaphore_mem>>)
        %dma_wait3A = arith.constant 0 : i32
        %dma_wait3A_130 = tpu.memref_slice %arg7[%mul3A_126, %dma_wait3A] : memref<10000x128xf32, #tpu.memory_space<vmem_shared>> -> memref<80x128xf32, #tpu.memory_space<vmem_shared>>
        %dma_wait3A_131 = arith.constant 0 : i32
        %dma_wait3A_132 = tpu.memref_slice %arg7[%mul3A_126, %dma_wait3A_131] : memref<10000x128xf32, #tpu.memory_space<vmem_shared>> -> memref<80x128xf32, #tpu.memory_space<vmem_shared>>
        tpu.wait_dma2 semaphore(%run_scoped3A : memref<!tpu.dma_semaphore, #tpu.memory_space<semaphore_mem>>) src(%arg12 : memref<80x128xf32, #tpu.memory_space<vmem>>) dst(%dma_wait3A_132 : memref<80x128xf32, #tpu.memory_space<vmem_shared>>)
        tpu.yield
      }) : () -> ()
    } else {
    }
    %add3A_55 = arith.constant 112 : i32
    %add3A_56 = arith.addi %arg1, %add3A_55 : i32
    %lt3A_57 = arith.constant 125 : i32
    %lt3A_58 = arith.cmpi slt, %add3A_56, %lt3A_57 : i32
    %convert_element_type3A_59 = arith.extui %lt3A_58 : i1 to i32
    %cond3A_60 = arith.constant 0 : i32
    %cond3A_61 = arith.cmpi ne, %convert_element_type3A_59, %cond3A_60 : i32
    scf.if %cond3A_61 {
      %mul3A_125 = arith.constant 80 : i32
      %mul3A_126 = arith.muli %add3A_56, %mul3A_125 : i32
      "tpu.region"() ({
        %run_scoped3A = tpu.sem_alloc : memref<!tpu.dma_semaphore, #tpu.memory_space<semaphore_mem>>
        %dma_start3A = arith.constant 0 : i32
        %dma_start3A_127 = tpu.memref_slice %arg7[%mul3A_126, %dma_start3A] : memref<10000x128xf32, #tpu.memory_space<vmem_shared>> -> memref<80x128xf32, #tpu.memory_space<vmem_shared>>
        %dma_start3A_128 = arith.constant 0 : i32
        %dma_start3A_129 = tpu.memref_slice %arg7[%mul3A_126, %dma_start3A_128] : memref<10000x128xf32, #tpu.memory_space<vmem_shared>> -> memref<80x128xf32, #tpu.memory_space<vmem_shared>>
        tpu.enqueue_dma source(%arg12 : memref<80x128xf32, #tpu.memory_space<vmem>>) target(%dma_start3A_129 : memref<80x128xf32, #tpu.memory_space<vmem_shared>>) target_semaphore(%run_scoped3A : memref<!tpu.dma_semaphore, #tpu.memory_space<semaphore_mem>>)
        %dma_wait3A = arith.constant 0 : i32
        %dma_wait3A_130 = tpu.memref_slice %arg7[%mul3A_126, %dma_wait3A] : memref<10000x128xf32, #tpu.memory_space<vmem_shared>> -> memref<80x128xf32, #tpu.memory_space<vmem_shared>>
        %dma_wait3A_131 = arith.constant 0 : i32
        %dma_wait3A_132 = tpu.memref_slice %arg7[%mul3A_126, %dma_wait3A_131] : memref<10000x128xf32, #tpu.memory_space<vmem_shared>> -> memref<80x128xf32, #tpu.memory_space<vmem_shared>>
        tpu.wait_dma2 semaphore(%run_scoped3A : memref<!tpu.dma_semaphore, #tpu.memory_space<semaphore_mem>>) src(%arg12 : memref<80x128xf32, #tpu.memory_space<vmem>>) dst(%dma_wait3A_132 : memref<80x128xf32, #tpu.memory_space<vmem_shared>>)
        tpu.yield
      }) : () -> ()
    } else {
    }
    %barrier3A = arith.constant 0 : index
    tpu.barrier barrier_id(%barrier3A)
    %scan3A_62 = arith.constant 0 : i32
    %scan3A_63 = arith.constant 0 : i32
    %scan3A_64 = arith.constant 125 : i32
    %scan3A_65 = arith.addi %scan3A_63, %scan3A_64 : i32
    %scan3A_66 = arith.constant 1 : i32
    scf.for %scan3A_125 = %scan3A_63 to %scan3A_65 step %scan3A_66  : i32 {
      %mul3A_126 = arith.constant 80 : i32
      %mul3A_127 = arith.muli %scan3A_125, %mul3A_126 : i32
      %add3A_128 = arith.addi %mul3A_2, %mul3A_127 : i32
      "tpu.region"() ({
        %run_scoped3A = tpu.sem_alloc : memref<!tpu.dma_semaphore, #tpu.memory_space<semaphore_mem>>
        %dma_start3A_139 = tpu.memref_slice %arg4[%add3A_128] : memref<320000xi32, #tpu.memory_space<hbm>> -> memref<80xi32, #tpu.memory_space<hbm>>
        %dma_start3A_140 = tpu.memref_slice %arg4[%add3A_128] : memref<320000xi32, #tpu.memory_space<hbm>> -> memref<80xi32, #tpu.memory_space<hbm>>
        tpu.enqueue_dma source(%dma_start3A_140 : memref<80xi32, #tpu.memory_space<hbm>>) target(%arg8 : memref<80xi32, #tpu.memory_space<vmem>>) target_semaphore(%run_scoped3A : memref<!tpu.dma_semaphore, #tpu.memory_space<semaphore_mem>>)
        %dma_wait3A_141 = tpu.memref_slice %arg4[%add3A_128] : memref<320000xi32, #tpu.memory_space<hbm>> -> memref<80xi32, #tpu.memory_space<hbm>>
        %dma_wait3A_142 = tpu.memref_slice %arg4[%add3A_128] : memref<320000xi32, #tpu.memory_space<hbm>> -> memref<80xi32, #tpu.memory_space<hbm>>
        tpu.wait_dma2 semaphore(%run_scoped3A : memref<!tpu.dma_semaphore, #tpu.memory_space<semaphore_mem>>) src(%dma_wait3A_142 : memref<80xi32, #tpu.memory_space<hbm>>) dst(%arg8 : memref<80xi32, #tpu.memory_space<vmem>>)
        tpu.yield
      }) : () -> ()
      "tpu.region"() ({
        %run_scoped3A = tpu.sem_alloc : memref<!tpu.dma_semaphore, #tpu.memory_space<semaphore_mem>>
        %dma_start3A_139 = tpu.memref_slice %arg5[%add3A_128] : memref<320000xi32, #tpu.memory_space<hbm>> -> memref<80xi32, #tpu.memory_space<hbm>>
        %dma_start3A_140 = tpu.memref_slice %arg5[%add3A_128] : memref<320000xi32, #tpu.memory_space<hbm>> -> memref<80xi32, #tpu.memory_space<hbm>>
        tpu.enqueue_dma source(%dma_start3A_140 : memref<80xi32, #tpu.memory_space<hbm>>) target(%arg9 : memref<80xi32, #tpu.memory_space<vmem>>) target_semaphore(%run_scoped3A : memref<!tpu.dma_semaphore, #tpu.memory_space<semaphore_mem>>)
        %dma_wait3A_141 = tpu.memref_slice %arg5[%add3A_128] : memref<320000xi32, #tpu.memory_space<hbm>> -> memref<80xi32, #tpu.memory_space<hbm>>
        %dma_wait3A_142 = tpu.memref_slice %arg5[%add3A_128] : memref<320000xi32, #tpu.memory_space<hbm>> -> memref<80xi32, #tpu.memory_space<hbm>>
        tpu.wait_dma2 semaphore(%run_scoped3A : memref<!tpu.dma_semaphore, #tpu.memory_space<semaphore_mem>>) src(%dma_wait3A_142 : memref<80xi32, #tpu.memory_space<hbm>>) dst(%arg9 : memref<80xi32, #tpu.memory_space<vmem>>)
        tpu.yield
      }) : () -> ()
      %dma_start3A = arith.constant 0 : i32
      %dma_start3A_129 = arith.constant 0 : i32
      %dma_start3A_130 = tpu.memref_slice %arg2[%dma_start3A, %dma_start3A_129] : memref<10000x128xf32, #tpu.memory_space<hbm>> -> memref<10000x128xf32, #tpu.memory_space<hbm>>
      tpu.enqueue_indirect_dma source(%dma_start3A_130 : memref<10000x128xf32, #tpu.memory_space<hbm>>) target(%arg10 : memref<80x128xf32, #tpu.memory_space<vmem>>) offsets(%arg8 : memref<80xi32, #tpu.memory_space<vmem>>) semaphore(%arg13 : memref<!tpu.dma_semaphore, #tpu.memory_space<semaphore_mem>>)
      "tpu.region"() ({
        %run_scoped3A = tpu.sem_alloc : memref<!tpu.dma_semaphore, #tpu.memory_space<semaphore_mem>>
        %dma_start3A_139 = arith.constant 0 : i32
        %dma_start3A_140 = tpu.memref_slice %arg3[%add3A_128, %dma_start3A_139] : memref<320000x128xf32, #tpu.memory_space<hbm>> -> memref<80x128xf32, #tpu.memory_space<hbm>>
        %dma_start3A_141 = arith.constant 0 : i32
        %dma_start3A_142 = tpu.memref_slice %arg3[%add3A_128, %dma_start3A_141] : memref<320000x128xf32, #tpu.memory_space<hbm>> -> memref<80x128xf32, #tpu.memory_space<hbm>>
        tpu.enqueue_dma source(%dma_start3A_142 : memref<80x128xf32, #tpu.memory_space<hbm>>) target(%arg11 : memref<80x128xf32, #tpu.memory_space<vmem>>) target_semaphore(%run_scoped3A : memref<!tpu.dma_semaphore, #tpu.memory_space<semaphore_mem>>)
        %dma_wait3A_143 = arith.constant 0 : i32
        %dma_wait3A_144 = tpu.memref_slice %arg3[%add3A_128, %dma_wait3A_143] : memref<320000x128xf32, #tpu.memory_space<hbm>> -> memref<80x128xf32, #tpu.memory_space<hbm>>
        %dma_wait3A_145 = arith.constant 0 : i32
        %dma_wait3A_146 = tpu.memref_slice %arg3[%add3A_128, %dma_wait3A_145] : memref<320000x128xf32, #tpu.memory_space<hbm>> -> memref<80x128xf32, #tpu.memory_space<hbm>>
        tpu.wait_dma2 semaphore(%run_scoped3A : memref<!tpu.dma_semaphore, #tpu.memory_space<semaphore_mem>>) src(%dma_wait3A_146 : memref<80x128xf32, #tpu.memory_space<hbm>>) dst(%arg11 : memref<80x128xf32, #tpu.memory_space<vmem>>)
        tpu.yield
      }) : () -> ()
      %dma_wait3A = arith.constant 0 : i32
      %dma_wait3A_131 = arith.constant 0 : i32
      %dma_wait3A_132 = tpu.memref_slice %arg2[%dma_wait3A, %dma_wait3A_131] : memref<10000x128xf32, #tpu.memory_space<hbm>> -> memref<10000x128xf32, #tpu.memory_space<hbm>>
      tpu.wait_indirect_dma semaphore(%arg13 : memref<!tpu.dma_semaphore, #tpu.memory_space<semaphore_mem>>) src(%dma_wait3A_132 : memref<10000x128xf32, #tpu.memory_space<hbm>>) dst(%arg10 : memref<80x128xf32, #tpu.memory_space<vmem>>)
      %scan3A_133 = arith.constant 0 : i32
      %scan3A_134 = arith.constant 0 : i32
      %scan3A_135 = arith.constant 80 : i32
      %scan3A_136 = arith.addi %scan3A_134, %scan3A_135 : i32
      %scan3A_137 = arith.constant 4 : i32
      scf.for %scan3A_139 = %scan3A_134 to %scan3A_136 step %scan3A_137  : i32 {
        %get3A = arith.index_cast %scan3A_139 : i32 to index
        %get3A_140 = arith.constant 0 : index
        %get3A_141 = tpu.vector_load %arg11[%get3A, %get3A_140] {strides = array<i32>} : memref<80x128xf32, #tpu.memory_space<vmem>>, vector<1x16xf32>,
        %get3A_142 = vector.shape_cast %get3A_141 : vector<1x16xf32> to vector<16xf32>
        %get3A_143 = arith.index_cast %scan3A_139 : i32 to index
        %get3A_144 = arith.constant 0 : index
        %get3A_145 = tpu.vector_load %arg10[%get3A_143, %get3A_144] {strides = array<i32>} : memref<80x128xf32, #tpu.memory_space<vmem>>, vector<1x16xf32>,
        %get3A_146 = vector.shape_cast %get3A_145 : vector<1x16xf32> to vector<16xf32>
        %mul3A_147 = arith.mulf %get3A_142, %get3A_146 : vector<16xf32>
        %swap3A = arith.index_cast %scan3A_139 : i32 to index
        %swap3A_148 = arith.constant 0 : index
        %swap3A_149 = tpu.vector_load %arg11[%swap3A, %swap3A_148] {strides = array<i32>} : memref<80x128xf32, #tpu.memory_space<vmem>>, vector<1x16xf32>,
        %swap3A_150 = vector.shape_cast %swap3A_149 : vector<1x16xf32> to vector<16xf32>
        %swap3A_151 = vector.shape_cast %mul3A_147 : vector<16xf32> to vector<1x16xf32>
        tpu.vector_store %arg11[%swap3A, %swap3A_148], %swap3A_151 {strides = array<i32>} : memref<80x128xf32, #tpu.memory_space<vmem>>, vector<1x16xf32>,
        %get3A_152 = arith.index_cast %scan3A_139 : i32 to index
        %get3A_153 = arith.constant 16 : index
        %get3A_154 = tpu.vector_load %arg11[%get3A_152, %get3A_153] {strides = array<i32>} : memref<80x128xf32, #tpu.memory_space<vmem>>, vector<1x16xf32>,
        %get3A_155 = vector.shape_cast %get3A_154 : vector<1x16xf32> to vector<16xf32>
        %get3A_156 = arith.index_cast %scan3A_139 : i32 to index
        %get3A_157 = arith.constant 16 : index
        %get3A_158 = tpu.vector_load %arg10[%get3A_156, %get3A_157] {strides = array<i32>} : memref<80x128xf32, #tpu.memory_space<vmem>>, vector<1x16xf32>,
        %get3A_159 = vector.shape_cast %get3A_158 : vector<1x16xf32> to vector<16xf32>
        %mul3A_160 = arith.mulf %get3A_155, %get3A_159 : vector<16xf32>
        %swap3A_161 = arith.index_cast %scan3A_139 : i32 to index
        %swap3A_162 = arith.constant 16 : index
        %swap3A_163 = tpu.vector_load %arg11[%swap3A_161, %swap3A_162] {strides = array<i32>} : memref<80x128xf32, #tpu.memory_space<vmem>>, vector<1x16xf32>,
        %swap3A_164 = vector.shape_cast %swap3A_163 : vector<1x16xf32> to vector<16xf32>
        %swap3A_165 = vector.shape_cast %mul3A_160 : vector<16xf32> to vector<1x16xf32>
        tpu.vector_store %arg11[%swap3A_161, %swap3A_162], %swap3A_165 {strides = array<i32>} : memref<80x128xf32, #tpu.memory_space<vmem>>, vector<1x16xf32>,
        %get3A_166 = arith.index_cast %scan3A_139 : i32 to index
        %get3A_167 = arith.constant 32 : index
        %get3A_168 = tpu.vector_load %arg11[%get3A_166, %get3A_167] {strides = array<i32>} : memref<80x128xf32, #tpu.memory_space<vmem>>, vector<1x16xf32>,
        %get3A_169 = vector.shape_cast %get3A_168 : vector<1x16xf32> to vector<16xf32>
        %get3A_170 = arith.index_cast %scan3A_139 : i32 to index
        %get3A_171 = arith.constant 32 : index
        %get3A_172 = tpu.vector_load %arg10[%get3A_170, %get3A_171] {strides = array<i32>} : memref<80x128xf32, #tpu.memory_space<vmem>>, vector<1x16xf32>,
        %get3A_173 = vector.shape_cast %get3A_172 : vector<1x16xf32> to vector<16xf32>
        %mul3A_174 = arith.mulf %get3A_169, %get3A_173 : vector<16xf32>
        %swap3A_175 = arith.index_cast %scan3A_139 : i32 to index
        %swap3A_176 = arith.constant 32 : index
        %swap3A_177 = tpu.vector_load %arg11[%swap3A_175, %swap3A_176] {strides = array<i32>} : memref<80x128xf32, #tpu.memory_space<vmem>>, vector<1x16xf32>,
        %swap3A_178 = vector.shape_cast %swap3A_177 : vector<1x16xf32> to vector<16xf32>
        %swap3A_179 = vector.shape_cast %mul3A_174 : vector<16xf32> to vector<1x16xf32>
        tpu.vector_store %arg11[%swap3A_175, %swap3A_176], %swap3A_179 {strides = array<i32>} : memref<80x128xf32, #tpu.memory_space<vmem>>, vector<1x16xf32>,
        %get3A_180 = arith.index_cast %scan3A_139 : i32 to index
        %get3A_181 = arith.constant 48 : index
        %get3A_182 = tpu.vector_load %arg11[%get3A_180, %get3A_181] {strides = array<i32>} : memref<80x128xf32, #tpu.memory_space<vmem>>, vector<1x16xf32>,
        %get3A_183 = vector.shape_cast %get3A_182 : vector<1x16xf32> to vector<16xf32>
        %get3A_184 = arith.index_cast %scan3A_139 : i32 to index
        %get3A_185 = arith.constant 48 : index
        %get3A_186 = tpu.vector_load %arg10[%get3A_184, %get3A_185] {strides = array<i32>} : memref<80x128xf32, #tpu.memory_space<vmem>>, vector<1x16xf32>,
        %get3A_187 = vector.shape_cast %get3A_186 : vector<1x16xf32> to vector<16xf32>
        %mul3A_188 = arith.mulf %get3A_183, %get3A_187 : vector<16xf32>
        %swap3A_189 = arith.index_cast %scan3A_139 : i32 to index
        %swap3A_190 = arith.constant 48 : index
        %swap3A_191 = tpu.vector_load %arg11[%swap3A_189, %swap3A_190] {strides = array<i32>} : memref<80x128xf32, #tpu.memory_space<vmem>>, vector<1x16xf32>,
        %swap3A_192 = vector.shape_cast %swap3A_191 : vector<1x16xf32> to vector<16xf32>
        %swap3A_193 = vector.shape_cast %mul3A_188 : vector<16xf32> to vector<1x16xf32>
        tpu.vector_store %arg11[%swap3A_189, %swap3A_190], %swap3A_193 {strides = array<i32>} : memref<80x128xf32, #tpu.memory_space<vmem>>, vector<1x16xf32>,
        %get3A_194 = arith.index_cast %scan3A_139 : i32 to index
        %get3A_195 = arith.constant 64 : index
        %get3A_196 = tpu.vector_load %arg11[%get3A_194, %get3A_195] {strides = array<i32>} : memref<80x128xf32, #tpu.memory_space<vmem>>, vector<1x16xf32>,
        %get3A_197 = vector.shape_cast %get3A_196 : vector<1x16xf32> to vector<16xf32>
        %get3A_198 = arith.index_cast %scan3A_139 : i32 to index
        %get3A_199 = arith.constant 64 : index
        %get3A_200 = tpu.vector_load %arg10[%get3A_198, %get3A_199] {strides = array<i32>} : memref<80x128xf32, #tpu.memory_space<vmem>>, vector<1x16xf32>,
        %get3A_201 = vector.shape_cast %get3A_200 : vector<1x16xf32> to vector<16xf32>
        %mul3A_202 = arith.mulf %get3A_197, %get3A_201 : vector<16xf32>
        %swap3A_203 = arith.index_cast %scan3A_139 : i32 to index
        %swap3A_204 = arith.constant 64 : index
        %swap3A_205 = tpu.vector_load %arg11[%swap3A_203, %swap3A_204] {strides = array<i32>} : memref<80x128xf32, #tpu.memory_space<vmem>>, vector<1x16xf32>,
        %swap3A_206 = vector.shape_cast %swap3A_205 : vector<1x16xf32> to vector<16xf32>
        %swap3A_207 = vector.shape_cast %mul3A_202 : vector<16xf32> to vector<1x16xf32>
        tpu.vector_store %arg11[%swap3A_203, %swap3A_204], %swap3A_207 {strides = array<i32>} : memref<80x128xf32, #tpu.memory_space<vmem>>, vector<1x16xf32>,
        %get3A_208 = arith.index_cast %scan3A_139 : i32 to index
        %get3A_209 = arith.constant 80 : index
        %get3A_210 = tpu.vector_load %arg11[%get3A_208, %get3A_209] {strides = array<i32>} : memref<80x128xf32, #tpu.memory_space<vmem>>, vector<1x16xf32>,
        %get3A_211 = vector.shape_cast %get3A_210 : vector<1x16xf32> to vector<16xf32>
        %get3A_212 = arith.index_cast %scan3A_139 : i32 to index
        %get3A_213 = arith.constant 80 : index
        %get3A_214 = tpu.vector_load %arg10[%get3A_212, %get3A_213] {strides = array<i32>} : memref<80x128xf32, #tpu.memory_space<vmem>>, vector<1x16xf32>,
        %get3A_215 = vector.shape_cast %get3A_214 : vector<1x16xf32> to vector<16xf32>
        %mul3A_216 = arith.mulf %get3A_211, %get3A_215 : vector<16xf32>
        %swap3A_217 = arith.index_cast %scan3A_139 : i32 to index
        %swap3A_218 = arith.constant 80 : index
        %swap3A_219 = tpu.vector_load %arg11[%swap3A_217, %swap3A_218] {strides = array<i32>} : memref<80x128xf32, #tpu.memory_space<vmem>>, vector<1x16xf32>,
        %swap3A_220 = vector.shape_cast %swap3A_219 : vector<1x16xf32> to vector<16xf32>
        %swap3A_221 = vector.shape_cast %mul3A_216 : vector<16xf32> to vector<1x16xf32>
        tpu.vector_store %arg11[%swap3A_217, %swap3A_218], %swap3A_221 {strides = array<i32>} : memref<80x128xf32, #tpu.memory_space<vmem>>, vector<1x16xf32>,
        %get3A_222 = arith.index_cast %scan3A_139 : i32 to index
        %get3A_223 = arith.constant 96 : index
        %get3A_224 = tpu.vector_load %arg11[%get3A_222, %get3A_223] {strides = array<i32>} : memref<80x128xf32, #tpu.memory_space<vmem>>, vector<1x16xf32>,
        %get3A_225 = vector.shape_cast %get3A_224 : vector<1x16xf32> to vector<16xf32>
        %get3A_226 = arith.index_cast %scan3A_139 : i32 to index
        %get3A_227 = arith.constant 96 : index
        %get3A_228 = tpu.vector_load %arg10[%get3A_226, %get3A_227] {strides = array<i32>} : memref<80x128xf32, #tpu.memory_space<vmem>>, vector<1x16xf32>,
        %get3A_229 = vector.shape_cast %get3A_228 : vector<1x16xf32> to vector<16xf32>
        %mul3A_230 = arith.mulf %get3A_225, %get3A_229 : vector<16xf32>
        %swap3A_231 = arith.index_cast %scan3A_139 : i32 to index
        %swap3A_232 = arith.constant 96 : index
        %swap3A_233 = tpu.vector_load %arg11[%swap3A_231, %swap3A_232] {strides = array<i32>} : memref<80x128xf32, #tpu.memory_space<vmem>>, vector<1x16xf32>,
        %swap3A_234 = vector.shape_cast %swap3A_233 : vector<1x16xf32> to vector<16xf32>
        %swap3A_235 = vector.shape_cast %mul3A_230 : vector<16xf32> to vector<1x16xf32>
        tpu.vector_store %arg11[%swap3A_231, %swap3A_232], %swap3A_235 {strides = array<i32>} : memref<80x128xf32, #tpu.memory_space<vmem>>, vector<1x16xf32>,
        %get3A_236 = arith.index_cast %scan3A_139 : i32 to index
        %get3A_237 = arith.constant 112 : index
        %get3A_238 = tpu.vector_load %arg11[%get3A_236, %get3A_237] {strides = array<i32>} : memref<80x128xf32, #tpu.memory_space<vmem>>, vector<1x16xf32>,
        %get3A_239 = vector.shape_cast %get3A_238 : vector<1x16xf32> to vector<16xf32>
        %get3A_240 = arith.index_cast %scan3A_139 : i32 to index
        %get3A_241 = arith.constant 112 : index
        %get3A_242 = tpu.vector_load %arg10[%get3A_240, %get3A_241] {strides = array<i32>} : memref<80x128xf32, #tpu.memory_space<vmem>>, vector<1x16xf32>,
        %get3A_243 = vector.shape_cast %get3A_242 : vector<1x16xf32> to vector<16xf32>
        %mul3A_244 = arith.mulf %get3A_239, %get3A_243 : vector<16xf32>
        %swap3A_245 = arith.index_cast %scan3A_139 : i32 to index
        %swap3A_246 = arith.constant 112 : index
        %swap3A_247 = tpu.vector_load %arg11[%swap3A_245, %swap3A_246] {strides = array<i32>} : memref<80x128xf32, #tpu.memory_space<vmem>>, vector<1x16xf32>,
        %swap3A_248 = vector.shape_cast %swap3A_247 : vector<1x16xf32> to vector<16xf32>
        %swap3A_249 = vector.shape_cast %mul3A_244 : vector<16xf32> to vector<1x16xf32>
        tpu.vector_store %arg11[%swap3A_245, %swap3A_246], %swap3A_249 {strides = array<i32>} : memref<80x128xf32, #tpu.memory_space<vmem>>, vector<1x16xf32>,
        %scan3A_250 = arith.constant 1 : i32
        %scan3A_251 = arith.addi %scan3A_139, %scan3A_250 : i32
        %get3A_252 = arith.index_cast %scan3A_251 : i32 to index
        %get3A_253 = arith.constant 0 : index
        %get3A_254 = tpu.vector_load %arg11[%get3A_252, %get3A_253] {strides = array<i32>} : memref<80x128xf32, #tpu.memory_space<vmem>>, vector<1x16xf32>,
        %get3A_255 = vector.shape_cast %get3A_254 : vector<1x16xf32> to vector<16xf32>
        %get3A_256 = arith.index_cast %scan3A_251 : i32 to index
        %get3A_257 = arith.constant 0 : index
        %get3A_258 = tpu.vector_load %arg10[%get3A_256, %get3A_257] {strides = array<i32>} : memref<80x128xf32, #tpu.memory_space<vmem>>, vector<1x16xf32>,
        %get3A_259 = vector.shape_cast %get3A_258 : vector<1x16xf32> to vector<16xf32>
        %mul3A_260 = arith.mulf %get3A_255, %get3A_259 : vector<16xf32>
        %swap3A_261 = arith.index_cast %scan3A_251 : i32 to index
        %swap3A_262 = arith.constant 0 : index
        %swap3A_263 = tpu.vector_load %arg11[%swap3A_261, %swap3A_262] {strides = array<i32>} : memref<80x128xf32, #tpu.memory_space<vmem>>, vector<1x16xf32>,
        %swap3A_264 = vector.shape_cast %swap3A_263 : vector<1x16xf32> to vector<16xf32>
        %swap3A_265 = vector.shape_cast %mul3A_260 : vector<16xf32> to vector<1x16xf32>
        tpu.vector_store %arg11[%swap3A_261, %swap3A_262], %swap3A_265 {strides = array<i32>} : memref<80x128xf32, #tpu.memory_space<vmem>>, vector<1x16xf32>,
        %get3A_266 = arith.index_cast %scan3A_251 : i32 to index
        %get3A_267 = arith.constant 16 : index
        %get3A_268 = tpu.vector_load %arg11[%get3A_266, %get3A_267] {strides = array<i32>} : memref<80x128xf32, #tpu.memory_space<vmem>>, vector<1x16xf32>,
        %get3A_269 = vector.shape_cast %get3A_268 : vector<1x16xf32> to vector<16xf32>
        %get3A_270 = arith.index_cast %scan3A_251 : i32 to index
        %get3A_271 = arith.constant 16 : index
        %get3A_272 = tpu.vector_load %arg10[%get3A_270, %get3A_271] {strides = array<i32>} : memref<80x128xf32, #tpu.memory_space<vmem>>, vector<1x16xf32>,
        %get3A_273 = vector.shape_cast %get3A_272 : vector<1x16xf32> to vector<16xf32>
        %mul3A_274 = arith.mulf %get3A_269, %get3A_273 : vector<16xf32>
        %swap3A_275 = arith.index_cast %scan3A_251 : i32 to index
        %swap3A_276 = arith.constant 16 : index
        %swap3A_277 = tpu.vector_load %arg11[%swap3A_275, %swap3A_276] {strides = array<i32>} : memref<80x128xf32, #tpu.memory_space<vmem>>, vector<1x16xf32>,
        %swap3A_278 = vector.shape_cast %swap3A_277 : vector<1x16xf32> to vector<16xf32>
        %swap3A_279 = vector.shape_cast %mul3A_274 : vector<16xf32> to vector<1x16xf32>
        tpu.vector_store %arg11[%swap3A_275, %swap3A_276], %swap3A_279 {strides = array<i32>} : memref<80x128xf32, #tpu.memory_space<vmem>>, vector<1x16xf32>,
        %get3A_280 = arith.index_cast %scan3A_251 : i32 to index
        %get3A_281 = arith.constant 32 : index
        %get3A_282 = tpu.vector_load %arg11[%get3A_280, %get3A_281] {strides = array<i32>} : memref<80x128xf32, #tpu.memory_space<vmem>>, vector<1x16xf32>,
        %get3A_283 = vector.shape_cast %get3A_282 : vector<1x16xf32> to vector<16xf32>
        %get3A_284 = arith.index_cast %scan3A_251 : i32 to index
        %get3A_285 = arith.constant 32 : index
        %get3A_286 = tpu.vector_load %arg10[%get3A_284, %get3A_285] {strides = array<i32>} : memref<80x128xf32, #tpu.memory_space<vmem>>, vector<1x16xf32>,
        %get3A_287 = vector.shape_cast %get3A_286 : vector<1x16xf32> to vector<16xf32>
        %mul3A_288 = arith.mulf %get3A_283, %get3A_287 : vector<16xf32>
        %swap3A_289 = arith.index_cast %scan3A_251 : i32 to index
        %swap3A_290 = arith.constant 32 : index
        %swap3A_291 = tpu.vector_load %arg11[%swap3A_289, %swap3A_290] {strides = array<i32>} : memref<80x128xf32, #tpu.memory_space<vmem>>, vector<1x16xf32>,
        %swap3A_292 = vector.shape_cast %swap3A_291 : vector<1x16xf32> to vector<16xf32>
        %swap3A_293 = vector.shape_cast %mul3A_288 : vector<16xf32> to vector<1x16xf32>
        tpu.vector_store %arg11[%swap3A_289, %swap3A_290], %swap3A_293 {strides = array<i32>} : memref<80x128xf32, #tpu.memory_space<vmem>>, vector<1x16xf32>,
        %get3A_294 = arith.index_cast %scan3A_251 : i32 to index
        %get3A_295 = arith.constant 48 : index
        %get3A_296 = tpu.vector_load %arg11[%get3A_294, %get3A_295] {strides = array<i32>} : memref<80x128xf32, #tpu.memory_space<vmem>>, vector<1x16xf32>,
        %get3A_297 = vector.shape_cast %get3A_296 : vector<1x16xf32> to vector<16xf32>
        %get3A_298 = arith.index_cast %scan3A_251 : i32 to index
        %get3A_299 = arith.constant 48 : index
        %get3A_300 = tpu.vector_load %arg10[%get3A_298, %get3A_299] {strides = array<i32>} : memref<80x128xf32, #tpu.memory_space<vmem>>, vector<1x16xf32>,
        %get3A_301 = vector.shape_cast %get3A_300 : vector<1x16xf32> to vector<16xf32>
        %mul3A_302 = arith.mulf %get3A_297, %get3A_301 : vector<16xf32>
        %swap3A_303 = arith.index_cast %scan3A_251 : i32 to index
        %swap3A_304 = arith.constant 48 : index
        %swap3A_305 = tpu.vector_load %arg11[%swap3A_303, %swap3A_304] {strides = array<i32>} : memref<80x128xf32, #tpu.memory_space<vmem>>, vector<1x16xf32>,
        %swap3A_306 = vector.shape_cast %swap3A_305 : vector<1x16xf32> to vector<16xf32>
        %swap3A_307 = vector.shape_cast %mul3A_302 : vector<16xf32> to vector<1x16xf32>
        tpu.vector_store %arg11[%swap3A_303, %swap3A_304], %swap3A_307 {strides = array<i32>} : memref<80x128xf32, #tpu.memory_space<vmem>>, vector<1x16xf32>,
        %get3A_308 = arith.index_cast %scan3A_251 : i32 to index
        %get3A_309 = arith.constant 64 : index
        %get3A_310 = tpu.vector_load %arg11[%get3A_308, %get3A_309] {strides = array<i32>} : memref<80x128xf32, #tpu.memory_space<vmem>>, vector<1x16xf32>,
        %get3A_311 = vector.shape_cast %get3A_310 : vector<1x16xf32> to vector<16xf32>
        %get3A_312 = arith.index_cast %scan3A_251 : i32 to index
        %get3A_313 = arith.constant 64 : index
        %get3A_314 = tpu.vector_load %arg10[%get3A_312, %get3A_313] {strides = array<i32>} : memref<80x128xf32, #tpu.memory_space<vmem>>, vector<1x16xf32>,
        %get3A_315 = vector.shape_cast %get3A_314 : vector<1x16xf32> to vector<16xf32>
        %mul3A_316 = arith.mulf %get3A_311, %get3A_315 : vector<16xf32>
        %swap3A_317 = arith.index_cast %scan3A_251 : i32 to index
        %swap3A_318 = arith.constant 64 : index
        %swap3A_319 = tpu.vector_load %arg11[%swap3A_317, %swap3A_318] {strides = array<i32>} : memref<80x128xf32, #tpu.memory_space<vmem>>, vector<1x16xf32>,
        %swap3A_320 = vector.shape_cast %swap3A_319 : vector<1x16xf32> to vector<16xf32>
        %swap3A_321 = vector.shape_cast %mul3A_316 : vector<16xf32> to vector<1x16xf32>
        tpu.vector_store %arg11[%swap3A_317, %swap3A_318], %swap3A_321 {strides = array<i32>} : memref<80x128xf32, #tpu.memory_space<vmem>>, vector<1x16xf32>,
        %get3A_322 = arith.index_cast %scan3A_251 : i32 to index
        %get3A_323 = arith.constant 80 : index
        %get3A_324 = tpu.vector_load %arg11[%get3A_322, %get3A_323] {strides = array<i32>} : memref<80x128xf32, #tpu.memory_space<vmem>>, vector<1x16xf32>,
        %get3A_325 = vector.shape_cast %get3A_324 : vector<1x16xf32> to vector<16xf32>
        %get3A_326 = arith.index_cast %scan3A_251 : i32 to index
        %get3A_327 = arith.constant 80 : index
        %get3A_328 = tpu.vector_load %arg10[%get3A_326, %get3A_327] {strides = array<i32>} : memref<80x128xf32, #tpu.memory_space<vmem>>, vector<1x16xf32>,
        %get3A_329 = vector.shape_cast %get3A_328 : vector<1x16xf32> to vector<16xf32>
        %mul3A_330 = arith.mulf %get3A_325, %get3A_329 : vector<16xf32>
        %swap3A_331 = arith.index_cast %scan3A_251 : i32 to index
        %swap3A_332 = arith.constant 80 : index
        %swap3A_333 = tpu.vector_load %arg11[%swap3A_331, %swap3A_332] {strides = array<i32>} : memref<80x128xf32, #tpu.memory_space<vmem>>, vector<1x16xf32>,
        %swap3A_334 = vector.shape_cast %swap3A_333 : vector<1x16xf32> to vector<16xf32>
        %swap3A_335 = vector.shape_cast %mul3A_330 : vector<16xf32> to vector<1x16xf32>
        tpu.vector_store %arg11[%swap3A_331, %swap3A_332], %swap3A_335 {strides = array<i32>} : memref<80x128xf32, #tpu.memory_space<vmem>>, vector<1x16xf32>,
        %get3A_336 = arith.index_cast %scan3A_251 : i32 to index
        %get3A_337 = arith.constant 96 : index
        %get3A_338 = tpu.vector_load %arg11[%get3A_336, %get3A_337] {strides = array<i32>} : memref<80x128xf32, #tpu.memory_space<vmem>>, vector<1x16xf32>,
        %get3A_339 = vector.shape_cast %get3A_338 : vector<1x16xf32> to vector<16xf32>
        %get3A_340 = arith.index_cast %scan3A_251 : i32 to index
        %get3A_341 = arith.constant 96 : index
        %get3A_342 = tpu.vector_load %arg10[%get3A_340, %get3A_341] {strides = array<i32>} : memref<80x128xf32, #tpu.memory_space<vmem>>, vector<1x16xf32>,
        %get3A_343 = vector.shape_cast %get3A_342 : vector<1x16xf32> to vector<16xf32>
        %mul3A_344 = arith.mulf %get3A_339, %get3A_343 : vector<16xf32>
        %swap3A_345 = arith.index_cast %scan3A_251 : i32 to index
        %swap3A_346 = arith.constant 96 : index
        %swap3A_347 = tpu.vector_load %arg11[%swap3A_345, %swap3A_346] {strides = array<i32>} : memref<80x128xf32, #tpu.memory_space<vmem>>, vector<1x16xf32>,
        %swap3A_348 = vector.shape_cast %swap3A_347 : vector<1x16xf32> to vector<16xf32>
        %swap3A_349 = vector.shape_cast %mul3A_344 : vector<16xf32> to vector<1x16xf32>
        tpu.vector_store %arg11[%swap3A_345, %swap3A_346], %swap3A_349 {strides = array<i32>} : memref<80x128xf32, #tpu.memory_space<vmem>>, vector<1x16xf32>,
        %get3A_350 = arith.index_cast %scan3A_251 : i32 to index
        %get3A_351 = arith.constant 112 : index
        %get3A_352 = tpu.vector_load %arg11[%get3A_350, %get3A_351] {strides = array<i32>} : memref<80x128xf32, #tpu.memory_space<vmem>>, vector<1x16xf32>,
        %get3A_353 = vector.shape_cast %get3A_352 : vector<1x16xf32> to vector<16xf32>
        %get3A_354 = arith.index_cast %scan3A_251 : i32 to index
        %get3A_355 = arith.constant 112 : index
        %get3A_356 = tpu.vector_load %arg10[%get3A_354, %get3A_355] {strides = array<i32>} : memref<80x128xf32, #tpu.memory_space<vmem>>, vector<1x16xf32>,
        %get3A_357 = vector.shape_cast %get3A_356 : vector<1x16xf32> to vector<16xf32>
        %mul3A_358 = arith.mulf %get3A_353, %get3A_357 : vector<16xf32>
        %swap3A_359 = arith.index_cast %scan3A_251 : i32 to index
        %swap3A_360 = arith.constant 112 : index
        %swap3A_361 = tpu.vector_load %arg11[%swap3A_359, %swap3A_360] {strides = array<i32>} : memref<80x128xf32, #tpu.memory_space<vmem>>, vector<1x16xf32>,
        %swap3A_362 = vector.shape_cast %swap3A_361 : vector<1x16xf32> to vector<16xf32>
        %swap3A_363 = vector.shape_cast %mul3A_358 : vector<16xf32> to vector<1x16xf32>
        tpu.vector_store %arg11[%swap3A_359, %swap3A_360], %swap3A_363 {strides = array<i32>} : memref<80x128xf32, #tpu.memory_space<vmem>>, vector<1x16xf32>,
        %scan3A_364 = arith.constant 2 : i32
        %scan3A_365 = arith.addi %scan3A_139, %scan3A_364 : i32
        %get3A_366 = arith.index_cast %scan3A_365 : i32 to index
        %get3A_367 = arith.constant 0 : index
        %get3A_368 = tpu.vector_load %arg11[%get3A_366, %get3A_367] {strides = array<i32>} : memref<80x128xf32, #tpu.memory_space<vmem>>, vector<1x16xf32>,
        %get3A_369 = vector.shape_cast %get3A_368 : vector<1x16xf32> to vector<16xf32>
        %get3A_370 = arith.index_cast %scan3A_365 : i32 to index
        %get3A_371 = arith.constant 0 : index
        %get3A_372 = tpu.vector_load %arg10[%get3A_370, %get3A_371] {strides = array<i32>} : memref<80x128xf32, #tpu.memory_space<vmem>>, vector<1x16xf32>,
        %get3A_373 = vector.shape_cast %get3A_372 : vector<1x16xf32> to vector<16xf32>
        %mul3A_374 = arith.mulf %get3A_369, %get3A_373 : vector<16xf32>
        %swap3A_375 = arith.index_cast %scan3A_365 : i32 to index
        %swap3A_376 = arith.constant 0 : index
        %swap3A_377 = tpu.vector_load %arg11[%swap3A_375, %swap3A_376] {strides = array<i32>} : memref<80x128xf32, #tpu.memory_space<vmem>>, vector<1x16xf32>,
        %swap3A_378 = vector.shape_cast %swap3A_377 : vector<1x16xf32> to vector<16xf32>
        %swap3A_379 = vector.shape_cast %mul3A_374 : vector<16xf32> to vector<1x16xf32>
        tpu.vector_store %arg11[%swap3A_375, %swap3A_376], %swap3A_379 {strides = array<i32>} : memref<80x128xf32, #tpu.memory_space<vmem>>, vector<1x16xf32>,
        %get3A_380 = arith.index_cast %scan3A_365 : i32 to index
        %get3A_381 = arith.constant 16 : index
        %get3A_382 = tpu.vector_load %arg11[%get3A_380, %get3A_381] {strides = array<i32>} : memref<80x128xf32, #tpu.memory_space<vmem>>, vector<1x16xf32>,
        %get3A_383 = vector.shape_cast %get3A_382 : vector<1x16xf32> to vector<16xf32>
        %get3A_384 = arith.index_cast %scan3A_365 : i32 to index
        %get3A_385 = arith.constant 16 : index
        %get3A_386 = tpu.vector_load %arg10[%get3A_384, %get3A_385] {strides = array<i32>} : memref<80x128xf32, #tpu.memory_space<vmem>>, vector<1x16xf32>,
        %get3A_387 = vector.shape_cast %get3A_386 : vector<1x16xf32> to vector<16xf32>
        %mul3A_388 = arith.mulf %get3A_383, %get3A_387 : vector<16xf32>
        %swap3A_389 = arith.index_cast %scan3A_365 : i32 to index
        %swap3A_390 = arith.constant 16 : index
        %swap3A_391 = tpu.vector_load %arg11[%swap3A_389, %swap3A_390] {strides = array<i32>} : memref<80x128xf32, #tpu.memory_space<vmem>>, vector<1x16xf32>,
        %swap3A_392 = vector.shape_cast %swap3A_391 : vector<1x16xf32> to vector<16xf32>
        %swap3A_393 = vector.shape_cast %mul3A_388 : vector<16xf32> to vector<1x16xf32>
        tpu.vector_store %arg11[%swap3A_389, %swap3A_390], %swap3A_393 {strides = array<i32>} : memref<80x128xf32, #tpu.memory_space<vmem>>, vector<1x16xf32>,
        %get3A_394 = arith.index_cast %scan3A_365 : i32 to index
        %get3A_395 = arith.constant 32 : index
        %get3A_396 = tpu.vector_load %arg11[%get3A_394, %get3A_395] {strides = array<i32>} : memref<80x128xf32, #tpu.memory_space<vmem>>, vector<1x16xf32>,
        %get3A_397 = vector.shape_cast %get3A_396 : vector<1x16xf32> to vector<16xf32>
        %get3A_398 = arith.index_cast %scan3A_365 : i32 to index
        %get3A_399 = arith.constant 32 : index
        %get3A_400 = tpu.vector_load %arg10[%get3A_398, %get3A_399] {strides = array<i32>} : memref<80x128xf32, #tpu.memory_space<vmem>>, vector<1x16xf32>,
        %get3A_401 = vector.shape_cast %get3A_400 : vector<1x16xf32> to vector<16xf32>
        %mul3A_402 = arith.mulf %get3A_397, %get3A_401 : vector<16xf32>
        %swap3A_403 = arith.index_cast %scan3A_365 : i32 to index
        %swap3A_404 = arith.constant 32 : index
        %swap3A_405 = tpu.vector_load %arg11[%swap3A_403, %swap3A_404] {strides = array<i32>} : memref<80x128xf32, #tpu.memory_space<vmem>>, vector<1x16xf32>,
        %swap3A_406 = vector.shape_cast %swap3A_405 : vector<1x16xf32> to vector<16xf32>
        %swap3A_407 = vector.shape_cast %mul3A_402 : vector<16xf32> to vector<1x16xf32>
        tpu.vector_store %arg11[%swap3A_403, %swap3A_404], %swap3A_407 {strides = array<i32>} : memref<80x128xf32, #tpu.memory_space<vmem>>, vector<1x16xf32>,
        %get3A_408 = arith.index_cast %scan3A_365 : i32 to index
        %get3A_409 = arith.constant 48 : index
        %get3A_410 = tpu.vector_load %arg11[%get3A_408, %get3A_409] {strides = array<i32>} : memref<80x128xf32, #tpu.memory_space<vmem>>, vector<1x16xf32>,
        %get3A_411 = vector.shape_cast %get3A_410 : vector<1x16xf32> to vector<16xf32>
        %get3A_412 = arith.index_cast %scan3A_365 : i32 to index
        %get3A_413 = arith.constant 48 : index
        %get3A_414 = tpu.vector_load %arg10[%get3A_412, %get3A_413] {strides = array<i32>} : memref<80x128xf32, #tpu.memory_space<vmem>>, vector<1x16xf32>,
        %get3A_415 = vector.shape_cast %get3A_414 : vector<1x16xf32> to vector<16xf32>
        %mul3A_416 = arith.mulf %get3A_411, %get3A_415 : vector<16xf32>
        %swap3A_417 = arith.index_cast %scan3A_365 : i32 to index
        %swap3A_418 = arith.constant 48 : index
        %swap3A_419 = tpu.vector_load %arg11[%swap3A_417, %swap3A_418] {strides = array<i32>} : memref<80x128xf32, #tpu.memory_space<vmem>>, vector<1x16xf32>,
        %swap3A_420 = vector.shape_cast %swap3A_419 : vector<1x16xf32> to vector<16xf32>
        %swap3A_421 = vector.shape_cast %mul3A_416 : vector<16xf32> to vector<1x16xf32>
        tpu.vector_store %arg11[%swap3A_417, %swap3A_418], %swap3A_421 {strides = array<i32>} : memref<80x128xf32, #tpu.memory_space<vmem>>, vector<1x16xf32>,
        %get3A_422 = arith.index_cast %scan3A_365 : i32 to index
        %get3A_423 = arith.constant 64 : index
        %get3A_424 = tpu.vector_load %arg11[%get3A_422, %get3A_423] {strides = array<i32>} : memref<80x128xf32, #tpu.memory_space<vmem>>, vector<1x16xf32>,
        %get3A_425 = vector.shape_cast %get3A_424 : vector<1x16xf32> to vector<16xf32>
        %get3A_426 = arith.index_cast %scan3A_365 : i32 to index
        %get3A_427 = arith.constant 64 : index
        %get3A_428 = tpu.vector_load %arg10[%get3A_426, %get3A_427] {strides = array<i32>} : memref<80x128xf32, #tpu.memory_space<vmem>>, vector<1x16xf32>,
        %get3A_429 = vector.shape_cast %get3A_428 : vector<1x16xf32> to vector<16xf32>
        %mul3A_430 = arith.mulf %get3A_425, %get3A_429 : vector<16xf32>
        %swap3A_431 = arith.index_cast %scan3A_365 : i32 to index
        %swap3A_432 = arith.constant 64 : index
        %swap3A_433 = tpu.vector_load %arg11[%swap3A_431, %swap3A_432] {strides = array<i32>} : memref<80x128xf32, #tpu.memory_space<vmem>>, vector<1x16xf32>,
        %swap3A_434 = vector.shape_cast %swap3A_433 : vector<1x16xf32> to vector<16xf32>
        %swap3A_435 = vector.shape_cast %mul3A_430 : vector<16xf32> to vector<1x16xf32>
        tpu.vector_store %arg11[%swap3A_431, %swap3A_432], %swap3A_435 {strides = array<i32>} : memref<80x128xf32, #tpu.memory_space<vmem>>, vector<1x16xf32>,
        %get3A_436 = arith.index_cast %scan3A_365 : i32 to index
        %get3A_437 = arith.constant 80 : index
        %get3A_438 = tpu.vector_load %arg11[%get3A_436, %get3A_437] {strides = array<i32>} : memref<80x128xf32, #tpu.memory_space<vmem>>, vector<1x16xf32>,
        %get3A_439 = vector.shape_cast %get3A_438 : vector<1x16xf32> to vector<16xf32>
        %get3A_440 = arith.index_cast %scan3A_365 : i32 to index
        %get3A_441 = arith.constant 80 : index
        %get3A_442 = tpu.vector_load %arg10[%get3A_440, %get3A_441] {strides = array<i32>} : memref<80x128xf32, #tpu.memory_space<vmem>>, vector<1x16xf32>,
        %get3A_443 = vector.shape_cast %get3A_442 : vector<1x16xf32> to vector<16xf32>
        %mul3A_444 = arith.mulf %get3A_439, %get3A_443 : vector<16xf32>
        %swap3A_445 = arith.index_cast %scan3A_365 : i32 to index
        %swap3A_446 = arith.constant 80 : index
        %swap3A_447 = tpu.vector_load %arg11[%swap3A_445, %swap3A_446] {strides = array<i32>} : memref<80x128xf32, #tpu.memory_space<vmem>>, vector<1x16xf32>,
        %swap3A_448 = vector.shape_cast %swap3A_447 : vector<1x16xf32> to vector<16xf32>
        %swap3A_449 = vector.shape_cast %mul3A_444 : vector<16xf32> to vector<1x16xf32>
        tpu.vector_store %arg11[%swap3A_445, %swap3A_446], %swap3A_449 {strides = array<i32>} : memref<80x128xf32, #tpu.memory_space<vmem>>, vector<1x16xf32>,
        %get3A_450 = arith.index_cast %scan3A_365 : i32 to index
        %get3A_451 = arith.constant 96 : index
        %get3A_452 = tpu.vector_load %arg11[%get3A_450, %get3A_451] {strides = array<i32>} : memref<80x128xf32, #tpu.memory_space<vmem>>, vector<1x16xf32>,
        %get3A_453 = vector.shape_cast %get3A_452 : vector<1x16xf32> to vector<16xf32>
        %get3A_454 = arith.index_cast %scan3A_365 : i32 to index
        %get3A_455 = arith.constant 96 : index
        %get3A_456 = tpu.vector_load %arg10[%get3A_454, %get3A_455] {strides = array<i32>} : memref<80x128xf32, #tpu.memory_space<vmem>>, vector<1x16xf32>,
        %get3A_457 = vector.shape_cast %get3A_456 : vector<1x16xf32> to vector<16xf32>
        %mul3A_458 = arith.mulf %get3A_453, %get3A_457 : vector<16xf32>
        %swap3A_459 = arith.index_cast %scan3A_365 : i32 to index
        %swap3A_460 = arith.constant 96 : index
        %swap3A_461 = tpu.vector_load %arg11[%swap3A_459, %swap3A_460] {strides = array<i32>} : memref<80x128xf32, #tpu.memory_space<vmem>>, vector<1x16xf32>,
        %swap3A_462 = vector.shape_cast %swap3A_461 : vector<1x16xf32> to vector<16xf32>
        %swap3A_463 = vector.shape_cast %mul3A_458 : vector<16xf32> to vector<1x16xf32>
        tpu.vector_store %arg11[%swap3A_459, %swap3A_460], %swap3A_463 {strides = array<i32>} : memref<80x128xf32, #tpu.memory_space<vmem>>, vector<1x16xf32>,
        %get3A_464 = arith.index_cast %scan3A_365 : i32 to index
        %get3A_465 = arith.constant 112 : index
        %get3A_466 = tpu.vector_load %arg11[%get3A_464, %get3A_465] {strides = array<i32>} : memref<80x128xf32, #tpu.memory_space<vmem>>, vector<1x16xf32>,
        %get3A_467 = vector.shape_cast %get3A_466 : vector<1x16xf32> to vector<16xf32>
        %get3A_468 = arith.index_cast %scan3A_365 : i32 to index
        %get3A_469 = arith.constant 112 : index
        %get3A_470 = tpu.vector_load %arg10[%get3A_468, %get3A_469] {strides = array<i32>} : memref<80x128xf32, #tpu.memory_space<vmem>>, vector<1x16xf32>,
        %get3A_471 = vector.shape_cast %get3A_470 : vector<1x16xf32> to vector<16xf32>
        %mul3A_472 = arith.mulf %get3A_467, %get3A_471 : vector<16xf32>
        %swap3A_473 = arith.index_cast %scan3A_365 : i32 to index
        %swap3A_474 = arith.constant 112 : index
        %swap3A_475 = tpu.vector_load %arg11[%swap3A_473, %swap3A_474] {strides = array<i32>} : memref<80x128xf32, #tpu.memory_space<vmem>>, vector<1x16xf32>,
        %swap3A_476 = vector.shape_cast %swap3A_475 : vector<1x16xf32> to vector<16xf32>
        %swap3A_477 = vector.shape_cast %mul3A_472 : vector<16xf32> to vector<1x16xf32>
        tpu.vector_store %arg11[%swap3A_473, %swap3A_474], %swap3A_477 {strides = array<i32>} : memref<80x128xf32, #tpu.memory_space<vmem>>, vector<1x16xf32>,
        %scan3A_478 = arith.constant 3 : i32
        %scan3A_479 = arith.addi %scan3A_139, %scan3A_478 : i32
        %get3A_480 = arith.index_cast %scan3A_479 : i32 to index
        %get3A_481 = arith.constant 0 : index
        %get3A_482 = tpu.vector_load %arg11[%get3A_480, %get3A_481] {strides = array<i32>} : memref<80x128xf32, #tpu.memory_space<vmem>>, vector<1x16xf32>,
        %get3A_483 = vector.shape_cast %get3A_482 : vector<1x16xf32> to vector<16xf32>
        %get3A_484 = arith.index_cast %scan3A_479 : i32 to index
        %get3A_485 = arith.constant 0 : index
        %get3A_486 = tpu.vector_load %arg10[%get3A_484, %get3A_485] {strides = array<i32>} : memref<80x128xf32, #tpu.memory_space<vmem>>, vector<1x16xf32>,
        %get3A_487 = vector.shape_cast %get3A_486 : vector<1x16xf32> to vector<16xf32>
        %mul3A_488 = arith.mulf %get3A_483, %get3A_487 : vector<16xf32>
        %swap3A_489 = arith.index_cast %scan3A_479 : i32 to index
        %swap3A_490 = arith.constant 0 : index
        %swap3A_491 = tpu.vector_load %arg11[%swap3A_489, %swap3A_490] {strides = array<i32>} : memref<80x128xf32, #tpu.memory_space<vmem>>, vector<1x16xf32>,
        %swap3A_492 = vector.shape_cast %swap3A_491 : vector<1x16xf32> to vector<16xf32>
        %swap3A_493 = vector.shape_cast %mul3A_488 : vector<16xf32> to vector<1x16xf32>
        tpu.vector_store %arg11[%swap3A_489, %swap3A_490], %swap3A_493 {strides = array<i32>} : memref<80x128xf32, #tpu.memory_space<vmem>>, vector<1x16xf32>,
        %get3A_494 = arith.index_cast %scan3A_479 : i32 to index
        %get3A_495 = arith.constant 16 : index
        %get3A_496 = tpu.vector_load %arg11[%get3A_494, %get3A_495] {strides = array<i32>} : memref<80x128xf32, #tpu.memory_space<vmem>>, vector<1x16xf32>,
        %get3A_497 = vector.shape_cast %get3A_496 : vector<1x16xf32> to vector<16xf32>
        %get3A_498 = arith.index_cast %scan3A_479 : i32 to index
        %get3A_499 = arith.constant 16 : index
        %get3A_500 = tpu.vector_load %arg10[%get3A_498, %get3A_499] {strides = array<i32>} : memref<80x128xf32, #tpu.memory_space<vmem>>, vector<1x16xf32>,
        %get3A_501 = vector.shape_cast %get3A_500 : vector<1x16xf32> to vector<16xf32>
        %mul3A_502 = arith.mulf %get3A_497, %get3A_501 : vector<16xf32>
        %swap3A_503 = arith.index_cast %scan3A_479 : i32 to index
        %swap3A_504 = arith.constant 16 : index
        %swap3A_505 = tpu.vector_load %arg11[%swap3A_503, %swap3A_504] {strides = array<i32>} : memref<80x128xf32, #tpu.memory_space<vmem>>, vector<1x16xf32>,
        %swap3A_506 = vector.shape_cast %swap3A_505 : vector<1x16xf32> to vector<16xf32>
        %swap3A_507 = vector.shape_cast %mul3A_502 : vector<16xf32> to vector<1x16xf32>
        tpu.vector_store %arg11[%swap3A_503, %swap3A_504], %swap3A_507 {strides = array<i32>} : memref<80x128xf32, #tpu.memory_space<vmem>>, vector<1x16xf32>,
        %get3A_508 = arith.index_cast %scan3A_479 : i32 to index
        %get3A_509 = arith.constant 32 : index
        %get3A_510 = tpu.vector_load %arg11[%get3A_508, %get3A_509] {strides = array<i32>} : memref<80x128xf32, #tpu.memory_space<vmem>>, vector<1x16xf32>,
        %get3A_511 = vector.shape_cast %get3A_510 : vector<1x16xf32> to vector<16xf32>
        %get3A_512 = arith.index_cast %scan3A_479 : i32 to index
        %get3A_513 = arith.constant 32 : index
        %get3A_514 = tpu.vector_load %arg10[%get3A_512, %get3A_513] {strides = array<i32>} : memref<80x128xf32, #tpu.memory_space<vmem>>, vector<1x16xf32>,
        %get3A_515 = vector.shape_cast %get3A_514 : vector<1x16xf32> to vector<16xf32>
        %mul3A_516 = arith.mulf %get3A_511, %get3A_515 : vector<16xf32>
        %swap3A_517 = arith.index_cast %scan3A_479 : i32 to index
        %swap3A_518 = arith.constant 32 : index
        %swap3A_519 = tpu.vector_load %arg11[%swap3A_517, %swap3A_518] {strides = array<i32>} : memref<80x128xf32, #tpu.memory_space<vmem>>, vector<1x16xf32>,
        %swap3A_520 = vector.shape_cast %swap3A_519 : vector<1x16xf32> to vector<16xf32>
        %swap3A_521 = vector.shape_cast %mul3A_516 : vector<16xf32> to vector<1x16xf32>
        tpu.vector_store %arg11[%swap3A_517, %swap3A_518], %swap3A_521 {strides = array<i32>} : memref<80x128xf32, #tpu.memory_space<vmem>>, vector<1x16xf32>,
        %get3A_522 = arith.index_cast %scan3A_479 : i32 to index
        %get3A_523 = arith.constant 48 : index
        %get3A_524 = tpu.vector_load %arg11[%get3A_522, %get3A_523] {strides = array<i32>} : memref<80x128xf32, #tpu.memory_space<vmem>>, vector<1x16xf32>,
        %get3A_525 = vector.shape_cast %get3A_524 : vector<1x16xf32> to vector<16xf32>
        %get3A_526 = arith.index_cast %scan3A_479 : i32 to index
        %get3A_527 = arith.constant 48 : index
        %get3A_528 = tpu.vector_load %arg10[%get3A_526, %get3A_527] {strides = array<i32>} : memref<80x128xf32, #tpu.memory_space<vmem>>, vector<1x16xf32>,
        %get3A_529 = vector.shape_cast %get3A_528 : vector<1x16xf32> to vector<16xf32>
        %mul3A_530 = arith.mulf %get3A_525, %get3A_529 : vector<16xf32>
        %swap3A_531 = arith.index_cast %scan3A_479 : i32 to index
        %swap3A_532 = arith.constant 48 : index
        %swap3A_533 = tpu.vector_load %arg11[%swap3A_531, %swap3A_532] {strides = array<i32>} : memref<80x128xf32, #tpu.memory_space<vmem>>, vector<1x16xf32>,
        %swap3A_534 = vector.shape_cast %swap3A_533 : vector<1x16xf32> to vector<16xf32>
        %swap3A_535 = vector.shape_cast %mul3A_530 : vector<16xf32> to vector<1x16xf32>
        tpu.vector_store %arg11[%swap3A_531, %swap3A_532], %swap3A_535 {strides = array<i32>} : memref<80x128xf32, #tpu.memory_space<vmem>>, vector<1x16xf32>,
        %get3A_536 = arith.index_cast %scan3A_479 : i32 to index
        %get3A_537 = arith.constant 64 : index
        %get3A_538 = tpu.vector_load %arg11[%get3A_536, %get3A_537] {strides = array<i32>} : memref<80x128xf32, #tpu.memory_space<vmem>>, vector<1x16xf32>,
        %get3A_539 = vector.shape_cast %get3A_538 : vector<1x16xf32> to vector<16xf32>
        %get3A_540 = arith.index_cast %scan3A_479 : i32 to index
        %get3A_541 = arith.constant 64 : index
        %get3A_542 = tpu.vector_load %arg10[%get3A_540, %get3A_541] {strides = array<i32>} : memref<80x128xf32, #tpu.memory_space<vmem>>, vector<1x16xf32>,
        %get3A_543 = vector.shape_cast %get3A_542 : vector<1x16xf32> to vector<16xf32>
        %mul3A_544 = arith.mulf %get3A_539, %get3A_543 : vector<16xf32>
        %swap3A_545 = arith.index_cast %scan3A_479 : i32 to index
        %swap3A_546 = arith.constant 64 : index
        %swap3A_547 = tpu.vector_load %arg11[%swap3A_545, %swap3A_546] {strides = array<i32>} : memref<80x128xf32, #tpu.memory_space<vmem>>, vector<1x16xf32>,
        %swap3A_548 = vector.shape_cast %swap3A_547 : vector<1x16xf32> to vector<16xf32>
        %swap3A_549 = vector.shape_cast %mul3A_544 : vector<16xf32> to vector<1x16xf32>
        tpu.vector_store %arg11[%swap3A_545, %swap3A_546], %swap3A_549 {strides = array<i32>} : memref<80x128xf32, #tpu.memory_space<vmem>>, vector<1x16xf32>,
        %get3A_550 = arith.index_cast %scan3A_479 : i32 to index
        %get3A_551 = arith.constant 80 : index
        %get3A_552 = tpu.vector_load %arg11[%get3A_550, %get3A_551] {strides = array<i32>} : memref<80x128xf32, #tpu.memory_space<vmem>>, vector<1x16xf32>,
        %get3A_553 = vector.shape_cast %get3A_552 : vector<1x16xf32> to vector<16xf32>
        %get3A_554 = arith.index_cast %scan3A_479 : i32 to index
        %get3A_555 = arith.constant 80 : index
        %get3A_556 = tpu.vector_load %arg10[%get3A_554, %get3A_555] {strides = array<i32>} : memref<80x128xf32, #tpu.memory_space<vmem>>, vector<1x16xf32>,
        %get3A_557 = vector.shape_cast %get3A_556 : vector<1x16xf32> to vector<16xf32>
        %mul3A_558 = arith.mulf %get3A_553, %get3A_557 : vector<16xf32>
        %swap3A_559 = arith.index_cast %scan3A_479 : i32 to index
        %swap3A_560 = arith.constant 80 : index
        %swap3A_561 = tpu.vector_load %arg11[%swap3A_559, %swap3A_560] {strides = array<i32>} : memref<80x128xf32, #tpu.memory_space<vmem>>, vector<1x16xf32>,
        %swap3A_562 = vector.shape_cast %swap3A_561 : vector<1x16xf32> to vector<16xf32>
        %swap3A_563 = vector.shape_cast %mul3A_558 : vector<16xf32> to vector<1x16xf32>
        tpu.vector_store %arg11[%swap3A_559, %swap3A_560], %swap3A_563 {strides = array<i32>} : memref<80x128xf32, #tpu.memory_space<vmem>>, vector<1x16xf32>,
        %get3A_564 = arith.index_cast %scan3A_479 : i32 to index
        %get3A_565 = arith.constant 96 : index
        %get3A_566 = tpu.vector_load %arg11[%get3A_564, %get3A_565] {strides = array<i32>} : memref<80x128xf32, #tpu.memory_space<vmem>>, vector<1x16xf32>,
        %get3A_567 = vector.shape_cast %get3A_566 : vector<1x16xf32> to vector<16xf32>
        %get3A_568 = arith.index_cast %scan3A_479 : i32 to index
        %get3A_569 = arith.constant 96 : index
        %get3A_570 = tpu.vector_load %arg10[%get3A_568, %get3A_569] {strides = array<i32>} : memref<80x128xf32, #tpu.memory_space<vmem>>, vector<1x16xf32>,
        %get3A_571 = vector.shape_cast %get3A_570 : vector<1x16xf32> to vector<16xf32>
        %mul3A_572 = arith.mulf %get3A_567, %get3A_571 : vector<16xf32>
        %swap3A_573 = arith.index_cast %scan3A_479 : i32 to index
        %swap3A_574 = arith.constant 96 : index
        %swap3A_575 = tpu.vector_load %arg11[%swap3A_573, %swap3A_574] {strides = array<i32>} : memref<80x128xf32, #tpu.memory_space<vmem>>, vector<1x16xf32>,
        %swap3A_576 = vector.shape_cast %swap3A_575 : vector<1x16xf32> to vector<16xf32>
        %swap3A_577 = vector.shape_cast %mul3A_572 : vector<16xf32> to vector<1x16xf32>
        tpu.vector_store %arg11[%swap3A_573, %swap3A_574], %swap3A_577 {strides = array<i32>} : memref<80x128xf32, #tpu.memory_space<vmem>>, vector<1x16xf32>,
        %get3A_578 = arith.index_cast %scan3A_479 : i32 to index
        %get3A_579 = arith.constant 112 : index
        %get3A_580 = tpu.vector_load %arg11[%get3A_578, %get3A_579] {strides = array<i32>} : memref<80x128xf32, #tpu.memory_space<vmem>>, vector<1x16xf32>,
        %get3A_581 = vector.shape_cast %get3A_580 : vector<1x16xf32> to vector<16xf32>
        %get3A_582 = arith.index_cast %scan3A_479 : i32 to index
        %get3A_583 = arith.constant 112 : index
        %get3A_584 = tpu.vector_load %arg10[%get3A_582, %get3A_583] {strides = array<i32>} : memref<80x128xf32, #tpu.memory_space<vmem>>, vector<1x16xf32>,
        %get3A_585 = vector.shape_cast %get3A_584 : vector<1x16xf32> to vector<16xf32>
        %mul3A_586 = arith.mulf %get3A_581, %get3A_585 : vector<16xf32>
        %swap3A_587 = arith.index_cast %scan3A_479 : i32 to index
        %swap3A_588 = arith.constant 112 : index
        %swap3A_589 = tpu.vector_load %arg11[%swap3A_587, %swap3A_588] {strides = array<i32>} : memref<80x128xf32, #tpu.memory_space<vmem>>, vector<1x16xf32>,
        %swap3A_590 = vector.shape_cast %swap3A_589 : vector<1x16xf32> to vector<16xf32>
        %swap3A_591 = vector.shape_cast %mul3A_586 : vector<16xf32> to vector<1x16xf32>
        tpu.vector_store %arg11[%swap3A_587, %swap3A_588], %swap3A_591 {strides = array<i32>} : memref<80x128xf32, #tpu.memory_space<vmem>>, vector<1x16xf32>,
      }
      %scan3A_138 = arith.constant 80 : i32
      "tpu.region"() ({
        %run_scoped3A = tpu.sem_alloc : memref<!tpu.dma_semaphore, #tpu.memory_space<semaphore_mem>>
        %dma_start3A_139 = arith.constant 0 : i32
        %dma_start3A_140 = arith.constant 0 : i32
        %dma_start3A_141 = tpu.memref_slice %arg7[%dma_start3A_139, %dma_start3A_140] : memref<10000x128xf32, #tpu.memory_space<vmem_shared>> -> memref<10000x128xf32, #tpu.memory_space<vmem_shared>>
        tpu.enqueue_indirect_dma source(%arg11 : memref<80x128xf32, #tpu.memory_space<vmem>>) target(%dma_start3A_141 : memref<10000x128xf32, #tpu.memory_space<vmem_shared>>) offsets(%arg9 : memref<80xi32, #tpu.memory_space<vmem>>) semaphore(%run_scoped3A : memref<!tpu.dma_semaphore, #tpu.memory_space<semaphore_mem>>) {add = true}
        %dma_wait3A_142 = arith.constant 0 : i32
        %dma_wait3A_143 = arith.constant 0 : i32
        %dma_wait3A_144 = tpu.memref_slice %arg7[%dma_wait3A_142, %dma_wait3A_143] : memref<10000x128xf32, #tpu.memory_space<vmem_shared>> -> memref<10000x128xf32, #tpu.memory_space<vmem_shared>>
        tpu.wait_indirect_dma semaphore(%run_scoped3A : memref<!tpu.dma_semaphore, #tpu.memory_space<semaphore_mem>>) src(%arg11 : memref<80x128xf32, #tpu.memory_space<vmem>>) dst(%dma_wait3A_144 : memref<10000x128xf32, #tpu.memory_space<vmem_shared>>)
        tpu.yield
      }) : () -> ()
    }
    %scan3A_67 = arith.constant 125 : i32
    %barrier3A_68 = arith.constant 0 : index
    tpu.barrier barrier_id(%barrier3A_68)
    %add3A_69 = arith.constant 0 : i32
    %add3A_70 = arith.addi %arg1, %add3A_69 : i32
    %lt3A_71 = arith.constant 125 : i32
    %lt3A_72 = arith.cmpi slt, %add3A_70, %lt3A_71 : i32
    %convert_element_type3A_73 = arith.extui %lt3A_72 : i1 to i32
    %cond3A_74 = arith.constant 0 : i32
    %cond3A_75 = arith.cmpi ne, %convert_element_type3A_73, %cond3A_74 : i32
    scf.if %cond3A_75 {
      %mul3A_125 = arith.constant 80 : i32
      %mul3A_126 = arith.muli %add3A_70, %mul3A_125 : i32
      %mul3A_127 = arith.constant 80 : i32
      %mul3A_128 = arith.muli %add3A_70, %mul3A_127 : i32
      "tpu.region"() ({
        %run_scoped3A = tpu.sem_alloc : memref<!tpu.dma_semaphore, #tpu.memory_space<semaphore_mem>>
        %dma_start3A = arith.constant 0 : i32
        %dma_start3A_129 = tpu.memref_slice %arg6[%arg0, %mul3A_128, %dma_start3A] : memref<2x10000x128xf32, #tpu.memory_space<hbm>> -> memref<1x80x128xf32, #tpu.memory_space<hbm>>
        %dma_start3A_130 = tpu.memref_squeeze %dma_start3A_129 : memref<1x80x128xf32, #tpu.memory_space<hbm>> -> memref<80x128xf32, #tpu.memory_space<hbm>>
        %dma_start3A_131 = arith.constant 0 : i32
        %dma_start3A_132 = tpu.memref_slice %arg7[%mul3A_126, %dma_start3A_131] : memref<10000x128xf32, #tpu.memory_space<vmem_shared>> -> memref<80x128xf32, #tpu.memory_space<vmem_shared>>
        tpu.enqueue_dma source(%dma_start3A_132 : memref<80x128xf32, #tpu.memory_space<vmem_shared>>) target(%dma_start3A_130 : memref<80x128xf32, #tpu.memory_space<hbm>>) target_semaphore(%run_scoped3A : memref<!tpu.dma_semaphore, #tpu.memory_space<semaphore_mem>>)
        %dma_wait3A = arith.constant 0 : i32
        %dma_wait3A_133 = tpu.memref_slice %arg6[%arg0, %mul3A_128, %dma_wait3A] : memref<2x10000x128xf32, #tpu.memory_space<hbm>> -> memref<1x80x128xf32, #tpu.memory_space<hbm>>
        %dma_wait3A_134 = tpu.memref_squeeze %dma_wait3A_133 : memref<1x80x128xf32, #tpu.memory_space<hbm>> -> memref<80x128xf32, #tpu.memory_space<hbm>>
        %dma_wait3A_135 = arith.constant 0 : i32
        %dma_wait3A_136 = tpu.memref_slice %arg7[%mul3A_126, %dma_wait3A_135] : memref<10000x128xf32, #tpu.memory_space<vmem_shared>> -> memref<80x128xf32, #tpu.memory_space<vmem_shared>>
        tpu.wait_dma2 semaphore(%run_scoped3A : memref<!tpu.dma_semaphore, #tpu.memory_space<semaphore_mem>>) src(%dma_wait3A_136 : memref<80x128xf32, #tpu.memory_space<vmem_shared>>) dst(%dma_wait3A_134 : memref<80x128xf32, #tpu.memory_space<hbm>>)
        tpu.yield
      }) : () -> ()
    } else {
    }
    %add3A_76 = arith.constant 16 : i32
    %add3A_77 = arith.addi %arg1, %add3A_76 : i32
    %lt3A_78 = arith.constant 125 : i32
    %lt3A_79 = arith.cmpi slt, %add3A_77, %lt3A_78 : i32
    %convert_element_type3A_80 = arith.extui %lt3A_79 : i1 to i32
    %cond3A_81 = arith.constant 0 : i32
    %cond3A_82 = arith.cmpi ne, %convert_element_type3A_80, %cond3A_81 : i32
    scf.if %cond3A_82 {
      %mul3A_125 = arith.constant 80 : i32
      %mul3A_126 = arith.muli %add3A_77, %mul3A_125 : i32
      %mul3A_127 = arith.constant 80 : i32
      %mul3A_128 = arith.muli %add3A_77, %mul3A_127 : i32
      "tpu.region"() ({
        %run_scoped3A = tpu.sem_alloc : memref<!tpu.dma_semaphore, #tpu.memory_space<semaphore_mem>>
        %dma_start3A = arith.constant 0 : i32
        %dma_start3A_129 = tpu.memref_slice %arg6[%arg0, %mul3A_128, %dma_start3A] : memref<2x10000x128xf32, #tpu.memory_space<hbm>> -> memref<1x80x128xf32, #tpu.memory_space<hbm>>
        %dma_start3A_130 = tpu.memref_squeeze %dma_start3A_129 : memref<1x80x128xf32, #tpu.memory_space<hbm>> -> memref<80x128xf32, #tpu.memory_space<hbm>>
        %dma_start3A_131 = arith.constant 0 : i32
        %dma_start3A_132 = tpu.memref_slice %arg7[%mul3A_126, %dma_start3A_131] : memref<10000x128xf32, #tpu.memory_space<vmem_shared>> -> memref<80x128xf32, #tpu.memory_space<vmem_shared>>
        tpu.enqueue_dma source(%dma_start3A_132 : memref<80x128xf32, #tpu.memory_space<vmem_shared>>) target(%dma_start3A_130 : memref<80x128xf32, #tpu.memory_space<hbm>>) target_semaphore(%run_scoped3A : memref<!tpu.dma_semaphore, #tpu.memory_space<semaphore_mem>>)
        %dma_wait3A = arith.constant 0 : i32
        %dma_wait3A_133 = tpu.memref_slice %arg6[%arg0, %mul3A_128, %dma_wait3A] : memref<2x10000x128xf32, #tpu.memory_space<hbm>> -> memref<1x80x128xf32, #tpu.memory_space<hbm>>
        %dma_wait3A_134 = tpu.memref_squeeze %dma_wait3A_133 : memref<1x80x128xf32, #tpu.memory_space<hbm>> -> memref<80x128xf32, #tpu.memory_space<hbm>>
        %dma_wait3A_135 = arith.constant 0 : i32
        %dma_wait3A_136 = tpu.memref_slice %arg7[%mul3A_126, %dma_wait3A_135] : memref<10000x128xf32, #tpu.memory_space<vmem_shared>> -> memref<80x128xf32, #tpu.memory_space<vmem_shared>>
        tpu.wait_dma2 semaphore(%run_scoped3A : memref<!tpu.dma_semaphore, #tpu.memory_space<semaphore_mem>>) src(%dma_wait3A_136 : memref<80x128xf32, #tpu.memory_space<vmem_shared>>) dst(%dma_wait3A_134 : memref<80x128xf32, #tpu.memory_space<hbm>>)
        tpu.yield
      }) : () -> ()
    } else {
    }
    %add3A_83 = arith.constant 32 : i32
    %add3A_84 = arith.addi %arg1, %add3A_83 : i32
    %lt3A_85 = arith.constant 125 : i32
    %lt3A_86 = arith.cmpi slt, %add3A_84, %lt3A_85 : i32
    %convert_element_type3A_87 = arith.extui %lt3A_86 : i1 to i32
    %cond3A_88 = arith.constant 0 : i32
    %cond3A_89 = arith.cmpi ne, %convert_element_type3A_87, %cond3A_88 : i32
    scf.if %cond3A_89 {
      %mul3A_125 = arith.constant 80 : i32
      %mul3A_126 = arith.muli %add3A_84, %mul3A_125 : i32
      %mul3A_127 = arith.constant 80 : i32
      %mul3A_128 = arith.muli %add3A_84, %mul3A_127 : i32
      "tpu.region"() ({
        %run_scoped3A = tpu.sem_alloc : memref<!tpu.dma_semaphore, #tpu.memory_space<semaphore_mem>>
        %dma_start3A = arith.constant 0 : i32
        %dma_start3A_129 = tpu.memref_slice %arg6[%arg0, %mul3A_128, %dma_start3A] : memref<2x10000x128xf32, #tpu.memory_space<hbm>> -> memref<1x80x128xf32, #tpu.memory_space<hbm>>
        %dma_start3A_130 = tpu.memref_squeeze %dma_start3A_129 : memref<1x80x128xf32, #tpu.memory_space<hbm>> -> memref<80x128xf32, #tpu.memory_space<hbm>>
        %dma_start3A_131 = arith.constant 0 : i32
        %dma_start3A_132 = tpu.memref_slice %arg7[%mul3A_126, %dma_start3A_131] : memref<10000x128xf32, #tpu.memory_space<vmem_shared>> -> memref<80x128xf32, #tpu.memory_space<vmem_shared>>
        tpu.enqueue_dma source(%dma_start3A_132 : memref<80x128xf32, #tpu.memory_space<vmem_shared>>) target(%dma_start3A_130 : memref<80x128xf32, #tpu.memory_space<hbm>>) target_semaphore(%run_scoped3A : memref<!tpu.dma_semaphore, #tpu.memory_space<semaphore_mem>>)
        %dma_wait3A = arith.constant 0 : i32
        %dma_wait3A_133 = tpu.memref_slice %arg6[%arg0, %mul3A_128, %dma_wait3A] : memref<2x10000x128xf32, #tpu.memory_space<hbm>> -> memref<1x80x128xf32, #tpu.memory_space<hbm>>
        %dma_wait3A_134 = tpu.memref_squeeze %dma_wait3A_133 : memref<1x80x128xf32, #tpu.memory_space<hbm>> -> memref<80x128xf32, #tpu.memory_space<hbm>>
        %dma_wait3A_135 = arith.constant 0 : i32
        %dma_wait3A_136 = tpu.memref_slice %arg7[%mul3A_126, %dma_wait3A_135] : memref<10000x128xf32, #tpu.memory_space<vmem_shared>> -> memref<80x128xf32, #tpu.memory_space<vmem_shared>>
        tpu.wait_dma2 semaphore(%run_scoped3A : memref<!tpu.dma_semaphore, #tpu.memory_space<semaphore_mem>>) src(%dma_wait3A_136 : memref<80x128xf32, #tpu.memory_space<vmem_shared>>) dst(%dma_wait3A_134 : memref<80x128xf32, #tpu.memory_space<hbm>>)
        tpu.yield
      }) : () -> ()
    } else {
    }
    %add3A_90 = arith.constant 48 : i32
    %add3A_91 = arith.addi %arg1, %add3A_90 : i32
    %lt3A_92 = arith.constant 125 : i32
    %lt3A_93 = arith.cmpi slt, %add3A_91, %lt3A_92 : i32
    %convert_element_type3A_94 = arith.extui %lt3A_93 : i1 to i32
    %cond3A_95 = arith.constant 0 : i32
    %cond3A_96 = arith.cmpi ne, %convert_element_type3A_94, %cond3A_95 : i32
    scf.if %cond3A_96 {
      %mul3A_125 = arith.constant 80 : i32
      %mul3A_126 = arith.muli %add3A_91, %mul3A_125 : i32
      %mul3A_127 = arith.constant 80 : i32
      %mul3A_128 = arith.muli %add3A_91, %mul3A_127 : i32
      "tpu.region"() ({
        %run_scoped3A = tpu.sem_alloc : memref<!tpu.dma_semaphore, #tpu.memory_space<semaphore_mem>>
        %dma_start3A = arith.constant 0 : i32
        %dma_start3A_129 = tpu.memref_slice %arg6[%arg0, %mul3A_128, %dma_start3A] : memref<2x10000x128xf32, #tpu.memory_space<hbm>> -> memref<1x80x128xf32, #tpu.memory_space<hbm>>
        %dma_start3A_130 = tpu.memref_squeeze %dma_start3A_129 : memref<1x80x128xf32, #tpu.memory_space<hbm>> -> memref<80x128xf32, #tpu.memory_space<hbm>>
        %dma_start3A_131 = arith.constant 0 : i32
        %dma_start3A_132 = tpu.memref_slice %arg7[%mul3A_126, %dma_start3A_131] : memref<10000x128xf32, #tpu.memory_space<vmem_shared>> -> memref<80x128xf32, #tpu.memory_space<vmem_shared>>
        tpu.enqueue_dma source(%dma_start3A_132 : memref<80x128xf32, #tpu.memory_space<vmem_shared>>) target(%dma_start3A_130 : memref<80x128xf32, #tpu.memory_space<hbm>>) target_semaphore(%run_scoped3A : memref<!tpu.dma_semaphore, #tpu.memory_space<semaphore_mem>>)
        %dma_wait3A = arith.constant 0 : i32
        %dma_wait3A_133 = tpu.memref_slice %arg6[%arg0, %mul3A_128, %dma_wait3A] : memref<2x10000x128xf32, #tpu.memory_space<hbm>> -> memref<1x80x128xf32, #tpu.memory_space<hbm>>
        %dma_wait3A_134 = tpu.memref_squeeze %dma_wait3A_133 : memref<1x80x128xf32, #tpu.memory_space<hbm>> -> memref<80x128xf32, #tpu.memory_space<hbm>>
        %dma_wait3A_135 = arith.constant 0 : i32
        %dma_wait3A_136 = tpu.memref_slice %arg7[%mul3A_126, %dma_wait3A_135] : memref<10000x128xf32, #tpu.memory_space<vmem_shared>> -> memref<80x128xf32, #tpu.memory_space<vmem_shared>>
        tpu.wait_dma2 semaphore(%run_scoped3A : memref<!tpu.dma_semaphore, #tpu.memory_space<semaphore_mem>>) src(%dma_wait3A_136 : memref<80x128xf32, #tpu.memory_space<vmem_shared>>) dst(%dma_wait3A_134 : memref<80x128xf32, #tpu.memory_space<hbm>>)
        tpu.yield
      }) : () -> ()
    } else {
    }
    %add3A_97 = arith.constant 64 : i32
    %add3A_98 = arith.addi %arg1, %add3A_97 : i32
    %lt3A_99 = arith.constant 125 : i32
    %lt3A_100 = arith.cmpi slt, %add3A_98, %lt3A_99 : i32
    %convert_element_type3A_101 = arith.extui %lt3A_100 : i1 to i32
    %cond3A_102 = arith.constant 0 : i32
    %cond3A_103 = arith.cmpi ne, %convert_element_type3A_101, %cond3A_102 : i32
    scf.if %cond3A_103 {
      %mul3A_125 = arith.constant 80 : i32
      %mul3A_126 = arith.muli %add3A_98, %mul3A_125 : i32
      %mul3A_127 = arith.constant 80 : i32
      %mul3A_128 = arith.muli %add3A_98, %mul3A_127 : i32
      "tpu.region"() ({
        %run_scoped3A = tpu.sem_alloc : memref<!tpu.dma_semaphore, #tpu.memory_space<semaphore_mem>>
        %dma_start3A = arith.constant 0 : i32
        %dma_start3A_129 = tpu.memref_slice %arg6[%arg0, %mul3A_128, %dma_start3A] : memref<2x10000x128xf32, #tpu.memory_space<hbm>> -> memref<1x80x128xf32, #tpu.memory_space<hbm>>
        %dma_start3A_130 = tpu.memref_squeeze %dma_start3A_129 : memref<1x80x128xf32, #tpu.memory_space<hbm>> -> memref<80x128xf32, #tpu.memory_space<hbm>>
        %dma_start3A_131 = arith.constant 0 : i32
        %dma_start3A_132 = tpu.memref_slice %arg7[%mul3A_126, %dma_start3A_131] : memref<10000x128xf32, #tpu.memory_space<vmem_shared>> -> memref<80x128xf32, #tpu.memory_space<vmem_shared>>
        tpu.enqueue_dma source(%dma_start3A_132 : memref<80x128xf32, #tpu.memory_space<vmem_shared>>) target(%dma_start3A_130 : memref<80x128xf32, #tpu.memory_space<hbm>>) target_semaphore(%run_scoped3A : memref<!tpu.dma_semaphore, #tpu.memory_space<semaphore_mem>>)
        %dma_wait3A = arith.constant 0 : i32
        %dma_wait3A_133 = tpu.memref_slice %arg6[%arg0, %mul3A_128, %dma_wait3A] : memref<2x10000x128xf32, #tpu.memory_space<hbm>> -> memref<1x80x128xf32, #tpu.memory_space<hbm>>
        %dma_wait3A_134 = tpu.memref_squeeze %dma_wait3A_133 : memref<1x80x128xf32, #tpu.memory_space<hbm>> -> memref<80x128xf32, #tpu.memory_space<hbm>>
        %dma_wait3A_135 = arith.constant 0 : i32
        %dma_wait3A_136 = tpu.memref_slice %arg7[%mul3A_126, %dma_wait3A_135] : memref<10000x128xf32, #tpu.memory_space<vmem_shared>> -> memref<80x128xf32, #tpu.memory_space<vmem_shared>>
        tpu.wait_dma2 semaphore(%run_scoped3A : memref<!tpu.dma_semaphore, #tpu.memory_space<semaphore_mem>>) src(%dma_wait3A_136 : memref<80x128xf32, #tpu.memory_space<vmem_shared>>) dst(%dma_wait3A_134 : memref<80x128xf32, #tpu.memory_space<hbm>>)
        tpu.yield
      }) : () -> ()
    } else {
    }
    %add3A_104 = arith.constant 80 : i32
    %add3A_105 = arith.addi %arg1, %add3A_104 : i32
    %lt3A_106 = arith.constant 125 : i32
    %lt3A_107 = arith.cmpi slt, %add3A_105, %lt3A_106 : i32
    %convert_element_type3A_108 = arith.extui %lt3A_107 : i1 to i32
    %cond3A_109 = arith.constant 0 : i32
    %cond3A_110 = arith.cmpi ne, %convert_element_type3A_108, %cond3A_109 : i32
    scf.if %cond3A_110 {
      %mul3A_125 = arith.constant 80 : i32
      %mul3A_126 = arith.muli %add3A_105, %mul3A_125 : i32
      %mul3A_127 = arith.constant 80 : i32
      %mul3A_128 = arith.muli %add3A_105, %mul3A_127 : i32
      "tpu.region"() ({
        %run_scoped3A = tpu.sem_alloc : memref<!tpu.dma_semaphore, #tpu.memory_space<semaphore_mem>>
        %dma_start3A = arith.constant 0 : i32
        %dma_start3A_129 = tpu.memref_slice %arg6[%arg0, %mul3A_128, %dma_start3A] : memref<2x10000x128xf32, #tpu.memory_space<hbm>> -> memref<1x80x128xf32, #tpu.memory_space<hbm>>
        %dma_start3A_130 = tpu.memref_squeeze %dma_start3A_129 : memref<1x80x128xf32, #tpu.memory_space<hbm>> -> memref<80x128xf32, #tpu.memory_space<hbm>>
        %dma_start3A_131 = arith.constant 0 : i32
        %dma_start3A_132 = tpu.memref_slice %arg7[%mul3A_126, %dma_start3A_131] : memref<10000x128xf32, #tpu.memory_space<vmem_shared>> -> memref<80x128xf32, #tpu.memory_space<vmem_shared>>
        tpu.enqueue_dma source(%dma_start3A_132 : memref<80x128xf32, #tpu.memory_space<vmem_shared>>) target(%dma_start3A_130 : memref<80x128xf32, #tpu.memory_space<hbm>>) target_semaphore(%run_scoped3A : memref<!tpu.dma_semaphore, #tpu.memory_space<semaphore_mem>>)
        %dma_wait3A = arith.constant 0 : i32
        %dma_wait3A_133 = tpu.memref_slice %arg6[%arg0, %mul3A_128, %dma_wait3A] : memref<2x10000x128xf32, #tpu.memory_space<hbm>> -> memref<1x80x128xf32, #tpu.memory_space<hbm>>
        %dma_wait3A_134 = tpu.memref_squeeze %dma_wait3A_133 : memref<1x80x128xf32, #tpu.memory_space<hbm>> -> memref<80x128xf32, #tpu.memory_space<hbm>>
        %dma_wait3A_135 = arith.constant 0 : i32
        %dma_wait3A_136 = tpu.memref_slice %arg7[%mul3A_126, %dma_wait3A_135] : memref<10000x128xf32, #tpu.memory_space<vmem_shared>> -> memref<80x128xf32, #tpu.memory_space<vmem_shared>>
        tpu.wait_dma2 semaphore(%run_scoped3A : memref<!tpu.dma_semaphore, #tpu.memory_space<semaphore_mem>>) src(%dma_wait3A_136 : memref<80x128xf32, #tpu.memory_space<vmem_shared>>) dst(%dma_wait3A_134 : memref<80x128xf32, #tpu.memory_space<hbm>>)
        tpu.yield
      }) : () -> ()
    } else {
    }
    %add3A_111 = arith.constant 96 : i32
    %add3A_112 = arith.addi %arg1, %add3A_111 : i32
    %lt3A_113 = arith.constant 125 : i32
    %lt3A_114 = arith.cmpi slt, %add3A_112, %lt3A_113 : i32
    %convert_element_type3A_115 = arith.extui %lt3A_114 : i1 to i32
    %cond3A_116 = arith.constant 0 : i32
    %cond3A_117 = arith.cmpi ne, %convert_element_type3A_115, %cond3A_116 : i32
    scf.if %cond3A_117 {
      %mul3A_125 = arith.constant 80 : i32
      %mul3A_126 = arith.muli %add3A_112, %mul3A_125 : i32
      %mul3A_127 = arith.constant 80 : i32
      %mul3A_128 = arith.muli %add3A_112, %mul3A_127 : i32
      "tpu.region"() ({
        %run_scoped3A = tpu.sem_alloc : memref<!tpu.dma_semaphore, #tpu.memory_space<semaphore_mem>>
        %dma_start3A = arith.constant 0 : i32
        %dma_start3A_129 = tpu.memref_slice %arg6[%arg0, %mul3A_128, %dma_start3A] : memref<2x10000x128xf32, #tpu.memory_space<hbm>> -> memref<1x80x128xf32, #tpu.memory_space<hbm>>
        %dma_start3A_130 = tpu.memref_squeeze %dma_start3A_129 : memref<1x80x128xf32, #tpu.memory_space<hbm>> -> memref<80x128xf32, #tpu.memory_space<hbm>>
        %dma_start3A_131 = arith.constant 0 : i32
        %dma_start3A_132 = tpu.memref_slice %arg7[%mul3A_126, %dma_start3A_131] : memref<10000x128xf32, #tpu.memory_space<vmem_shared>> -> memref<80x128xf32, #tpu.memory_space<vmem_shared>>
        tpu.enqueue_dma source(%dma_start3A_132 : memref<80x128xf32, #tpu.memory_space<vmem_shared>>) target(%dma_start3A_130 : memref<80x128xf32, #tpu.memory_space<hbm>>) target_semaphore(%run_scoped3A : memref<!tpu.dma_semaphore, #tpu.memory_space<semaphore_mem>>)
        %dma_wait3A = arith.constant 0 : i32
        %dma_wait3A_133 = tpu.memref_slice %arg6[%arg0, %mul3A_128, %dma_wait3A] : memref<2x10000x128xf32, #tpu.memory_space<hbm>> -> memref<1x80x128xf32, #tpu.memory_space<hbm>>
        %dma_wait3A_134 = tpu.memref_squeeze %dma_wait3A_133 : memref<1x80x128xf32, #tpu.memory_space<hbm>> -> memref<80x128xf32, #tpu.memory_space<hbm>>
        %dma_wait3A_135 = arith.constant 0 : i32
        %dma_wait3A_136 = tpu.memref_slice %arg7[%mul3A_126, %dma_wait3A_135] : memref<10000x128xf32, #tpu.memory_space<vmem_shared>> -> memref<80x128xf32, #tpu.memory_space<vmem_shared>>
        tpu.wait_dma2 semaphore(%run_scoped3A : memref<!tpu.dma_semaphore, #tpu.memory_space<semaphore_mem>>) src(%dma_wait3A_136 : memref<80x128xf32, #tpu.memory_space<vmem_shared>>) dst(%dma_wait3A_134 : memref<80x128xf32, #tpu.memory_space<hbm>>)
        tpu.yield
      }) : () -> ()
    } else {
    }
    %add3A_118 = arith.constant 112 : i32
    %add3A_119 = arith.addi %arg1, %add3A_118 : i32
    %lt3A_120 = arith.constant 125 : i32
    %lt3A_121 = arith.cmpi slt, %add3A_119, %lt3A_120 : i32
    %convert_element_type3A_122 = arith.extui %lt3A_121 : i1 to i32
    %cond3A_123 = arith.constant 0 : i32
    %cond3A_124 = arith.cmpi ne, %convert_element_type3A_122, %cond3A_123 : i32
    scf.if %cond3A_124 {
      %mul3A_125 = arith.constant 80 : i32
      %mul3A_126 = arith.muli %add3A_119, %mul3A_125 : i32
      %mul3A_127 = arith.constant 80 : i32
      %mul3A_128 = arith.muli %add3A_119, %mul3A_127 : i32
      "tpu.region"() ({
        %run_scoped3A = tpu.sem_alloc : memref<!tpu.dma_semaphore, #tpu.memory_space<semaphore_mem>>
        %dma_start3A = arith.constant 0 : i32
        %dma_start3A_129 = tpu.memref_slice %arg6[%arg0, %mul3A_128, %dma_start3A] : memref<2x10000x128xf32, #tpu.memory_space<hbm>> -> memref<1x80x128xf32, #tpu.memory_space<hbm>>
        %dma_start3A_130 = tpu.memref_squeeze %dma_start3A_129 : memref<1x80x128xf32, #tpu.memory_space<hbm>> -> memref<80x128xf32, #tpu.memory_space<hbm>>
        %dma_start3A_131 = arith.constant 0 : i32
        %dma_start3A_132 = tpu.memref_slice %arg7[%mul3A_126, %dma_start3A_131] : memref<10000x128xf32, #tpu.memory_space<vmem_shared>> -> memref<80x128xf32, #tpu.memory_space<vmem_shared>>
        tpu.enqueue_dma source(%dma_start3A_132 : memref<80x128xf32, #tpu.memory_space<vmem_shared>>) target(%dma_start3A_130 : memref<80x128xf32, #tpu.memory_space<hbm>>) target_semaphore(%run_scoped3A : memref<!tpu.dma_semaphore, #tpu.memory_space<semaphore_mem>>)
        %dma_wait3A = arith.constant 0 : i32
        %dma_wait3A_133 = tpu.memref_slice %arg6[%arg0, %mul3A_128, %dma_wait3A] : memref<2x10000x128xf32, #tpu.memory_space<hbm>> -> memref<1x80x128xf32, #tpu.memory_space<hbm>>
        %dma_wait3A_134 = tpu.memref_squeeze %dma_wait3A_133 : memref<1x80x128xf32, #tpu.memory_space<hbm>> -> memref<80x128xf32, #tpu.memory_space<hbm>>
        %dma_wait3A_135 = arith.constant 0 : i32
        %dma_wait3A_136 = tpu.memref_slice %arg7[%mul3A_126, %dma_wait3A_135] : memref<10000x128xf32, #tpu.memory_space<vmem_shared>> -> memref<80x128xf32, #tpu.memory_space<vmem_shared>>
        tpu.wait_dma2 semaphore(%run_scoped3A : memref<!tpu.dma_semaphore, #tpu.memory_space<semaphore_mem>>) src(%dma_wait3A_136 : memref<80x128xf32, #tpu.memory_space<vmem_shared>>) dst(%dma_wait3A_134 : memref<80x128xf32, #tpu.memory_space<hbm>>)
        tpu.yield
      }) : () -> ()
    } else {
    }
    return
  }
}

module attributes {stable_mosaic.version = 14 : i64} {
  func.func @_nodeproj_body(%arg0: i32, %arg1: memref<2000x128xf32, #tpu.memory_space<vmem>>, %arg2: memref<128x128xf32, #tpu.memory_space<vmem>>, %arg3: memref<128x128xf32, #tpu.memory_space<vmem>>, %arg4: memref<128x128xf32, #tpu.memory_space<vmem>>, %arg5: memref<1x128xf32, #tpu.memory_space<vmem>>, %arg6: memref<16x128xf32, #tpu.memory_space<vmem>>, %arg7: memref<1x128xf32, #tpu.memory_space<vmem>>, %arg8: memref<128x128xf32, #tpu.memory_space<vmem>>, %arg9: memref<1x128xf32, #tpu.memory_space<vmem>>, %arg10: memref<2000x128xf32, #tpu.memory_space<vmem>>, %arg11: memref<2000x128xf32, #tpu.memory_space<vmem>>, %arg12: memref<2000x128xf32, #tpu.memory_space<vmem>>, %arg13: memref<16x128xf32, #tpu.memory_space<vmem>>, %arg14: memref<1x128xf32, #tpu.memory_space<vmem>>) attributes {dimension_semantics = [#tpu.dimension_semantics<arbitrary>], iteration_bounds = array<i64: 5>, scalar_prefetch = 0 : i64, scratch_operands = 0 : i64, tpu.core_type = #tpu.core_type<tc>, window_params = [{transform_indices = @transform_0, window_bounds = array<i64: 2000, 128>}, {pipeline_mode = #tpu.pipeline_mode<synchronous>, transform_indices = @transform_1, window_bounds = array<i64: 128, 128>}, {pipeline_mode = #tpu.pipeline_mode<synchronous>, transform_indices = @transform_2, window_bounds = array<i64: 128, 128>}, {pipeline_mode = #tpu.pipeline_mode<synchronous>, transform_indices = @transform_3, window_bounds = array<i64: 128, 128>}, {pipeline_mode = #tpu.pipeline_mode<synchronous>, transform_indices = @transform_4, window_bounds = array<i64: 1, 128>}, {pipeline_mode = #tpu.pipeline_mode<synchronous>, transform_indices = @transform_5, window_bounds = array<i64: 16, 128>}, {pipeline_mode = #tpu.pipeline_mode<synchronous>, transform_indices = @transform_6, window_bounds = array<i64: 1, 128>}, {pipeline_mode = #tpu.pipeline_mode<synchronous>, transform_indices = @transform_7, window_bounds = array<i64: 128, 128>}, {pipeline_mode = #tpu.pipeline_mode<synchronous>, transform_indices = @transform_8, window_bounds = array<i64: 1, 128>}, {transform_indices = @transform_9, window_bounds = array<i64: 2000, 128>}, {transform_indices = @transform_10, window_bounds = array<i64: 2000, 128>}, {transform_indices = @transform_11, window_bounds = array<i64: 2000, 128>}, {pipeline_mode = #tpu.pipeline_mode<synchronous>, transform_indices = @transform_12, window_bounds = array<i64: 16, 128>}, {pipeline_mode = #tpu.pipeline_mode<synchronous>, transform_indices = @transform_13, window_bounds = array<i64: 1, 128>}]} {
    %get3A = arith.constant 0 : index
    %get3A_0 = arith.constant 0 : index
    %get3A_1 = vector.load %arg1[%get3A, %get3A_0] : memref<2000x128xf32, #tpu.memory_space<vmem>>, vector<2000x128xf32>
    %get3A_2 = arith.constant 0 : index
    %get3A_3 = arith.constant 0 : index
    %get3A_4 = vector.load %arg2[%get3A_2, %get3A_3] : memref<128x128xf32, #tpu.memory_space<vmem>>, vector<128x128xf32>
    %dot_general3A = arith.constant dense<0.000000e+00> : vector<2000x128xf32>
    %dot_general3A_5 = tpu.matmul %get3A_1, %get3A_4, %dot_general3A {dimension_numbers = #tpu.dot_dimension_numbers<[1], [0], [0], [1], [0, 0, 1, 1], [], []>, transpose_lhs_hint = false} : vector<2000x128xf32>, vector<128x128xf32>, vector<2000x128xf32> -> vector<2000x128xf32>
    %swap3A = arith.constant 0 : index
    %swap3A_6 = arith.constant 0 : index
    %swap3A_7 = vector.load %arg10[%swap3A, %swap3A_6] : memref<2000x128xf32, #tpu.memory_space<vmem>>, vector<2000x128xf32>
    tpu.vector_store %arg10[%swap3A, %swap3A_6], %dot_general3A_5 {strides = array<i32>} : memref<2000x128xf32, #tpu.memory_space<vmem>>, vector<2000x128xf32>,
    %get3A_8 = arith.constant 0 : index
    %get3A_9 = arith.constant 0 : index
    %get3A_10 = vector.load %arg3[%get3A_8, %get3A_9] : memref<128x128xf32, #tpu.memory_space<vmem>>, vector<128x128xf32>
    %dot_general3A_11 = arith.constant dense<0.000000e+00> : vector<2000x128xf32>
    %dot_general3A_12 = tpu.matmul %get3A_1, %get3A_10, %dot_general3A_11 {dimension_numbers = #tpu.dot_dimension_numbers<[1], [0], [0], [1], [0, 0, 1, 1], [], []>, transpose_lhs_hint = false} : vector<2000x128xf32>, vector<128x128xf32>, vector<2000x128xf32> -> vector<2000x128xf32>
    %swap3A_13 = arith.constant 0 : index
    %swap3A_14 = arith.constant 0 : index
    %swap3A_15 = vector.load %arg11[%swap3A_13, %swap3A_14] : memref<2000x128xf32, #tpu.memory_space<vmem>>, vector<2000x128xf32>
    tpu.vector_store %arg11[%swap3A_13, %swap3A_14], %dot_general3A_12 {strides = array<i32>} : memref<2000x128xf32, #tpu.memory_space<vmem>>, vector<2000x128xf32>,
    %get3A_16 = arith.constant 0 : index
    %get3A_17 = arith.constant 0 : index
    %get3A_18 = vector.load %arg4[%get3A_16, %get3A_17] : memref<128x128xf32, #tpu.memory_space<vmem>>, vector<128x128xf32>
    %dot_general3A_19 = arith.constant dense<0.000000e+00> : vector<2000x128xf32>
    %dot_general3A_20 = tpu.matmul %get3A_1, %get3A_18, %dot_general3A_19 {dimension_numbers = #tpu.dot_dimension_numbers<[1], [0], [0], [1], [0, 0, 1, 1], [], []>, transpose_lhs_hint = false} : vector<2000x128xf32>, vector<128x128xf32>, vector<2000x128xf32> -> vector<2000x128xf32>
    %get3A_21 = arith.constant 0 : index
    %get3A_22 = arith.constant 0 : index
    %get3A_23 = vector.load %arg5[%get3A_21, %get3A_22] : memref<1x128xf32, #tpu.memory_space<vmem>>, vector<1x128xf32>
    %add3A = vector.broadcast %get3A_23 : vector<1x128xf32> to vector<2000x128xf32>
    %add3A_24 = arith.addf %dot_general3A_20, %add3A : vector<2000x128xf32>
    %swap3A_25 = arith.constant 0 : index
    %swap3A_26 = arith.constant 0 : index
    %swap3A_27 = vector.load %arg12[%swap3A_25, %swap3A_26] : memref<2000x128xf32, #tpu.memory_space<vmem>>, vector<2000x128xf32>
    tpu.vector_store %arg12[%swap3A_25, %swap3A_26], %add3A_24 {strides = array<i32>} : memref<2000x128xf32, #tpu.memory_space<vmem>>, vector<2000x128xf32>,
    %eq3A = arith.constant 0 : i32
    %eq3A_28 = arith.cmpi eq, %arg0, %eq3A : i32
    %convert_element_type3A = arith.extui %eq3A_28 : i1 to i32
    %cond3A = arith.constant 0 : i32
    %cond3A_29 = arith.cmpi ne, %convert_element_type3A, %cond3A : i32
    scf.if %cond3A_29 {
      %get3A_30 = arith.constant 0 : index
      %get3A_31 = arith.constant 0 : index
      %get3A_32 = vector.load %arg8[%get3A_30, %get3A_31] : memref<128x128xf32, #tpu.memory_space<vmem>>, vector<128x128xf32>
      %get3A_33 = arith.constant 0 : index
      %get3A_34 = arith.constant 0 : index
      %get3A_35 = vector.load %arg6[%get3A_33, %get3A_34] : memref<16x128xf32, #tpu.memory_space<vmem>>, vector<16x128xf32>
      %dot_general3A_36 = arith.constant dense<0.000000e+00> : vector<16x128xf32>
      %dot_general3A_37 = tpu.matmul %get3A_35, %get3A_32, %dot_general3A_36 {dimension_numbers = #tpu.dot_dimension_numbers<[1], [0], [0], [1], [0, 0, 1, 1], [], []>, transpose_lhs_hint = false} : vector<16x128xf32>, vector<128x128xf32>, vector<16x128xf32> -> vector<16x128xf32>
      %swap3A_38 = arith.constant 0 : index
      %swap3A_39 = arith.constant 0 : index
      %swap3A_40 = vector.load %arg13[%swap3A_38, %swap3A_39] : memref<16x128xf32, #tpu.memory_space<vmem>>, vector<16x128xf32>
      tpu.vector_store %arg13[%swap3A_38, %swap3A_39], %dot_general3A_37 {strides = array<i32>} : memref<16x128xf32, #tpu.memory_space<vmem>>, vector<16x128xf32>,
      %get3A_41 = arith.constant 0 : index
      %get3A_42 = arith.constant 0 : index
      %get3A_43 = vector.load %arg7[%get3A_41, %get3A_42] : memref<1x128xf32, #tpu.memory_space<vmem>>, vector<1x128xf32>
      %dot_general3A_44 = arith.constant dense<0.000000e+00> : vector<1x128xf32>
      %dot_general3A_45 = tpu.matmul %get3A_43, %get3A_32, %dot_general3A_44 {dimension_numbers = #tpu.dot_dimension_numbers<[1], [0], [0], [1], [0, 0, 1, 1], [], []>, transpose_lhs_hint = false} : vector<1x128xf32>, vector<128x128xf32>, vector<1x128xf32> -> vector<1x128xf32>
      %get3A_46 = arith.constant 0 : index
      %get3A_47 = arith.constant 0 : index
      %get3A_48 = vector.load %arg9[%get3A_46, %get3A_47] : memref<1x128xf32, #tpu.memory_space<vmem>>, vector<1x128xf32>
      %add3A_49 = arith.addf %dot_general3A_45, %get3A_48 : vector<1x128xf32>
      %swap3A_50 = arith.constant 0 : index
      %swap3A_51 = arith.constant 0 : index
      %swap3A_52 = vector.load %arg14[%swap3A_50, %swap3A_51] : memref<1x128xf32, #tpu.memory_space<vmem>>, vector<1x128xf32>
      tpu.vector_store %arg14[%swap3A_50, %swap3A_51], %add3A_49 {strides = array<i32>} : memref<1x128xf32, #tpu.memory_space<vmem>>, vector<1x128xf32>,
    } else {
    }
    return
  }
  func.func @transform_0(%arg0: i32) -> (i32, i32) {
    %c0_i32 = arith.constant 0 : i32
    %c0_i32_0 = arith.constant 0 : i32
    return %arg0, %c0_i32 : i32, i32
  }
  func.func @transform_1(%arg0: i32) -> (i32, i32) {
    %c0_i32 = arith.constant 0 : i32
    %c0_i32_0 = arith.constant 0 : i32
    %c0_i32_1 = arith.constant 0 : i32
    return %c0_i32, %c0_i32_0 : i32, i32
  }
  func.func @transform_2(%arg0: i32) -> (i32, i32) {
    %c0_i32 = arith.constant 0 : i32
    %c0_i32_0 = arith.constant 0 : i32
    %c0_i32_1 = arith.constant 0 : i32
    return %c0_i32, %c0_i32_0 : i32, i32
  }
  func.func @transform_3(%arg0: i32) -> (i32, i32) {
    %c0_i32 = arith.constant 0 : i32
    %c0_i32_0 = arith.constant 0 : i32
    %c0_i32_1 = arith.constant 0 : i32
    return %c0_i32, %c0_i32_0 : i32, i32
  }
  func.func @transform_4(%arg0: i32) -> (i32, i32) {
    %c0_i32 = arith.constant 0 : i32
    %c0_i32_0 = arith.constant 0 : i32
    %c0_i32_1 = arith.constant 0 : i32
    return %c0_i32, %c0_i32_0 : i32, i32
  }
  func.func @transform_5(%arg0: i32) -> (i32, i32) {
    %c0_i32 = arith.constant 0 : i32
    %c0_i32_0 = arith.constant 0 : i32
    %c0_i32_1 = arith.constant 0 : i32
    return %c0_i32, %c0_i32_0 : i32, i32
  }
  func.func @transform_6(%arg0: i32) -> (i32, i32) {
    %c0_i32 = arith.constant 0 : i32
    %c0_i32_0 = arith.constant 0 : i32
    %c0_i32_1 = arith.constant 0 : i32
    return %c0_i32, %c0_i32_0 : i32, i32
  }
  func.func @transform_7(%arg0: i32) -> (i32, i32) {
    %c0_i32 = arith.constant 0 : i32
    %c0_i32_0 = arith.constant 0 : i32
    %c0_i32_1 = arith.constant 0 : i32
    return %c0_i32, %c0_i32_0 : i32, i32
  }
  func.func @transform_8(%arg0: i32) -> (i32, i32) {
    %c0_i32 = arith.constant 0 : i32
    %c0_i32_0 = arith.constant 0 : i32
    %c0_i32_1 = arith.constant 0 : i32
    return %c0_i32, %c0_i32_0 : i32, i32
  }
  func.func @transform_9(%arg0: i32) -> (i32, i32) {
    %c0_i32 = arith.constant 0 : i32
    %c0_i32_0 = arith.constant 0 : i32
    return %arg0, %c0_i32 : i32, i32
  }
  func.func @transform_10(%arg0: i32) -> (i32, i32) {
    %c0_i32 = arith.constant 0 : i32
    %c0_i32_0 = arith.constant 0 : i32
    return %arg0, %c0_i32 : i32, i32
  }
  func.func @transform_11(%arg0: i32) -> (i32, i32) {
    %c0_i32 = arith.constant 0 : i32
    %c0_i32_0 = arith.constant 0 : i32
    return %arg0, %c0_i32 : i32, i32
  }
  func.func @transform_12(%arg0: i32) -> (i32, i32) {
    %c0_i32 = arith.constant 0 : i32
    %c0_i32_0 = arith.constant 0 : i32
    %c0_i32_1 = arith.constant 0 : i32
    return %c0_i32, %c0_i32_0 : i32, i32
  }
  func.func @transform_13(%arg0: i32) -> (i32, i32) {
    %c0_i32 = arith.constant 0 : i32
    %c0_i32_0 = arith.constant 0 : i32
    %c0_i32_1 = arith.constant 0 : i32
    return %c0_i32, %c0_i32_0 : i32, i32
  }
}

module attributes {stable_mosaic.version = 14 : i64} {
  func.func @_edgemlp_body(%arg0: i32, %arg1: memref<2560x16xf32, #tpu.memory_space<vmem>>, %arg2: memref<2560x128xf32, #tpu.memory_space<vmem>>, %arg3: memref<2560x1xf32, #tpu.memory_space<vmem>>, %arg4: memref<16x128xf32, #tpu.memory_space<vmem>>, %arg5: memref<1x128xf32, #tpu.memory_space<vmem>>, %arg6: memref<128x128xf32, #tpu.memory_space<vmem>>, %arg7: memref<1x128xf32, #tpu.memory_space<vmem>>, %arg8: memref<128x128xf32, #tpu.memory_space<vmem>>, %arg9: memref<1x128xf32, #tpu.memory_space<vmem>>, %arg10: memref<2560x128xf32, #tpu.memory_space<vmem>>) attributes {dimension_semantics = [#tpu.dimension_semantics<arbitrary>], iteration_bounds = array<i64: 125>, scalar_prefetch = 0 : i64, scratch_operands = 0 : i64, tpu.core_type = #tpu.core_type<tc>, window_params = [{transform_indices = @transform_0, window_bounds = array<i64: 2560, 16>}, {transform_indices = @transform_1, window_bounds = array<i64: 2560, 128>}, {transform_indices = @transform_2, window_bounds = array<i64: 2560, 1>}, {pipeline_mode = #tpu.pipeline_mode<synchronous>, transform_indices = @transform_3, window_bounds = array<i64: 16, 128>}, {pipeline_mode = #tpu.pipeline_mode<synchronous>, transform_indices = @transform_4, window_bounds = array<i64: 1, 128>}, {pipeline_mode = #tpu.pipeline_mode<synchronous>, transform_indices = @transform_5, window_bounds = array<i64: 128, 128>}, {pipeline_mode = #tpu.pipeline_mode<synchronous>, transform_indices = @transform_6, window_bounds = array<i64: 1, 128>}, {pipeline_mode = #tpu.pipeline_mode<synchronous>, transform_indices = @transform_7, window_bounds = array<i64: 128, 128>}, {pipeline_mode = #tpu.pipeline_mode<synchronous>, transform_indices = @transform_8, window_bounds = array<i64: 1, 128>}, {transform_indices = @transform_9, window_bounds = array<i64: 2560, 128>}]} {
    %get3A = arith.constant 0 : index
    %get3A_0 = arith.constant 0 : index
    %get3A_1 = vector.load %arg1[%get3A, %get3A_0] : memref<2560x16xf32, #tpu.memory_space<vmem>>, vector<2560x16xf32>
    %get3A_2 = arith.constant 0 : index
    %get3A_3 = arith.constant 0 : index
    %get3A_4 = vector.load %arg4[%get3A_2, %get3A_3] : memref<16x128xf32, #tpu.memory_space<vmem>>, vector<16x128xf32>
    %dot_general3A = arith.constant dense<0.000000e+00> : vector<2560x128xf32>
    %dot_general3A_5 = tpu.matmul %get3A_1, %get3A_4, %dot_general3A {dimension_numbers = #tpu.dot_dimension_numbers<[1], [0], [0], [1], [0, 0, 1, 1], [], []>, transpose_lhs_hint = false} : vector<2560x16xf32>, vector<16x128xf32>, vector<2560x128xf32> -> vector<2560x128xf32>
    %get3A_6 = arith.constant 0 : index
    %get3A_7 = arith.constant 0 : index
    %get3A_8 = vector.load %arg2[%get3A_6, %get3A_7] : memref<2560x128xf32, #tpu.memory_space<vmem>>, vector<2560x128xf32>
    %add3A = arith.addf %dot_general3A_5, %get3A_8 : vector<2560x128xf32>
    %get3A_9 = arith.constant 0 : index
    %get3A_10 = arith.constant 0 : index
    %get3A_11 = vector.load %arg5[%get3A_9, %get3A_10] : memref<1x128xf32, #tpu.memory_space<vmem>>, vector<1x128xf32>
    %add3A_12 = vector.broadcast %get3A_11 : vector<1x128xf32> to vector<2560x128xf32>
    %add3A_13 = arith.addf %add3A, %add3A_12 : vector<2560x128xf32>
    %custom_jvp_call3A = arith.constant 0.000000e+00 : f32
    %max3A = vector.broadcast %custom_jvp_call3A : f32 to vector<2560x128xf32>
    %max3A_14 = arith.maximumf %add3A_13, %max3A : vector<2560x128xf32>
    %sub3A = vector.broadcast %custom_jvp_call3A : f32 to vector<2560x128xf32>
    %sub3A_15 = arith.subf %add3A_13, %sub3A : vector<2560x128xf32>
    %ne3A = arith.cmpf one, %sub3A_15, %sub3A_15 : vector<2560x128xf32>
    %add3A_16 = vector.broadcast %custom_jvp_call3A : f32 to vector<2560x128xf32>
    %add3A_17 = arith.addf %add3A_13, %add3A_16 : vector<2560x128xf32>
    %abs3A = math.absf %sub3A_15 : vector<2560x128xf32>
    %neg3A = arith.constant 0.000000e+00 : f32
    %neg3A_18 = vector.broadcast %neg3A : f32 to vector<2560x128xf32>
    %neg3A_19 = arith.subf %neg3A_18, %abs3A : vector<2560x128xf32>
    %exp3A = math.exp %neg3A_19 : vector<2560x128xf32>
    %log1p3A = math.log1p %exp3A : vector<2560x128xf32>
    %add3A_20 = arith.addf %max3A_14, %log1p3A : vector<2560x128xf32>
    %select_n3A = arith.select %ne3A, %add3A_17, %add3A_20 : vector<2560x128xi1>, vector<2560x128xf32>
    %log3A = arith.constant 2.000000e+00 : f32
    %log3A_21 = math.log %log3A : f32
    %sub3A_22 = vector.broadcast %log3A_21 : f32 to vector<2560x128xf32>
    %sub3A_23 = arith.subf %select_n3A, %sub3A_22 : vector<2560x128xf32>
    %get3A_24 = arith.constant 0 : index
    %get3A_25 = arith.constant 0 : index
    %get3A_26 = vector.load %arg6[%get3A_24, %get3A_25] : memref<128x128xf32, #tpu.memory_space<vmem>>, vector<128x128xf32>
    %dot_general3A_27 = arith.constant dense<0.000000e+00> : vector<2560x128xf32>
    %dot_general3A_28 = tpu.matmul %sub3A_23, %get3A_26, %dot_general3A_27 {dimension_numbers = #tpu.dot_dimension_numbers<[1], [0], [0], [1], [0, 0, 1, 1], [], []>, transpose_lhs_hint = false} : vector<2560x128xf32>, vector<128x128xf32>, vector<2560x128xf32> -> vector<2560x128xf32>
    %get3A_29 = arith.constant 0 : index
    %get3A_30 = arith.constant 0 : index
    %get3A_31 = vector.load %arg7[%get3A_29, %get3A_30] : memref<1x128xf32, #tpu.memory_space<vmem>>, vector<1x128xf32>
    %add3A_32 = vector.broadcast %get3A_31 : vector<1x128xf32> to vector<2560x128xf32>
    %add3A_33 = arith.addf %dot_general3A_28, %add3A_32 : vector<2560x128xf32>
    %custom_jvp_call3A_34 = arith.constant 0.000000e+00 : f32
    %max3A_35 = vector.broadcast %custom_jvp_call3A_34 : f32 to vector<2560x128xf32>
    %max3A_36 = arith.maximumf %add3A_33, %max3A_35 : vector<2560x128xf32>
    %sub3A_37 = vector.broadcast %custom_jvp_call3A_34 : f32 to vector<2560x128xf32>
    %sub3A_38 = arith.subf %add3A_33, %sub3A_37 : vector<2560x128xf32>
    %ne3A_39 = arith.cmpf one, %sub3A_38, %sub3A_38 : vector<2560x128xf32>
    %add3A_40 = vector.broadcast %custom_jvp_call3A_34 : f32 to vector<2560x128xf32>
    %add3A_41 = arith.addf %add3A_33, %add3A_40 : vector<2560x128xf32>
    %abs3A_42 = math.absf %sub3A_38 : vector<2560x128xf32>
    %neg3A_43 = arith.constant 0.000000e+00 : f32
    %neg3A_44 = vector.broadcast %neg3A_43 : f32 to vector<2560x128xf32>
    %neg3A_45 = arith.subf %neg3A_44, %abs3A_42 : vector<2560x128xf32>
    %exp3A_46 = math.exp %neg3A_45 : vector<2560x128xf32>
    %log1p3A_47 = math.log1p %exp3A_46 : vector<2560x128xf32>
    %add3A_48 = arith.addf %max3A_36, %log1p3A_47 : vector<2560x128xf32>
    %select_n3A_49 = arith.select %ne3A_39, %add3A_41, %add3A_48 : vector<2560x128xi1>, vector<2560x128xf32>
    %log3A_50 = arith.constant 2.000000e+00 : f32
    %log3A_51 = math.log %log3A_50 : f32
    %sub3A_52 = vector.broadcast %log3A_51 : f32 to vector<2560x128xf32>
    %sub3A_53 = arith.subf %select_n3A_49, %sub3A_52 : vector<2560x128xf32>
    %get3A_54 = arith.constant 0 : index
    %get3A_55 = arith.constant 0 : index
    %get3A_56 = vector.load %arg8[%get3A_54, %get3A_55] : memref<128x128xf32, #tpu.memory_space<vmem>>, vector<128x128xf32>
    %dot_general3A_57 = arith.constant dense<0.000000e+00> : vector<2560x128xf32>
    %dot_general3A_58 = tpu.matmul %sub3A_53, %get3A_56, %dot_general3A_57 {dimension_numbers = #tpu.dot_dimension_numbers<[1], [0], [0], [1], [0, 0, 1, 1], [], []>, transpose_lhs_hint = false} : vector<2560x128xf32>, vector<128x128xf32>, vector<2560x128xf32> -> vector<2560x128xf32>
    %get3A_59 = arith.constant 0 : index
    %get3A_60 = arith.constant 0 : index
    %get3A_61 = vector.load %arg9[%get3A_59, %get3A_60] : memref<1x128xf32, #tpu.memory_space<vmem>>, vector<1x128xf32>
    %add3A_62 = vector.broadcast %get3A_61 : vector<1x128xf32> to vector<2560x128xf32>
    %add3A_63 = arith.addf %dot_general3A_58, %add3A_62 : vector<2560x128xf32>
    %get3A_64 = arith.constant 0 : index
    %get3A_65 = arith.constant 0 : index
    %get3A_66 = vector.load %arg3[%get3A_64, %get3A_65] : memref<2560x1xf32, #tpu.memory_space<vmem>>, vector<2560x1xf32>
    %mul3A = vector.broadcast %get3A_66 : vector<2560x1xf32> to vector<2560x128xf32>
    %mul3A_67 = arith.mulf %add3A_63, %mul3A : vector<2560x128xf32>
    %swap3A = arith.constant 0 : index
    %swap3A_68 = arith.constant 0 : index
    %swap3A_69 = vector.load %arg10[%swap3A, %swap3A_68] : memref<2560x128xf32, #tpu.memory_space<vmem>>, vector<2560x128xf32>
    tpu.vector_store %arg10[%swap3A, %swap3A_68], %mul3A_67 {strides = array<i32>} : memref<2560x128xf32, #tpu.memory_space<vmem>>, vector<2560x128xf32>,
    return
  }
  func.func @transform_0(%arg0: i32) -> (i32, i32) {
    %c0_i32 = arith.constant 0 : i32
    %c0_i32_0 = arith.constant 0 : i32
    return %arg0, %c0_i32 : i32, i32
  }
  func.func @transform_1(%arg0: i32) -> (i32, i32) {
    %c0_i32 = arith.constant 0 : i32
    %c0_i32_0 = arith.constant 0 : i32
    return %arg0, %c0_i32 : i32, i32
  }
  func.func @transform_2(%arg0: i32) -> (i32, i32) {
    %c0_i32 = arith.constant 0 : i32
    %c0_i32_0 = arith.constant 0 : i32
    return %arg0, %c0_i32 : i32, i32
  }
  func.func @transform_3(%arg0: i32) -> (i32, i32) {
    %c0_i32 = arith.constant 0 : i32
    %c0_i32_0 = arith.constant 0 : i32
    %c0_i32_1 = arith.constant 0 : i32
    return %c0_i32, %c0_i32_0 : i32, i32
  }
  func.func @transform_4(%arg0: i32) -> (i32, i32) {
    %c0_i32 = arith.constant 0 : i32
    %c0_i32_0 = arith.constant 0 : i32
    %c0_i32_1 = arith.constant 0 : i32
    return %c0_i32, %c0_i32_0 : i32, i32
  }
  func.func @transform_5(%arg0: i32) -> (i32, i32) {
    %c0_i32 = arith.constant 0 : i32
    %c0_i32_0 = arith.constant 0 : i32
    %c0_i32_1 = arith.constant 0 : i32
    return %c0_i32, %c0_i32_0 : i32, i32
  }
  func.func @transform_6(%arg0: i32) -> (i32, i32) {
    %c0_i32 = arith.constant 0 : i32
    %c0_i32_0 = arith.constant 0 : i32
    %c0_i32_1 = arith.constant 0 : i32
    return %c0_i32, %c0_i32_0 : i32, i32
  }
  func.func @transform_7(%arg0: i32) -> (i32, i32) {
    %c0_i32 = arith.constant 0 : i32
    %c0_i32_0 = arith.constant 0 : i32
    %c0_i32_1 = arith.constant 0 : i32
    return %c0_i32, %c0_i32_0 : i32, i32
  }
  func.func @transform_8(%arg0: i32) -> (i32, i32) {
    %c0_i32 = arith.constant 0 : i32
    %c0_i32_0 = arith.constant 0 : i32
    %c0_i32_1 = arith.constant 0 : i32
    return %c0_i32, %c0_i32_0 : i32, i32
  }
  func.func @transform_9(%arg0: i32) -> (i32, i32) {
    %c0_i32 = arith.constant 0 : i32
    %c0_i32_0 = arith.constant 0 : i32
    return %arg0, %c0_i32 : i32, i32
  }
}

module attributes {stable_mosaic.version = 14 : i64} {
  func.func @_trans1_body(%arg0: i32, %arg1: memref<2x2000x128xf32, #tpu.memory_space<vmem>>, %arg2: memref<2000x128xf32, #tpu.memory_space<vmem>>, %arg3: memref<1x128xf32, #tpu.memory_space<vmem>>, %arg4: memref<128x128xf32, #tpu.memory_space<vmem>>, %arg5: memref<1x128xf32, #tpu.memory_space<vmem>>, %arg6: memref<2000x128xf32, #tpu.memory_space<vmem>>, %arg7: memref<1x128xf32, #tpu.memory_space<vmem>>, %arg8: memref<1x128xf32, #tpu.memory_space<vmem>>) attributes {dimension_semantics = [#tpu.dimension_semantics<arbitrary>], iteration_bounds = array<i64: 5>, scalar_prefetch = 0 : i64, scratch_operands = 0 : i64, tpu.core_type = #tpu.core_type<tc>, window_params = [{transform_indices = @transform_0, window_bounds = array<i64: 2, 2000, 128>}, {transform_indices = @transform_1, window_bounds = array<i64: 2000, 128>}, {pipeline_mode = #tpu.pipeline_mode<synchronous>, transform_indices = @transform_2, window_bounds = array<i64: 1, 128>}, {pipeline_mode = #tpu.pipeline_mode<synchronous>, transform_indices = @transform_3, window_bounds = array<i64: 128, 128>}, {pipeline_mode = #tpu.pipeline_mode<synchronous>, transform_indices = @transform_4, window_bounds = array<i64: 1, 128>}, {transform_indices = @transform_5, window_bounds = array<i64: 2000, 128>}, {pipeline_mode = #tpu.pipeline_mode<synchronous>, transform_indices = @transform_6, window_bounds = array<i64: 1, 128>}, {pipeline_mode = #tpu.pipeline_mode<synchronous>, transform_indices = @transform_7, window_bounds = array<i64: 1, 128>}]} {
    %get3A = arith.constant 0 : index
    %get3A_0 = arith.constant 0 : index
    %get3A_1 = arith.constant 0 : index
    %get3A_2 = vector.load %arg1[%get3A, %get3A_0, %get3A_1] : memref<2x2000x128xf32, #tpu.memory_space<vmem>>, vector<1x2000x128xf32>
    %get3A_3 = vector.shape_cast %get3A_2 : vector<1x2000x128xf32> to vector<2000x128xf32>
    %get3A_4 = arith.constant 1 : index
    %get3A_5 = arith.constant 0 : index
    %get3A_6 = arith.constant 0 : index
    %get3A_7 = vector.load %arg1[%get3A_4, %get3A_5, %get3A_6] : memref<2x2000x128xf32, #tpu.memory_space<vmem>>, vector<1x2000x128xf32>
    %get3A_8 = vector.shape_cast %get3A_7 : vector<1x2000x128xf32> to vector<2000x128xf32>
    %add3A = arith.addf %get3A_3, %get3A_8 : vector<2000x128xf32>
    %get3A_9 = arith.constant 0 : index
    %get3A_10 = arith.constant 0 : index
    %get3A_11 = vector.load %arg3[%get3A_9, %get3A_10] : memref<1x128xf32, #tpu.memory_space<vmem>>, vector<1x128xf32>
    %get3A_12 = arith.constant 0 : index
    %get3A_13 = arith.constant 0 : index
    %get3A_14 = vector.load %arg2[%get3A_12, %get3A_13] : memref<2000x128xf32, #tpu.memory_space<vmem>>, vector<2000x128xf32>
    %mul3A = vector.broadcast %get3A_11 : vector<1x128xf32> to vector<2000x128xf32>
    %mul3A_15 = arith.mulf %mul3A, %get3A_14 : vector<2000x128xf32>
    %add3A_16 = arith.addf %add3A, %mul3A_15 : vector<2000x128xf32>
    %get3A_17 = arith.constant 0 : index
    %get3A_18 = arith.constant 0 : index
    %get3A_19 = vector.load %arg4[%get3A_17, %get3A_18] : memref<128x128xf32, #tpu.memory_space<vmem>>, vector<128x128xf32>
    %dot_general3A = arith.constant dense<0.000000e+00> : vector<2000x128xf32>
    %dot_general3A_20 = tpu.matmul %add3A_16, %get3A_19, %dot_general3A {dimension_numbers = #tpu.dot_dimension_numbers<[1], [0], [0], [1], [0, 0, 1, 1], [], []>, transpose_lhs_hint = false} : vector<2000x128xf32>, vector<128x128xf32>, vector<2000x128xf32> -> vector<2000x128xf32>
    %get3A_21 = arith.constant 0 : index
    %get3A_22 = arith.constant 0 : index
    %get3A_23 = vector.load %arg5[%get3A_21, %get3A_22] : memref<1x128xf32, #tpu.memory_space<vmem>>, vector<1x128xf32>
    %add3A_24 = vector.broadcast %get3A_23 : vector<1x128xf32> to vector<2000x128xf32>
    %add3A_25 = arith.addf %dot_general3A_20, %add3A_24 : vector<2000x128xf32>
    %swap3A = arith.constant 0 : index
    %swap3A_26 = arith.constant 0 : index
    %swap3A_27 = vector.load %arg6[%swap3A, %swap3A_26] : memref<2000x128xf32, #tpu.memory_space<vmem>>, vector<2000x128xf32>
    tpu.vector_store %arg6[%swap3A, %swap3A_26], %add3A_25 {strides = array<i32>} : memref<2000x128xf32, #tpu.memory_space<vmem>>, vector<2000x128xf32>,
    %eq3A = arith.constant 0 : i32
    %eq3A_28 = arith.cmpi eq, %arg0, %eq3A : i32
    %convert_element_type3A = arith.extui %eq3A_28 : i1 to i32
    %cond3A = arith.constant 0 : i32
    %cond3A_29 = arith.cmpi ne, %convert_element_type3A, %cond3A : i32
    scf.if %cond3A_29 {
      %broadcast_in_dim3A_49 = arith.constant 0.000000e+00 : f32
      %broadcast_in_dim3A_50 = vector.broadcast %broadcast_in_dim3A_49 : f32 to vector<1x128xf32>
      %swap3A_51 = arith.constant 0 : index
      %swap3A_52 = arith.constant 0 : index
      %swap3A_53 = vector.load %arg7[%swap3A_51, %swap3A_52] : memref<1x128xf32, #tpu.memory_space<vmem>>, vector<1x128xf32>
      tpu.vector_store %arg7[%swap3A_51, %swap3A_52], %broadcast_in_dim3A_50 {strides = array<i32>} : memref<1x128xf32, #tpu.memory_space<vmem>>, vector<1x128xf32>,
      %broadcast_in_dim3A_54 = arith.constant 0.000000e+00 : f32
      %broadcast_in_dim3A_55 = vector.broadcast %broadcast_in_dim3A_54 : f32 to vector<1x128xf32>
      %swap3A_56 = arith.constant 0 : index
      %swap3A_57 = arith.constant 0 : index
      %swap3A_58 = vector.load %arg8[%swap3A_56, %swap3A_57] : memref<1x128xf32, #tpu.memory_space<vmem>>, vector<1x128xf32>
      tpu.vector_store %arg8[%swap3A_56, %swap3A_57], %broadcast_in_dim3A_55 {strides = array<i32>} : memref<1x128xf32, #tpu.memory_space<vmem>>, vector<1x128xf32>,
    } else {
    }
    %get3A_30 = arith.constant 0 : index
    %get3A_31 = arith.constant 0 : index
    %get3A_32 = vector.load %arg7[%get3A_30, %get3A_31] : memref<1x128xf32, #tpu.memory_space<vmem>>, vector<1x128xf32>
    %reduce_sum3A = arith.constant dense<0.000000e+00> : vector<128xf32>
    %reduce_sum3A_33 = vector.multi_reduction <add>, %add3A_25, %reduce_sum3A [0] : vector<2000x128xf32> to vector<128xf32>
    %broadcast_in_dim3A = vector.shape_cast %reduce_sum3A_33 : vector<128xf32> to vector<1x128xf32>
    %add3A_34 = arith.addf %get3A_32, %broadcast_in_dim3A : vector<1x128xf32>
    %swap3A_35 = arith.constant 0 : index
    %swap3A_36 = arith.constant 0 : index
    %swap3A_37 = vector.load %arg7[%swap3A_35, %swap3A_36] : memref<1x128xf32, #tpu.memory_space<vmem>>, vector<1x128xf32>
    tpu.vector_store %arg7[%swap3A_35, %swap3A_36], %add3A_34 {strides = array<i32>} : memref<1x128xf32, #tpu.memory_space<vmem>>, vector<1x128xf32>,
    %get3A_38 = arith.constant 0 : index
    %get3A_39 = arith.constant 0 : index
    %get3A_40 = vector.load %arg8[%get3A_38, %get3A_39] : memref<1x128xf32, #tpu.memory_space<vmem>>, vector<1x128xf32>
    %mul3A_41 = arith.mulf %add3A_25, %add3A_25 : vector<2000x128xf32>
    %reduce_sum3A_42 = arith.constant dense<0.000000e+00> : vector<128xf32>
    %reduce_sum3A_43 = vector.multi_reduction <add>, %mul3A_41, %reduce_sum3A_42 [0] : vector<2000x128xf32> to vector<128xf32>
    %broadcast_in_dim3A_44 = vector.shape_cast %reduce_sum3A_43 : vector<128xf32> to vector<1x128xf32>
    %add3A_45 = arith.addf %get3A_40, %broadcast_in_dim3A_44 : vector<1x128xf32>
    %swap3A_46 = arith.constant 0 : index
    %swap3A_47 = arith.constant 0 : index
    %swap3A_48 = vector.load %arg8[%swap3A_46, %swap3A_47] : memref<1x128xf32, #tpu.memory_space<vmem>>, vector<1x128xf32>
    tpu.vector_store %arg8[%swap3A_46, %swap3A_47], %add3A_45 {strides = array<i32>} : memref<1x128xf32, #tpu.memory_space<vmem>>, vector<1x128xf32>,
    return
  }
  func.func @transform_0(%arg0: i32) -> (i32, i32, i32) {
    %c0_i32 = arith.constant 0 : i32
    %c0_i32_0 = arith.constant 0 : i32
    %c0_i32_1 = arith.constant 0 : i32
    return %c0_i32, %arg0, %c0_i32_0 : i32, i32, i32
  }
  func.func @transform_1(%arg0: i32) -> (i32, i32) {
    %c0_i32 = arith.constant 0 : i32
    %c0_i32_0 = arith.constant 0 : i32
    return %arg0, %c0_i32 : i32, i32
  }
  func.func @transform_2(%arg0: i32) -> (i32, i32) {
    %c0_i32 = arith.constant 0 : i32
    %c0_i32_0 = arith.constant 0 : i32
    %c0_i32_1 = arith.constant 0 : i32
    return %c0_i32, %c0_i32_0 : i32, i32
  }
  func.func @transform_3(%arg0: i32) -> (i32, i32) {
    %c0_i32 = arith.constant 0 : i32
    %c0_i32_0 = arith.constant 0 : i32
    %c0_i32_1 = arith.constant 0 : i32
    return %c0_i32, %c0_i32_0 : i32, i32
  }
  func.func @transform_4(%arg0: i32) -> (i32, i32) {
    %c0_i32 = arith.constant 0 : i32
    %c0_i32_0 = arith.constant 0 : i32
    %c0_i32_1 = arith.constant 0 : i32
    return %c0_i32, %c0_i32_0 : i32, i32
  }
  func.func @transform_5(%arg0: i32) -> (i32, i32) {
    %c0_i32 = arith.constant 0 : i32
    %c0_i32_0 = arith.constant 0 : i32
    return %arg0, %c0_i32 : i32, i32
  }
  func.func @transform_6(%arg0: i32) -> (i32, i32) {
    %c0_i32 = arith.constant 0 : i32
    %c0_i32_0 = arith.constant 0 : i32
    %c0_i32_1 = arith.constant 0 : i32
    return %c0_i32, %c0_i32_0 : i32, i32
  }
  func.func @transform_7(%arg0: i32) -> (i32, i32) {
    %c0_i32 = arith.constant 0 : i32
    %c0_i32_0 = arith.constant 0 : i32
    %c0_i32_1 = arith.constant 0 : i32
    return %c0_i32, %c0_i32_0 : i32, i32
  }
}

module attributes {stable_mosaic.version = 14 : i64} {
  func.func @_trans2_body(%arg0: i32, %arg1: memref<2000x128xf32, #tpu.memory_space<vmem>>, %arg2: memref<1x128xf32, #tpu.memory_space<vmem>>, %arg3: memref<1x128xf32, #tpu.memory_space<vmem>>, %arg4: memref<1x128xf32, #tpu.memory_space<vmem>>, %arg5: memref<1x128xf32, #tpu.memory_space<vmem>>, %arg6: memref<128x128xf32, #tpu.memory_space<vmem>>, %arg7: memref<1x128xf32, #tpu.memory_space<vmem>>, %arg8: memref<2000x128xf32, #tpu.memory_space<vmem>>) attributes {dimension_semantics = [#tpu.dimension_semantics<arbitrary>], iteration_bounds = array<i64: 5>, scalar_prefetch = 0 : i64, scratch_operands = 0 : i64, tpu.core_type = #tpu.core_type<tc>, window_params = [{transform_indices = @transform_0, window_bounds = array<i64: 2000, 128>}, {pipeline_mode = #tpu.pipeline_mode<synchronous>, transform_indices = @transform_1, window_bounds = array<i64: 1, 128>}, {pipeline_mode = #tpu.pipeline_mode<synchronous>, transform_indices = @transform_2, window_bounds = array<i64: 1, 128>}, {pipeline_mode = #tpu.pipeline_mode<synchronous>, transform_indices = @transform_3, window_bounds = array<i64: 1, 128>}, {pipeline_mode = #tpu.pipeline_mode<synchronous>, transform_indices = @transform_4, window_bounds = array<i64: 1, 128>}, {pipeline_mode = #tpu.pipeline_mode<synchronous>, transform_indices = @transform_5, window_bounds = array<i64: 128, 128>}, {pipeline_mode = #tpu.pipeline_mode<synchronous>, transform_indices = @transform_6, window_bounds = array<i64: 1, 128>}, {transform_indices = @transform_7, window_bounds = array<i64: 2000, 128>}]} {
    %get3A = arith.constant 0 : index
    %get3A_0 = arith.constant 0 : index
    %get3A_1 = vector.load %arg2[%get3A, %get3A_0] : memref<1x128xf32, #tpu.memory_space<vmem>>, vector<1x128xf32>
    %mul3A = arith.constant 9.99999974E-5 : f32
    %mul3A_2 = vector.broadcast %mul3A : f32 to vector<1x128xf32>
    %mul3A_3 = arith.mulf %get3A_1, %mul3A_2 : vector<1x128xf32>
    %get3A_4 = arith.constant 0 : index
    %get3A_5 = arith.constant 0 : index
    %get3A_6 = vector.load %arg3[%get3A_4, %get3A_5] : memref<1x128xf32, #tpu.memory_space<vmem>>, vector<1x128xf32>
    %mul3A_7 = arith.constant 9.99999974E-5 : f32
    %mul3A_8 = vector.broadcast %mul3A_7 : f32 to vector<1x128xf32>
    %mul3A_9 = arith.mulf %get3A_6, %mul3A_8 : vector<1x128xf32>
    %mul3A_10 = arith.mulf %mul3A_3, %mul3A_3 : vector<1x128xf32>
    %sub3A = arith.subf %mul3A_9, %mul3A_10 : vector<1x128xf32>
    %add3A = arith.constant 9.99999974E-6 : f32
    %add3A_11 = vector.broadcast %add3A : f32 to vector<1x128xf32>
    %add3A_12 = arith.addf %sub3A, %add3A_11 : vector<1x128xf32>
    %rsqrt3A = math.rsqrt %add3A_12 : vector<1x128xf32>
    %get3A_13 = arith.constant 0 : index
    %get3A_14 = arith.constant 0 : index
    %get3A_15 = vector.load %arg4[%get3A_13, %get3A_14] : memref<1x128xf32, #tpu.memory_space<vmem>>, vector<1x128xf32>
    %mul3A_16 = arith.mulf %rsqrt3A, %get3A_15 : vector<1x128xf32>
    %get3A_17 = arith.constant 0 : index
    %get3A_18 = arith.constant 0 : index
    %get3A_19 = vector.load %arg1[%get3A_17, %get3A_18] : memref<2000x128xf32, #tpu.memory_space<vmem>>, vector<2000x128xf32>
    %sub3A_20 = vector.broadcast %mul3A_3 : vector<1x128xf32> to vector<2000x128xf32>
    %sub3A_21 = arith.subf %get3A_19, %sub3A_20 : vector<2000x128xf32>
    %mul3A_22 = vector.broadcast %mul3A_16 : vector<1x128xf32> to vector<2000x128xf32>
    %mul3A_23 = arith.mulf %sub3A_21, %mul3A_22 : vector<2000x128xf32>
    %get3A_24 = arith.constant 0 : index
    %get3A_25 = arith.constant 0 : index
    %get3A_26 = vector.load %arg5[%get3A_24, %get3A_25] : memref<1x128xf32, #tpu.memory_space<vmem>>, vector<1x128xf32>
    %add3A_27 = vector.broadcast %get3A_26 : vector<1x128xf32> to vector<2000x128xf32>
    %add3A_28 = arith.addf %mul3A_23, %add3A_27 : vector<2000x128xf32>
    %custom_jvp_call3A = arith.constant 0.000000e+00 : f32
    %max3A = vector.broadcast %custom_jvp_call3A : f32 to vector<2000x128xf32>
    %max3A_29 = arith.maximumf %add3A_28, %max3A : vector<2000x128xf32>
    %sub3A_30 = vector.broadcast %custom_jvp_call3A : f32 to vector<2000x128xf32>
    %sub3A_31 = arith.subf %add3A_28, %sub3A_30 : vector<2000x128xf32>
    %ne3A = arith.cmpf one, %sub3A_31, %sub3A_31 : vector<2000x128xf32>
    %add3A_32 = vector.broadcast %custom_jvp_call3A : f32 to vector<2000x128xf32>
    %add3A_33 = arith.addf %add3A_28, %add3A_32 : vector<2000x128xf32>
    %abs3A = math.absf %sub3A_31 : vector<2000x128xf32>
    %neg3A = arith.constant 0.000000e+00 : f32
    %neg3A_34 = vector.broadcast %neg3A : f32 to vector<2000x128xf32>
    %neg3A_35 = arith.subf %neg3A_34, %abs3A : vector<2000x128xf32>
    %exp3A = math.exp %neg3A_35 : vector<2000x128xf32>
    %log1p3A = math.log1p %exp3A : vector<2000x128xf32>
    %add3A_36 = arith.addf %max3A_29, %log1p3A : vector<2000x128xf32>
    %select_n3A = arith.select %ne3A, %add3A_33, %add3A_36 : vector<2000x128xi1>, vector<2000x128xf32>
    %log3A = arith.constant 2.000000e+00 : f32
    %log3A_37 = math.log %log3A : f32
    %sub3A_38 = vector.broadcast %log3A_37 : f32 to vector<2000x128xf32>
    %sub3A_39 = arith.subf %select_n3A, %sub3A_38 : vector<2000x128xf32>
    %get3A_40 = arith.constant 0 : index
    %get3A_41 = arith.constant 0 : index
    %get3A_42 = vector.load %arg6[%get3A_40, %get3A_41] : memref<128x128xf32, #tpu.memory_space<vmem>>, vector<128x128xf32>
    %dot_general3A = arith.constant dense<0.000000e+00> : vector<2000x128xf32>
    %dot_general3A_43 = tpu.matmul %sub3A_39, %get3A_42, %dot_general3A {dimension_numbers = #tpu.dot_dimension_numbers<[1], [0], [0], [1], [0, 0, 1, 1], [], []>, transpose_lhs_hint = false} : vector<2000x128xf32>, vector<128x128xf32>, vector<2000x128xf32> -> vector<2000x128xf32>
    %get3A_44 = arith.constant 0 : index
    %get3A_45 = arith.constant 0 : index
    %get3A_46 = vector.load %arg7[%get3A_44, %get3A_45] : memref<1x128xf32, #tpu.memory_space<vmem>>, vector<1x128xf32>
    %add3A_47 = vector.broadcast %get3A_46 : vector<1x128xf32> to vector<2000x128xf32>
    %add3A_48 = arith.addf %dot_general3A_43, %add3A_47 : vector<2000x128xf32>
    %swap3A = arith.constant 0 : index
    %swap3A_49 = arith.constant 0 : index
    %swap3A_50 = vector.load %arg8[%swap3A, %swap3A_49] : memref<2000x128xf32, #tpu.memory_space<vmem>>, vector<2000x128xf32>
    tpu.vector_store %arg8[%swap3A, %swap3A_49], %add3A_48 {strides = array<i32>} : memref<2000x128xf32, #tpu.memory_space<vmem>>, vector<2000x128xf32>,
    return
  }
  func.func @transform_0(%arg0: i32) -> (i32, i32) {
    %c0_i32 = arith.constant 0 : i32
    %c0_i32_0 = arith.constant 0 : i32
    return %arg0, %c0_i32 : i32, i32
  }
  func.func @transform_1(%arg0: i32) -> (i32, i32) {
    %c0_i32 = arith.constant 0 : i32
    %c0_i32_0 = arith.constant 0 : i32
    %c0_i32_1 = arith.constant 0 : i32
    return %c0_i32, %c0_i32_0 : i32, i32
  }
  func.func @transform_2(%arg0: i32) -> (i32, i32) {
    %c0_i32 = arith.constant 0 : i32
    %c0_i32_0 = arith.constant 0 : i32
    %c0_i32_1 = arith.constant 0 : i32
    return %c0_i32, %c0_i32_0 : i32, i32
  }
  func.func @transform_3(%arg0: i32) -> (i32, i32) {
    %c0_i32 = arith.constant 0 : i32
    %c0_i32_0 = arith.constant 0 : i32
    %c0_i32_1 = arith.constant 0 : i32
    return %c0_i32, %c0_i32_0 : i32, i32
  }
  func.func @transform_4(%arg0: i32) -> (i32, i32) {
    %c0_i32 = arith.constant 0 : i32
    %c0_i32_0 = arith.constant 0 : i32
    %c0_i32_1 = arith.constant 0 : i32
    return %c0_i32, %c0_i32_0 : i32, i32
  }
  func.func @transform_5(%arg0: i32) -> (i32, i32) {
    %c0_i32 = arith.constant 0 : i32
    %c0_i32_0 = arith.constant 0 : i32
    %c0_i32_1 = arith.constant 0 : i32
    return %c0_i32, %c0_i32_0 : i32, i32
  }
  func.func @transform_6(%arg0: i32) -> (i32, i32) {
    %c0_i32 = arith.constant 0 : i32
    %c0_i32_0 = arith.constant 0 : i32
    %c0_i32_1 = arith.constant 0 : i32
    return %c0_i32, %c0_i32_0 : i32, i32
  }
  func.func @transform_7(%arg0: i32) -> (i32, i32) {
    %c0_i32 = arith.constant 0 : i32
    %c0_i32_0 = arith.constant 0 : i32
    return %arg0, %c0_i32 : i32, i32
  }
}

</mosaic_0001>

<sc_bundles>
// kernel: kernel.11.cloned.1.call-start
scs
__scs_entry_jumppad:
0x0: {  	(pc) =	sbr.rel $0x88, $3  }
0x1: {  	(tag) =	ssettag $0x0;
	lr =	simm.s32 $0x1  }
0x2: {  	[smem:$0x3F8C] =	sst lr;
	_ =	strace $0xD0000000  }
0x3: {  	_ = 	snop  }
0x4: {  	_ = 	snop  }
0x5: {  	_ = 	snop  }
0x6: {  	_ = 	snop  }
0x7: {  	_ = 	snop  }
__scs_overlays_trampoline_lowered:
0x8: {  	[smem:$0x3F9B] =	sst s0  }
0x9: {  	[smem:$0x3F9C] =	sst s1  }
0xa: {  	[smem:$0x3F9D] =	sst s2  }
0xb: {  	[smem:$0x3F9E] =	sst s3  }
0xc: {  	[smem:$0x3F9F] =	sst s4  }
0xd: {  	[smem:$0x3FA0] =	sst s5  }
0xe: {  	[smem:$0x3FA1] =	sst s6  }
0xf: {  	[smem:$0x3FA2] =	sst s7  }
0x10: {  	[smem:$0x3FA3] =	sst s8  }
0x11: {  	[smem:$0x3FA4] =	sst s9;
	s0 =	simm.s32 @!p0 $0x0  }
0x12: {  	s1 =	sld [smem:$0x3F8A];
	s0 =	simm.s32 @p0 $0x1  }
0x13: {  	[smem:$0x3FA5] =	sst s0;
	s0 =	simm.s32 @!p1 $0x0  }
0x14: {  	s2 =	sld [smem:$0x3F89];
	s0 =	simm.s32 @p1 $0x1  }
0x15: {  	[smem:$0x3FA6] =	sst s0;
	s0 =	simm.s32 @!p2 $0x0  }
0x16: {  	s3 =	sld [smem:$0x3FDB];
	s0 =	simm.s32 @p2 $0x1  }
0x17: {  	s4 =	simm.s32 $0x1BF5;
	[smem:$0x3FA8] =	sst s0  }
0x18: {  	s0 =	sld [smem:$0x3F8B];
	_ =	swait.ge [sflag:s4], $0x0  }
0x19: {  	s7 =	sld [smem:$0x3F8C]  }
0x1a: {  	s8 =	sadd.s32 $0xFFFFE003, lr  }
0x1b: {  	s9 =	sadd.s32 $0xFFFFFEF7, lr;
	s5 =	simm.s32 $0xFFFFFFFF;
	p2 =	slt.u32 s8, $0xFFFFF086  }
0x1c: {  	p1 =	slt.u32 s9, $0xF7A;
	s5 =	simm.s32 @!p2 $0x0  }
0x1d: {  	s5 =	simm.s32 @p1 $0x1;
	p0 =	seq.s32 s7, s2  }
0x1e: {  	s7 =	smul.u32 @!p0 $0xF7A, s2;
	p2 =	seq.s32 @!p0 s5, $0x0  }
0x1f: {  	s9 =	smul.u32 $0xF7A, s1;
	s8 =	simm.s32 @!p0 $0x1BF5;
	p2 =	por !p2, p0  }
0x20: {  	[sflag:s8] =	ssyncset.s32 @!p0 $0xFFFFF086;
	s6 =	sadd.s32 @!p0 s3, s7;
	s7 =	simm.s32 @!p0 $0x108  }
0x21: {  	s3 =	sadd.s32 s3, s9;
	s6 =	sadd.s32 @!p0 $0x88, s6;
	s7 =	simm.s32 @p2 $0x1082  }
0x22: {  	[simem:s7], [sflag:s8] =	dma.local @!p0 [hbm:s6], $0xF7A  }
0x23: {  	s9 =	sor.u32 $0xD0000000, s2;
	s6 =	simm.s32 $0x108;
	_ =	swait.ge @!p0 [sflag:s8], $0x0  }
0x24: {  	s3 =	sadd.s32 $0x88, s3;
	s6 =	simm.s32 @!p1 $0x1082;
	[sflag:s4] =	ssyncset.s32 $0xFFFFF086  }
0x25: {  	[simem:s6], [sflag:s4] =	dma.local [hbm:s3], $0xF7A  }
0x26: {  	[smem:$0x3F8C] =	sst s1;
	(tag) =	ssettag s2;
	_ =	strace s9  }
0x27: {  	s1 =	sld [smem:$0x3F9C]  }
0x28: {  	s2 =	sld [smem:$0x3F9D]  }
0x29: {  	s4 =	sld [smem:$0x3F9F]  }
0x2a: {  	p0 =	seq.s32 s5, $0x0;
	s5 =	sld [smem:$0x3FA0]  }
0x2b: {  	s6 =	sld [smem:$0x3FA1]  }
0x2c: {  	s7 =	sld [smem:$0x3FA2]  }
0x2d: {  	s3 =	simm.s32 $0x108;
	s8 =	sld [smem:$0x3FA3]  }
0x2e: {  	s3 =	simm.s32 @!p0 $0x1082;
	s9 =	sld [smem:$0x3FA4]  }
0x2f: {  	lr =	sadd.s32 s0, s3;
	s0 =	sld [smem:$0x3F9B]  }
0x30: {  	s3 =	sld [smem:$0x3F9E]  }
0x31: {  	[smem:$0x3FA7] =	sst s10  }
0x32: {  	s10 =	sld [smem:$0x3FA5];
	_ =	sdelay $0x3  }
0x33: {  	p0 =	seq.s32 s10, $0x1;
	s10 =	sld [smem:$0x3FA7];
	_ =	sdelay $0x3  }
0x34: {  	[smem:$0x3FA7] =	sst s10  }
0x35: {  	s10 =	sld [smem:$0x3FA6];
	_ =	sdelay $0x3  }
0x36: {  	p1 =	seq.s32 s10, $0x1;
	s10 =	sld [smem:$0x3FA7];
	_ =	sdelay $0x3  }
0x37: {  	[smem:$0x3FA7] =	sst s10  }
0x38: {  	s10 =	sld [smem:$0x3FA8]  }
0x39: {  	_ = 	snop;
	(pc) =	sbr.ind lr, $3  }
0x3a: {  	_ = 	snop  }
0x3b: {  	_ = 	snop  }
0x3c: {  	p2 =	seq.s32 s10, $0x1;
	s10 =	sld [smem:$0x3FA7]  }
0x3d: {  	_ =	shalt  }
0x3e: {  	_ =	shalt  }
0x3f: {  	_ =	shalt  }
0x40: {  	_ =	shalt  }
0x41: {  	_ =	shalt  }
0x42: {  	_ =	shalt  }
0x43: {  	_ =	shalt  }
0x44: {  	_ =	shalt  }
0x45: {  	_ =	shalt  }
0x46: {  	_ =	shalt  }
0x47: {  	_ =	shalt  }
0x48: {  	_ =	shalt  }
0x49: {  	_ =	shalt  }
0x4a: {  	_ =	shalt  }
0x4b: {  	_ =	shalt  }
0x4c: {  	_ =	shalt  }
0x4d: {  	_ =	shalt  }
0x4e: {  	_ =	shalt  }
0x4f: {  	_ =	shalt  }
0x50: {  	_ =	shalt  }
0x51: {  	_ =	shalt  }
0x52: {  	_ =	shalt  }
0x53: {  	_ =	shalt  }
0x54: {  	_ =	shalt  }
0x55: {  	_ =	shalt  }
0x56: {  	_ =	shalt  }
0x57: {  	_ =	shalt  }
0x58: {  	_ =	shalt  }
0x59: {  	_ =	shalt  }
0x5a: {  	_ =	shalt  }
0x5b: {  	_ =	shalt  }
0x5c: {  	_ =	shalt  }
0x5d: {  	_ =	shalt  }
0x5e: {  	_ =	shalt  }
0x5f: {  	_ =	shalt  }
0x60: {  	_ =	shalt  }
0x61: {  	_ =	shalt  }
0x62: {  	_ =	shalt  }
0x63: {  	_ =	shalt  }
0x64: {  	_ =	shalt  }
0x65: {  	_ =	shalt  }
0x66: {  	_ =	shalt  }
0x67: {  	_ =	shalt  }
0x68: {  	_ =	shalt  }
0x69: {  	_ =	shalt  }
0x6a: {  	_ =	shalt  }
0x6b: {  	_ =	shalt  }
0x6c: {  	_ =	shalt  }
0x6d: {  	_ =	shalt  }
0x6e: {  	_ =	shalt  }
0x6f: {  	_ =	shalt  }
0x70: {  	_ =	shalt  }
0x71: {  	_ =	shalt  }
0x72: {  	_ =	shalt  }
0x73: {  	_ =	shalt  }
0x74: {  	_ =	shalt  }
0x75: {  	_ =	shalt  }
0x76: {  	_ =	shalt  }
0x77: {  	_ =	shalt  }
0x78: {  	_ =	shalt  }
0x79: {  	_ =	shalt  }
0x7a: {  	_ =	shalt  }
0x7b: {  	_ =	shalt  }
0x7c: {  	_ =	shalt  }
0x7d: {  	_ =	shalt  }
0x7e: {  	_ =	shalt  }
0x7f: {  	_ =	shalt  }
0x80: {  	_ =	shalt  }
0x81: {  	_ =	shalt  }
0x82: {  	_ =	shalt  }
0x83: {  	_ =	shalt  }
0x84: {  	_ =	shalt  }
0x85: {  	_ =	shalt  }
0x86: {  	_ =	shalt  }
0x87: {  	_ =	shalt  }
.Lfunc_end0:
.L_simem_size_0:
called_computation.1_lowered:
.L_overlay_start_0:
0x88: {  	s2 =	sld [smem:$0x3FD9]  }
0x89: {  	s3 =	sld [smem:$0x3FFE];
	_ =	sdelay $0x1  }
0x8a: {  	s1 =	srdreg.scid  }
0x8b: {  	s0 =	sand.u32 $0x1, s1  }
0x8c: {  	s17 =	sshll.u32 s0, $0xA;
	s2 =	sadd.s32 s3, s2  }
0x8d: {  	s2 =	sadd.s32 s2, s17  }
0x8e: {  	[smem:$0x3FB3] =	sst s2  }
0x8f: {  	_ = 	snop  }
0x90: {  	s2 =	sld [smem:$0x3FD0];
	(tm) =	ssettm $0x1  }
0x91: {  	s18 =	sld [smem:$0x3FFB];
	_ =	sdelay $0x3  }
0x92: {  	_ =	strace s18  }
0x93: {  	s3 =	sld [smem:$0x3FFC];
	_ =	sdelay $0x3  }
0x94: {  	_ =	strace s3  }
0x95: {  	s3 =	sld [smem:$0x3FFD];
	_ =	sdelay $0x3  }
0x96: {  	_ =	strace s3  }
0x97: {  	_ =	strace $0x8FFFFFFF  }
0x98: {  	s19 =	sld [smem:$0x3FDB];
	_ =	sdelay $0x1  }
0x99: {  	s4 =	simm.s32 $_scs_section_size  }
0x9a: {  	s5 =	simm.s32 $_size__tile_overlayer_lowered;
	s6 =	simm.s32 $_tile_overlayer_lowered  }
0x9b: {  	s22 =	simm.s32 $0x1BFF;
	s21 =	sshll.u32 s6, $0x1;
	s3 =	sadd.s32 s4, s19  }
0x9c: {  	s7 =	simm.s32 $0x0;
	s20 =	sshll.u32 s5, $0x1;
	s5 =	sadd.s32 s21, s3  }
0x9d: {  	[timem:s7], [sflag:s22] =	dma.local [hbm:s5], s20  }
0x9e: {  	_ =	swait.ge [sflag:s22], s20  }
0x9f: {  	s4 =	ssub.s32 $0x0, s20;
	[sflag:s22] =	ssyncset.done $0x0  }
0xa0: {  	[sflag:s22] =	ssyncadd.s32 s4;
	_ =	sdelay $0x1  }
0xa1: {  	s23 =	simm.s32 $0x1B8B  }
0xa2: {  	_ =	swait.ge [sflag:s23], $0x1  }
0xa3: {  	[sflag:s23] =	ssyncset.done $0x0  }
0xa4: {  	s25 =	simm.s32 $0x1B8E;
	s24 =	sld [smem:$0x3FFE];
	[sflag:s23] =	ssyncadd.s32 $0xFFFFFFFF  }
0xa5: {  	s26 =	simm.s32 $execute0_lowered;
	[smem:$0x3FD2] =	sst s25  }
0xa6: {  	s5 =	sshll.u32 s26, $0x1;
	_ =	strace $0x80000049;
	[dreg:$0x1] =	wrdreg $0xFFFFFFFF  }
0xa7: {  	s28 =	simm.s32 $_size_execute0_lowered;
	s3 =	sadd.s32 s3, s5;
	[dreg:$0x0] =	wrdreg $0x0  }
0xa8: {  	s5 =	sshll.u32 s28, $0x1;
	[dreg:$0x2] =	wrdreg s3  }
0xa9: {  	[dreg:$0x3] =	wrdreg s5  }
0xaa: {  	[dreg:$0x4] =	wrdreg $0xC0  }
0xab: {  	_ =	task [dreg:s7], $0x5FFFF  }
0xac: {  	[dreg:$0x1] =	wrdreg $0xFFFFFFFF  }
0xad: {  	[dreg:$0x0] =	wrdreg $0x60  }
0xae: {  	[dreg:$0x2] =	wrdreg s2  }
0xaf: {  	[dreg:$0x3] =	wrdreg s24  }
0xb0: {  	[dreg:$0x4] =	wrdreg $0x0  }
0xb1: {  	[dreg:$0x5] =	wrdreg $0x9  }
0xb2: {  	_ =	task.clear_ibuf [dreg:s7], $0x6FFFF;
	_ =	strace $0x90000049  }
0xb3: {  	s29 =	simm.s32 $0x9;
	_ =	strace $0x8000004B  }
0xb4: {  	_ =	swait.ge [sflag:s29], $0x1  }
0xb5: {  	[sflag:s29] =	ssyncadd.s32 $0xFFFFFFFF  }
0xb6: {  	_ =	strace $0x9000004B  }
0xb7: {  	_ =	sfence  }
0xb8: {  	s30 =	sld [smem:$0x0];
	_ =	sdelay $0x2  }
0xb9: {  	s31 =	sshll.u32 s1, $0xD;
	s1 =	sshrl.u32 s1, $0x2  }
0xba: {  	s3 =	sand.u32 $0x4000, s31;
	s1 =	sadd.s32 s1, s30  }
0xbb: {  	s0 =	sor.u32 s3, s0;
	s1 =	sshll.u32 s1, $0x11  }
0xbc: {  	s0 =	sor.u32 s1, s0  }
0xbd: {  	s0 =	sadd.s32 $0x8F2B, s0  }
0xbe: {  	[sflag:s0] =	ssyncadd.remote.s32 $0x1  }
0xbf: {  	_ =	sfence.sel $0xFFFF  }
0xc0: {  	[dreg:$0x0] =	wrdreg $0xFFFFFFFF;
	(pc) =	sbr.abs _section_cstart, $3  }
0xc1: {  	[dreg:$0x1] =	wrdreg $0xFFFFFFFF  }
0xc2: {  	_ =	task.clear_ibuf [dreg:s7], $0x2FFFF;
	_ =	strace $0x9FFFFFFF  }
0xc3: {  	(tm) =	ssettm $0x7FFFFFFF  }
tec
execute0_lowered:
.L_overlay_start_1:
0x0: {  	(tag) =	ssettag $0x1  }
0x1: {  	s2 =	srdreg.scid;
	s26 =	stileid.u32  }
0x2: {  	s1 =	rddreg [dreg:$0x0];
	s2 =	sand.u32 $0x1, s2;
	s9 =	smul.u32 $0x2800, s26  }
0x3: {  	s0 =	rddreg [dreg:$0x1];
	s8 =	sor.u32 $0x10, s26;
	s7 =	smul.u32 $0x138800, s2  }
0x4: {  	s3 =	rddreg [dreg:$0x2];
	s11 =	sor.u32 $0x20, s26;
	s12 =	smul.u32 $0x2800, s8  }
0x5: {  	s4 =	simm.s32 $0x0;
	s13 =	sor.u32 $0x30, s26;
	s14 =	smul.u32 $0x2800, s11  }
0x6: {  	s28 =	simm.s32 $0x2;
	s18 =	sor.u32 $0x40, s26;
	s16 =	smul.u32 $0x2800, s13  }
0x7: {  	s29 =	simm.s32 $0x13880;
	s19 =	sor.u32 $0x50, s26;
	s25 =	smul.u32 $0x2800, s18  }
0x8: {  	s30 =	simm.s32 $0x13900;
	s20 =	sor.u32 $0x60, s26;
	s17 =	smul.u32 $0x2800, s19  }
0x9: {  	s31 =	simm.s32 $0x50;
	s21 =	sor.u32 $0x70, s26;
	s22 =	smul.u32 $0x2800, s20  }
0xa: {  	s5 =	sshll.u32 s26, $0x1;
	[smem:$0x7FF] =	sst s4;
	s23 =	smul.u32 $0x2800, s21  }
0xb: {  	s6 =	sadd.s32 $0xF0C000, s0;
	s10 =	sadd.s32 $0x17800, s0;
	s8 =	smul.u32 $0xA000, s8  }
0xc: {  	s5 =	sor.u32 s2, s5;
	s2 =	ssub.s32 $0x2, s2;
	s11 =	smul.u32 $0xA000, s11  }
0xd: {  	p0 =	sgt.u32 s26, $0xC;
	s13 =	smul.u32 $0xA000, s13;
	s15 =	sshrl.u32 s2, $0x1  }
0xe: {  	_ =	strace $0x8000004A;
	s5 =	smul.u32 $0x2710, s5;
	s2 =	ssub.s32 s2, s15  }
0xf: {  	s9 =	sadd.s32 s9, s7;
	s12 =	sadd.s32 s7, s12;
	s14 =	sadd.s32 s7, s14  }
0x10: {  	s16 =	sadd.s32 s7, s16;
	s15 =	sadd.s32 s7, s25;
	s17 =	sadd.s32 s7, s17  }
0x11: {  	s22 =	sadd.s32 s7, s22;
	s7 =	sadd.s32 s7, s23;
	s23 =	smul.u32 $0xA000, s26  }
0x12: {  	s26 =	simm.s32 $0x18980;
	s9 =	sshrl.u32 s9, $0x3;
	s12 =	sshrl.u32 s12, $0x3  }
0x13: {  	s24 =	sshrl.u32 s14, $0x3;
	s25 =	sshrl.u32 s16, $0x3;
	s16 =	sshrl.u32 s15, $0x3  }
0x14: {  	s17 =	sshrl.u32 s17, $0x3;
	s7 =	sshrl.u32 s7, $0x3;
	s9 =	sadd.s32 s10, s9  }
0x15: {  	s15 =	sadd.s32 $0xDA00, s0;
	s14 =	sadd.s32 s10, s25;
	[dreg:$0x4] =	wrdreg s9  }
0x16: {  	s9 =	sadd.s32 s10, s12;
	[dreg:$0x7] =	wrdreg s14;
	s14 =	sadd.s32 s10, s7  }
0x17: {  	s12 =	sshrl.u32 s23, $0x2;
	s23 =	smul.u32 $0xA000, s18;
	s7 =	simm.s32 $0x1  }
0x18: {  	[dreg:$0x5] =	wrdreg s9;
	s9 =	sadd.s32 s10, s24;
	s24 =	sshrl.u32 s22, $0x3  }
0x19: {  	s22 =	sshrl.u32 s8, $0x2;
	s8 =	simm.s32 $0x0;
	[dreg:$0x6] =	wrdreg s9  }
0x1a: {  	s9 =	sadd.s32 s10, s16;
	s25 =	sadd.s32 s10, s24;
	s16 =	sadd.s32 $0x3C00, s0  }
0x1b: {  	s18 =	sadd.s32 s22, s3;
	s24 =	sshrl.u32 s11, $0x2;
	s11 =	smul.u32 $0xA000, s20  }
0x1c: {  	s0 =	simm.s32 $0x16180;
	[dreg:$0x8] =	wrdreg s9;
	s9 =	sadd.s32 s10, s17  }
0x1d: {  	[dreg:$0xa] =	wrdreg s25;
	s17 =	sadd.s32 s12, s3;
	s25 =	smul.u32 $0xA000, s19  }
0x1e: {  	s19 =	sadd.s32 s24, s3;
	s10 =	sshrl.u32 s13, $0x2;
	s12 =	sshrl.u32 s23, $0x2  }
0x1f: {  	s13 =	smul.u32 $0xA000, s21;
	[dreg:$0x9] =	wrdreg s9;
	s20 =	sadd.s32 s10, s3  }
0x20: {  	s21 =	sadd.s32 s12, s3;
	s24 =	sshrl.u32 s11, $0x2;
	s23 =	sshrl.u32 s25, $0x2  }
0x21: {  	s25 =	sshrl.u32 s13, $0x2;
	s22 =	sadd.s32 s23, s3;
	s23 =	sadd.s32 s24, s3  }
0x22: {  	v0 =	vimm.f32 $0.0e+00;
	s24 =	sadd.s32 s25, s3;
	s25 =	smax.u32 s2, $0x1;
	s2 =	simm.s32 $0x13980  }
.LBB2_1:
0x23: {  	s9 =	simm.s32 $0x18A80  }
0x24: {  	[tilespmem:s9+$0xFFFFFF00] =	vst v0  }
0x25: {  	[tilespmem:s9+$0xF0] =	vst v0  }
0x26: {  	[tilespmem:s9+$0xE0] =	vst v0  }
0x27: {  	[tilespmem:s9+$0xD0] =	vst v0  }
0x28: {  	[tilespmem:s9+$0xC0] =	vst v0  }
0x29: {  	[tilespmem:s9+$0xB0] =	vst v0  }
0x2a: {  	[tilespmem:s9+$0xA0] =	vst v0  }
0x2b: {  	[tilespmem:s9+$0x90] =	vst v0  }
0x2c: {  	[tilespmem:s9+$0x80] =	vst v0  }
0x2d: {  	[tilespmem:s9+$0x70] =	vst v0  }
0x2e: {  	[tilespmem:s9+$0x60] =	vst v0  }
0x2f: {  	[tilespmem:s9+$0x50] =	vst v0  }
0x30: {  	[tilespmem:s9+$0x40] =	vst v0  }
0x31: {  	[tilespmem:s9+$0x30] =	vst v0  }
0x32: {  	[tilespmem:s9+$0x20] =	vst v0  }
0x33: {  	[tilespmem:s9+$0x10] =	vst v0  }
0x34: {  	[tilespmem:s9+$0x0] =	vst v0  }
0x35: {  	[tilespmem:s9+$0xFFFFFFF0] =	vst v0  }
0x36: {  	[tilespmem:s9+$0xFFFFFFE0] =	vst v0  }
0x37: {  	[tilespmem:s9+$0xFFFFFFD0] =	vst v0  }
0x38: {  	[tilespmem:s9+$0xFFFFFFC0] =	vst v0  }
0x39: {  	[tilespmem:s9+$0xFFFFFFB0] =	vst v0  }
0x3a: {  	[tilespmem:s9+$0xFFFFFFA0] =	vst v0  }
0x3b: {  	[tilespmem:s9+$0xFFFFFF90] =	vst v0  }
0x3c: {  	[tilespmem:s9+$0xFFFFFF80] =	vst v0  }
0x3d: {  	[tilespmem:s9+$0xFFFFFF70] =	vst v0  }
0x3e: {  	[tilespmem:s9+$0xFFFFFF60] =	vst v0  }
0x3f: {  	[tilespmem:s9+$0xFFFFFF50] =	vst v0  }
0x40: {  	[tilespmem:s9+$0xFFFFFF40] =	vst v0  }
0x41: {  	[tilespmem:s9+$0xFFFFFF30] =	vst v0  }
0x42: {  	s10 =	simm.s32 $0x0;
	[tilespmem:s9+$0xFFFFFF20] =	vst v0  }
.LBB2_2:
0x43: {  	s10 =	sadd.s32 $0x4, s10;
	[tilespmem:s9+$0xFFFFFF10] =	vst v0;
	s9 =	sadd.s32 $0x200, s9  }
0x44: {  	[tilespmem:s9+$0xFFFFFF00] =	vst v0;
	p1 =	slt.u32 s10, $0x4C  }
0x45: {  	[tilespmem:s9+$0xF0] =	vst v0  }
0x46: {  	[tilespmem:s9+$0xE0] =	vst v0  }
0x47: {  	[tilespmem:s9+$0xD0] =	vst v0  }
0x48: {  	[tilespmem:s9+$0xC0] =	vst v0  }
0x49: {  	[tilespmem:s9+$0xB0] =	vst v0  }
0x4a: {  	[tilespmem:s9+$0xA0] =	vst v0  }
0x4b: {  	[tilespmem:s9+$0x90] =	vst v0  }
0x4c: {  	[tilespmem:s9+$0x80] =	vst v0  }
0x4d: {  	[tilespmem:s9+$0x70] =	vst v0  }
0x4e: {  	[tilespmem:s9+$0x60] =	vst v0  }
0x4f: {  	[tilespmem:s9+$0x50] =	vst v0  }
0x50: {  	[tilespmem:s9+$0x40] =	vst v0  }
0x51: {  	[tilespmem:s9+$0x30] =	vst v0  }
0x52: {  	[tilespmem:s9+$0x20] =	vst v0  }
0x53: {  	[tilespmem:s9+$0x10] =	vst v0  }
0x54: {  	[tilespmem:s9+$0x0] =	vst v0  }
0x55: {  	[tilespmem:s9+$0xFFFFFFF0] =	vst v0  }
0x56: {  	[tilespmem:s9+$0xFFFFFFE0] =	vst v0  }
0x57: {  	[tilespmem:s9+$0xFFFFFFD0] =	vst v0  }
0x58: {  	[tilespmem:s9+$0xFFFFFFC0] =	vst v0  }
0x59: {  	[tilespmem:s9+$0xFFFFFFB0] =	vst v0  }
0x5a: {  	[tilespmem:s9+$0xFFFFFFA0] =	vst v0  }
0x5b: {  	[tilespmem:s9+$0xFFFFFF90] =	vst v0  }
0x5c: {  	[tilespmem:s9+$0xFFFFFF80] =	vst v0  }
0x5d: {  	[tilespmem:s9+$0xFFFFFF70] =	vst v0  }
.Ltmp0:
0x5e: {  	[tilespmem:s9+$0xFFFFFF60] =	vst v0;
	(pc) =	sbr.rel @p1 .LBB2_2-.Ltmp0, $4  }
0x5f: {  	[tilespmem:s9+$0xFFFFFF50] =	vst v0  }
0x60: {  	[tilespmem:s9+$0xFFFFFF40] =	vst v0  }
0x61: {  	[tilespmem:s9+$0xFFFFFF30] =	vst v0  }
0x62: {  	[tilespmem:s9+$0xFFFFFF20] =	vst v0  }
0x63: {  	[tilespmem:s9+$0xFFFFFF10] =	vst v0  }
0x64: {  	[spmem:s17] =	stream.linear.scatter [tilespmem:s26], [sflag:$0x2], $0x2800, $0x38;
	[tilespmem:$0x1B180] =	vst v63  }
0x65: {  	_ =	swait.ge [sflag:s28], $0x2800  }
0x66: {  	[sflag:s28] =	ssyncset.done $0x0  }
0x67: {  	[sflag:s28] =	ssyncadd.s32 $0xFFFFD800  }
0x68: {  	[spmem:s18] =	stream.linear.scatter [tilespmem:s26], [sflag:$0x2], $0x2800, $0x38;
	[tilespmem:$0x1B180] =	vst v63  }
0x69: {  	_ =	swait.ge [sflag:s28], $0x2800  }
0x6a: {  	[sflag:s28] =	ssyncset.done $0x0  }
0x6b: {  	[sflag:s28] =	ssyncadd.s32 $0xFFFFD800  }
0x6c: {  	[spmem:s19] =	stream.linear.scatter [tilespmem:s26], [sflag:$0x2], $0x2800, $0x38;
	[tilespmem:$0x1B180] =	vst v63  }
0x6d: {  	_ =	swait.ge [sflag:s28], $0x2800  }
0x6e: {  	[sflag:s28] =	ssyncset.done $0x0  }
0x6f: {  	[sflag:s28] =	ssyncadd.s32 $0xFFFFD800  }
0x70: {  	[spmem:s20] =	stream.linear.scatter [tilespmem:s26], [sflag:$0x2], $0x2800, $0x38;
	[tilespmem:$0x1B180] =	vst v63  }
0x71: {  	_ =	swait.ge [sflag:s28], $0x2800  }
0x72: {  	[sflag:s28] =	ssyncset.done $0x0  }
0x73: {  	[sflag:s28] =	ssyncadd.s32 $0xFFFFD800  }
0x74: {  	[spmem:s21] =	stream.linear.scatter [tilespmem:s26], [sflag:$0x2], $0x2800, $0x38;
	[tilespmem:$0x1B180] =	vst v63  }
0x75: {  	_ =	swait.ge [sflag:s28], $0x2800  }
0x76: {  	[sflag:s28] =	ssyncset.done $0x0  }
0x77: {  	[sflag:s28] =	ssyncadd.s32 $0xFFFFD800  }
0x78: {  	[spmem:s22] =	stream.linear.scatter [tilespmem:s26], [sflag:$0x2], $0x2800, $0x38;
	[tilespmem:$0x1B180] =	vst v63  }
0x79: {  	_ =	swait.ge [sflag:s28], $0x2800  }
0x7a: {  	[sflag:s28] =	ssyncset.done $0x0  }
0x7b: {  	[sflag:s28] =	ssyncadd.s32 $0xFFFFD800  }
0x7c: {  	[spmem:s23] =	stream.linear.scatter [tilespmem:s26], [sflag:$0x2], $0x2800, $0x38;
	[tilespmem:$0x1B180] =	vst v63  }
0x7d: {  	_ =	swait.ge [sflag:s28], $0x2800  }
0x7e: {  	[sflag:s28] =	ssyncset.done $0x0  }
0x7f: {  	s9 =	simm.s32 @!p0 $0x18980;
	[sflag:s28] =	ssyncadd.s32 $0xFFFFD800  }
0x80: {  	[spmem:s24] =	stream.linear.scatter @!p0 [tilespmem:s9], [sflag:$0x2], $0x2800, $0x38;
	[tilespmem:$0x1B180] =	vst v63  }
0x81: {  	s9 =	simm.s32 @!p0 $0x2  }
0x82: {  	_ =	swait.ge @!p0 [sflag:s9], $0x2800  }
0x83: {  	[sflag:s9] =	ssyncset.done @!p0 $0x0  }
0x84: {  	[sflag:s9] =	ssyncadd.s32 @!p0 $0xFFFFD800  }
0x85: {  	s9 =	simm.s32 $0x0;
	[bflag:$0x0] =	sbarrier.arrive $0xFFFF  }
.LBB2_4:
0x86: {  	s10 =	smul.u32 $0x50, s9;
	_ =	sdelay $0x1  }
0x87: {  	s10 =	sadd.s32 s5, s10  }
0x88: {  	s11 =	sshrl.u32 s10, $0x3  }
0x89: {  	s12 =	sadd.s32 s15, s11  }
0x8a: {  	[tilespmem:s29], [sflag:$0x2] =	stream.linear.gather [hbm4b:s12+s4], $0x50, $0x38;
	[tilespmem:$0x1B180] =	vst v63  }
0x8b: {  	_ =	swait.ge [sflag:s28], $0x50  }
0x8c: {  	[sflag:s28] =	ssyncset.done $0x0  }
0x8d: {  	s11 =	sadd.s32 s16, s11;
	[sflag:s28] =	ssyncadd.s32 $0xFFFFFFB0  }
0x8e: {  	[tilespmem:s30], [sflag:$0x2] =	stream.linear.gather [hbm4b:s11+s4], $0x50, $0x38;
	[tilespmem:$0x1B180] =	vst v63  }
0x8f: {  	_ =	swait.ge [sflag:s28], $0x50  }
0x90: {  	[sflag:s28] =	ssyncset.done $0x0  }
0x91: {  	s10 =	sshll.u32 s10, $0x4;
	[sflag:s28] =	ssyncadd.s32 $0xFFFFFFB0  }
0x92: {  	[tilespmem:s2], [sflag:$0x1] =	stream.indirect.gather [hbm4b:s1+s31], $0x80, s29, s31, $0xb8;
	[tilespmem:$0x1B180] =	vst v63  }
0x93: {  	s10 =	sadd.s32 s6, s10  }
0x94: {  	[tilespmem:s0], [sflag:$0x2] =	stream.linear.gather [hbm4b:s10+s4], $0x2800, $0x38;
	[tilespmem:$0x1B180] =	vst v63  }
0x95: {  	_ =	swait.ge [sflag:s28], $0x2800  }
0x96: {  	[sflag:s28] =	ssyncset.done $0x0  }
0x97: {  	[sflag:s28] =	ssyncadd.s32 $0xFFFFD800  }
0x98: {  	_ =	swait.ge [sflag:s7], $0x2800  }
0x99: {  	[sflag:s7] =	ssyncset.done $0x0  }
0x9a: {  	s10 =	simm.s32 $0x16280;
	[sflag:s7] =	ssyncadd.s32 $0xFFFFD800  }
0x9b: {  	s11 =	simm.s32 $0x13A80;
	v1 =	vld [tilespmem:s10+$0xFFFFFF00]  }
0x9c: {  	v2 =	vld [tilespmem:s11+$0xFFFFFF00];
	_ =	sdelay $0x4  }
0x9d: {  	v1 =	vmul.f32 v2, v1;
	_ =	sdelay $0x1  }
0x9e: {  	[tilespmem:s10+$0xFFFFFF00] =	vst v1;
	v1 =	vld [tilespmem:s10+$0xFFFFFF10]  }
0x9f: {  	v2 =	vld [tilespmem:s11+$0xFFFFFF10];
	_ =	sdelay $0x4  }
0xa0: {  	v1 =	vmul.f32 v2, v1;
	_ =	sdelay $0x1  }
0xa1: {  	[tilespmem:s10+$0xFFFFFF10] =	vst v1;
	v1 =	vld [tilespmem:s10+$0xFFFFFF20]  }
0xa2: {  	v2 =	vld [tilespmem:s11+$0xFFFFFF20];
	_ =	sdelay $0x4  }
0xa3: {  	v1 =	vmul.f32 v2, v1;
	_ =	sdelay $0x1  }
0xa4: {  	[tilespmem:s10+$0xFFFFFF20] =	vst v1;
	v1 =	vld [tilespmem:s10+$0xFFFFFF30]  }
0xa5: {  	v2 =	vld [tilespmem:s11+$0xFFFFFF30];
	_ =	sdelay $0x4  }
0xa6: {  	v1 =	vmul.f32 v2, v1;
	_ =	sdelay $0x1  }
0xa7: {  	[tilespmem:s10+$0xFFFFFF30] =	vst v1;
	v1 =	vld [tilespmem:s10+$0xFFFFFF40]  }
0xa8: {  	v2 =	vld [tilespmem:s11+$0xFFFFFF40];
	_ =	sdelay $0x4  }
0xa9: {  	v1 =	vmul.f32 v2, v1;
	_ =	sdelay $0x1  }
0xaa: {  	[tilespmem:s10+$0xFFFFFF40] =	vst v1;
	v1 =	vld [tilespmem:s10+$0xFFFFFF50]  }
0xab: {  	v2 =	vld [tilespmem:s11+$0xFFFFFF50];
	_ =	sdelay $0x4  }
0xac: {  	v1 =	vmul.f32 v2, v1;
	_ =	sdelay $0x1  }
0xad: {  	[tilespmem:s10+$0xFFFFFF50] =	vst v1;
	v1 =	vld [tilespmem:s10+$0xFFFFFF60]  }
0xae: {  	v2 =	vld [tilespmem:s11+$0xFFFFFF60];
	_ =	sdelay $0x4  }
0xaf: {  	v1 =	vmul.f32 v2, v1;
	_ =	sdelay $0x1  }
0xb0: {  	[tilespmem:s10+$0xFFFFFF60] =	vst v1;
	v1 =	vld [tilespmem:s10+$0xFFFFFF70]  }
0xb1: {  	v2 =	vld [tilespmem:s11+$0xFFFFFF70];
	_ =	sdelay $0x4  }
0xb2: {  	v1 =	vmul.f32 v2, v1;
	_ =	sdelay $0x1  }
0xb3: {  	[tilespmem:s10+$0xFFFFFF70] =	vst v1;
	v1 =	vld [tilespmem:s10+$0xFFFFFF80]  }
0xb4: {  	v2 =	vld [tilespmem:s11+$0xFFFFFF80];
	_ =	sdelay $0x4  }
0xb5: {  	v1 =	vmul.f32 v2, v1;
	_ =	sdelay $0x1  }
0xb6: {  	[tilespmem:s10+$0xFFFFFF80] =	vst v1;
	v1 =	vld [tilespmem:s10+$0xFFFFFF90]  }
0xb7: {  	v2 =	vld [tilespmem:s11+$0xFFFFFF90];
	_ =	sdelay $0x4  }
0xb8: {  	v1 =	vmul.f32 v2, v1;
	_ =	sdelay $0x1  }
0xb9: {  	[tilespmem:s10+$0xFFFFFF90] =	vst v1;
	v1 =	vld [tilespmem:s10+$0xFFFFFFA0]  }
0xba: {  	v2 =	vld [tilespmem:s11+$0xFFFFFFA0];
	_ =	sdelay $0x4  }
0xbb: {  	v1 =	vmul.f32 v2, v1;
	_ =	sdelay $0x1  }
0xbc: {  	[tilespmem:s10+$0xFFFFFFA0] =	vst v1;
	v1 =	vld [tilespmem:s10+$0xFFFFFFB0]  }
0xbd: {  	v2 =	vld [tilespmem:s11+$0xFFFFFFB0];
	_ =	sdelay $0x4  }
0xbe: {  	v1 =	vmul.f32 v2, v1;
	_ =	sdelay $0x1  }
0xbf: {  	[tilespmem:s10+$0xFFFFFFB0] =	vst v1;
	v1 =	vld [tilespmem:s10+$0xFFFFFFC0]  }
0xc0: {  	v2 =	vld [tilespmem:s11+$0xFFFFFFC0];
	_ =	sdelay $0x4  }
0xc1: {  	v1 =	vmul.f32 v2, v1;
	_ =	sdelay $0x1  }
0xc2: {  	[tilespmem:s10+$0xFFFFFFC0] =	vst v1;
	v1 =	vld [tilespmem:s10+$0xFFFFFFD0]  }
0xc3: {  	v2 =	vld [tilespmem:s11+$0xFFFFFFD0];
	_ =	sdelay $0x4  }
0xc4: {  	v1 =	vmul.f32 v2, v1;
	_ =	sdelay $0x1  }
0xc5: {  	[tilespmem:s10+$0xFFFFFFD0] =	vst v1;
	v1 =	vld [tilespmem:s10+$0xFFFFFFE0]  }
0xc6: {  	v2 =	vld [tilespmem:s11+$0xFFFFFFE0];
	_ =	sdelay $0x4  }
0xc7: {  	v1 =	vmul.f32 v2, v1;
	_ =	sdelay $0x1  }
0xc8: {  	[tilespmem:s10+$0xFFFFFFE0] =	vst v1;
	v1 =	vld [tilespmem:s10+$0xFFFFFFF0]  }
0xc9: {  	v2 =	vld [tilespmem:s11+$0xFFFFFFF0];
	_ =	sdelay $0x4  }
0xca: {  	v1 =	vmul.f32 v2, v1;
	_ =	sdelay $0x1  }
0xcb: {  	[tilespmem:s10+$0xFFFFFFF0] =	vst v1;
	v1 =	vld [tilespmem:s10+$0x0]  }
0xcc: {  	v2 =	vld [tilespmem:s11+$0x0];
	_ =	sdelay $0x4  }
0xcd: {  	v1 =	vmul.f32 v2, v1;
	_ =	sdelay $0x1  }
0xce: {  	[tilespmem:s10+$0x0] =	vst v1;
	v1 =	vld [tilespmem:s10+$0x10]  }
0xcf: {  	v2 =	vld [tilespmem:s11+$0x10];
	_ =	sdelay $0x4  }
0xd0: {  	v1 =	vmul.f32 v2, v1;
	_ =	sdelay $0x1  }
0xd1: {  	[tilespmem:s10+$0x10] =	vst v1;
	v1 =	vld [tilespmem:s10+$0x20]  }
0xd2: {  	v2 =	vld [tilespmem:s11+$0x20];
	_ =	sdelay $0x4  }
0xd3: {  	v1 =	vmul.f32 v2, v1;
	_ =	sdelay $0x1  }
0xd4: {  	[tilespmem:s10+$0x20] =	vst v1;
	v1 =	vld [tilespmem:s10+$0x30]  }
0xd5: {  	v2 =	vld [tilespmem:s11+$0x30];
	_ =	sdelay $0x4  }
0xd6: {  	v1 =	vmul.f32 v2, v1;
	_ =	sdelay $0x1  }
0xd7: {  	[tilespmem:s10+$0x30] =	vst v1;
	v1 =	vld [tilespmem:s10+$0x40]  }
0xd8: {  	v2 =	vld [tilespmem:s11+$0x40];
	_ =	sdelay $0x4  }
0xd9: {  	v1 =	vmul.f32 v2, v1;
	_ =	sdelay $0x1  }
0xda: {  	[tilespmem:s10+$0x40] =	vst v1;
	v1 =	vld [tilespmem:s10+$0x50]  }
0xdb: {  	v2 =	vld [tilespmem:s11+$0x50];
	_ =	sdelay $0x4  }
0xdc: {  	v1 =	vmul.f32 v2, v1;
	_ =	sdelay $0x1  }
0xdd: {  	[tilespmem:s10+$0x50] =	vst v1;
	v1 =	vld [tilespmem:s10+$0x60]  }
0xde: {  	v2 =	vld [tilespmem:s11+$0x60];
	_ =	sdelay $0x4  }
0xdf: {  	v1 =	vmul.f32 v2, v1;
	_ =	sdelay $0x1  }
0xe0: {  	[tilespmem:s10+$0x60] =	vst v1;
	v1 =	vld [tilespmem:s10+$0x70]  }
0xe1: {  	v2 =	vld [tilespmem:s11+$0x70];
	_ =	sdelay $0x4  }
0xe2: {  	v1 =	vmul.f32 v2, v1;
	_ =	sdelay $0x1  }
0xe3: {  	[tilespmem:s10+$0x70] =	vst v1;
	v1 =	vld [tilespmem:s10+$0x80]  }
0xe4: {  	v2 =	vld [tilespmem:s11+$0x80];
	_ =	sdelay $0x4  }
0xe5: {  	v1 =	vmul.f32 v2, v1;
	_ =	sdelay $0x1  }
0xe6: {  	[tilespmem:s10+$0x80] =	vst v1;
	v1 =	vld [tilespmem:s10+$0x90]  }
0xe7: {  	v2 =	vld [tilespmem:s11+$0x90];
	_ =	sdelay $0x4  }
0xe8: {  	v1 =	vmul.f32 v2, v1;
	_ =	sdelay $0x1  }
0xe9: {  	[tilespmem:s10+$0x90] =	vst v1;
	v1 =	vld [tilespmem:s10+$0xA0]  }
0xea: {  	v2 =	vld [tilespmem:s11+$0xA0];
	_ =	sdelay $0x4  }
0xeb: {  	v1 =	vmul.f32 v2, v1;
	_ =	sdelay $0x1  }
0xec: {  	[tilespmem:s10+$0xA0] =	vst v1;
	v1 =	vld [tilespmem:s10+$0xB0]  }
0xed: {  	v2 =	vld [tilespmem:s11+$0xB0];
	_ =	sdelay $0x4  }
0xee: {  	v1 =	vmul.f32 v2, v1;
	_ =	sdelay $0x1  }
0xef: {  	[tilespmem:s10+$0xB0] =	vst v1;
	v1 =	vld [tilespmem:s10+$0xC0]  }
0xf0: {  	v2 =	vld [tilespmem:s11+$0xC0];
	_ =	sdelay $0x4  }
0xf1: {  	v1 =	vmul.f32 v2, v1;
	_ =	sdelay $0x1  }
0xf2: {  	[tilespmem:s10+$0xC0] =	vst v1;
	v1 =	vld [tilespmem:s10+$0xD0]  }
0xf3: {  	v2 =	vld [tilespmem:s11+$0xD0];
	_ =	sdelay $0x4  }
0xf4: {  	v1 =	vmul.f32 v2, v1;
	_ =	sdelay $0x1  }
0xf5: {  	[tilespmem:s10+$0xD0] =	vst v1;
	v1 =	vld [tilespmem:s10+$0xE0]  }
0xf6: {  	v2 =	vld [tilespmem:s11+$0xE0];
	_ =	sdelay $0x4  }
0xf7: {  	v1 =	vmul.f32 v2, v1;
	_ =	sdelay $0x1  }
0xf8: {  	[tilespmem:s10+$0xE0] =	vst v1;
	v1 =	vld [tilespmem:s10+$0xF0]  }
0xf9: {  	v2 =	vld [tilespmem:s11+$0xF0];
	_ =	sdelay $0x4  }
0xfa: {  	v1 =	vmul.f32 v2, v1  }
0xfb: {  	s13 =	simm.s32 $0x16480;
	s12 =	simm.s32 $0x0  }
.LBB2_5:
0xfc: {  	v2 =	vld [tilespmem:s13+$0xFFFFFF00];
	[tilespmem:s10+$0xF0] =	vst v1;
	s11 =	sadd.s32 $0x200, s11;
	s10 =	smov.u32 s13  }
0xfd: {  	s12 =	sadd.s32 $0x4, s12;
	v1 =	vld [tilespmem:s11+$0xFFFFFF00]  }
0xfe: {  	p1 =	slt.u32 s12, $0x4C;
	_ =	sdelay $0x3  }
0xff: {  	v1 =	vmul.f32 v1, v2;
	_ =	sdelay $0x1  }
0x100: {  	[tilespmem:s13+$0xFFFFFF00] =	vst v1;
	v1 =	vld [tilespmem:s13+$0xFFFFFF10]  }
0x101: {  	v2 =	vld [tilespmem:s11+$0xFFFFFF10];
	_ =	sdelay $0x4  }
0x102: {  	v1 =	vmul.f32 v2, v1;
	_ =	sdelay $0x1  }
0x103: {  	[tilespmem:s13+$0xFFFFFF10] =	vst v1;
	v1 =	vld [tilespmem:s13+$0xFFFFFF20]  }
0x104: {  	v2 =	vld [tilespmem:s11+$0xFFFFFF20];
	_ =	sdelay $0x4  }
0x105: {  	v1 =	vmul.f32 v2, v1;
	_ =	sdelay $0x1  }
0x106: {  	[tilespmem:s13+$0xFFFFFF20] =	vst v1;
	v1 =	vld [tilespmem:s13+$0xFFFFFF30]  }
0x107: {  	v2 =	vld [tilespmem:s11+$0xFFFFFF30];
	_ =	sdelay $0x4  }
0x108: {  	v1 =	vmul.f32 v2, v1;
	_ =	sdelay $0x1  }
0x109: {  	[tilespmem:s13+$0xFFFFFF30] =	vst v1;
	v1 =	vld [tilespmem:s13+$0xFFFFFF40]  }
0x10a: {  	v2 =	vld [tilespmem:s11+$0xFFFFFF40];
	_ =	sdelay $0x4  }
0x10b: {  	v1 =	vmul.f32 v2, v1;
	_ =	sdelay $0x1  }
0x10c: {  	[tilespmem:s13+$0xFFFFFF40] =	vst v1;
	v1 =	vld [tilespmem:s13+$0xFFFFFF50]  }
0x10d: {  	v2 =	vld [tilespmem:s11+$0xFFFFFF50];
	_ =	sdelay $0x4  }
0x10e: {  	v1 =	vmul.f32 v2, v1;
	_ =	sdelay $0x1  }
0x10f: {  	[tilespmem:s13+$0xFFFFFF50] =	vst v1;
	v1 =	vld [tilespmem:s13+$0xFFFFFF60]  }
0x110: {  	v2 =	vld [tilespmem:s11+$0xFFFFFF60];
	_ =	sdelay $0x4  }
0x111: {  	v1 =	vmul.f32 v2, v1;
	_ =	sdelay $0x1  }
0x112: {  	[tilespmem:s13+$0xFFFFFF60] =	vst v1;
	v1 =	vld [tilespmem:s13+$0xFFFFFF70]  }
0x113: {  	v2 =	vld [tilespmem:s11+$0xFFFFFF70];
	_ =	sdelay $0x4  }
0x114: {  	v1 =	vmul.f32 v2, v1;
	_ =	sdelay $0x1  }
0x115: {  	[tilespmem:s13+$0xFFFFFF70] =	vst v1;
	v1 =	vld [tilespmem:s13+$0xFFFFFF80]  }
0x116: {  	v2 =	vld [tilespmem:s11+$0xFFFFFF80];
	_ =	sdelay $0x4  }
0x117: {  	v1 =	vmul.f32 v2, v1;
	_ =	sdelay $0x1  }
0x118: {  	[tilespmem:s13+$0xFFFFFF80] =	vst v1;
	v1 =	vld [tilespmem:s13+$0xFFFFFF90]  }
0x119: {  	v2 =	vld [tilespmem:s11+$0xFFFFFF90];
	_ =	sdelay $0x4  }
0x11a: {  	v1 =	vmul.f32 v2, v1;
	_ =	sdelay $0x1  }
0x11b: {  	[tilespmem:s13+$0xFFFFFF90] =	vst v1;
	v1 =	vld [tilespmem:s13+$0xFFFFFFA0]  }
0x11c: {  	v2 =	vld [tilespmem:s11+$0xFFFFFFA0];
	_ =	sdelay $0x4  }
0x11d: {  	v1 =	vmul.f32 v2, v1;
	_ =	sdelay $0x1  }
0x11e: {  	[tilespmem:s13+$0xFFFFFFA0] =	vst v1;
	v1 =	vld [tilespmem:s13+$0xFFFFFFB0]  }
0x11f: {  	v2 =	vld [tilespmem:s11+$0xFFFFFFB0];
	_ =	sdelay $0x4  }
0x120: {  	v1 =	vmul.f32 v2, v1;
	_ =	sdelay $0x1  }
0x121: {  	[tilespmem:s13+$0xFFFFFFB0] =	vst v1;
	v1 =	vld [tilespmem:s13+$0xFFFFFFC0]  }
0x122: {  	v2 =	vld [tilespmem:s11+$0xFFFFFFC0];
	_ =	sdelay $0x4  }
0x123: {  	v1 =	vmul.f32 v2, v1;
	_ =	sdelay $0x1  }
0x124: {  	[tilespmem:s13+$0xFFFFFFC0] =	vst v1;
	v1 =	vld [tilespmem:s13+$0xFFFFFFD0]  }
0x125: {  	v2 =	vld [tilespmem:s11+$0xFFFFFFD0];
	_ =	sdelay $0x4  }
0x126: {  	v1 =	vmul.f32 v2, v1;
	_ =	sdelay $0x1  }
0x127: {  	[tilespmem:s13+$0xFFFFFFD0] =	vst v1;
	v1 =	vld [tilespmem:s13+$0xFFFFFFE0]  }
0x128: {  	v2 =	vld [tilespmem:s11+$0xFFFFFFE0];
	_ =	sdelay $0x4  }
0x129: {  	v1 =	vmul.f32 v2, v1;
	_ =	sdelay $0x1  }
0x12a: {  	[tilespmem:s13+$0xFFFFFFE0] =	vst v1;
	v1 =	vld [tilespmem:s13+$0xFFFFFFF0]  }
0x12b: {  	v2 =	vld [tilespmem:s11+$0xFFFFFFF0];
	_ =	sdelay $0x4  }
0x12c: {  	v1 =	vmul.f32 v2, v1;
	_ =	sdelay $0x1  }
0x12d: {  	[tilespmem:s13+$0xFFFFFFF0] =	vst v1;
	v1 =	vld [tilespmem:s13+$0x0]  }
0x12e: {  	v2 =	vld [tilespmem:s11+$0x0];
	_ =	sdelay $0x4  }
0x12f: {  	v1 =	vmul.f32 v2, v1;
	_ =	sdelay $0x1  }
0x130: {  	[tilespmem:s13+$0x0] =	vst v1;
	v1 =	vld [tilespmem:s13+$0x10]  }
0x131: {  	v2 =	vld [tilespmem:s11+$0x10];
	_ =	sdelay $0x4  }
0x132: {  	v1 =	vmul.f32 v2, v1;
	_ =	sdelay $0x1  }
0x133: {  	[tilespmem:s13+$0x10] =	vst v1;
	v1 =	vld [tilespmem:s13+$0x20]  }
0x134: {  	v2 =	vld [tilespmem:s11+$0x20];
	_ =	sdelay $0x4  }
0x135: {  	v1 =	vmul.f32 v2, v1;
	_ =	sdelay $0x1  }
0x136: {  	[tilespmem:s13+$0x20] =	vst v1;
	v1 =	vld [tilespmem:s13+$0x30]  }
0x137: {  	v2 =	vld [tilespmem:s11+$0x30];
	_ =	sdelay $0x4  }
0x138: {  	v1 =	vmul.f32 v2, v1;
	_ =	sdelay $0x1  }
0x139: {  	[tilespmem:s13+$0x30] =	vst v1;
	v1 =	vld [tilespmem:s13+$0x40]  }
0x13a: {  	v2 =	vld [tilespmem:s11+$0x40];
	_ =	sdelay $0x4  }
0x13b: {  	v1 =	vmul.f32 v2, v1;
	_ =	sdelay $0x1  }
0x13c: {  	[tilespmem:s13+$0x40] =	vst v1;
	v1 =	vld [tilespmem:s13+$0x50]  }
0x13d: {  	v2 =	vld [tilespmem:s11+$0x50];
	_ =	sdelay $0x4  }
0x13e: {  	v1 =	vmul.f32 v2, v1;
	_ =	sdelay $0x1  }
0x13f: {  	[tilespmem:s13+$0x50] =	vst v1;
	v1 =	vld [tilespmem:s13+$0x60]  }
0x140: {  	v2 =	vld [tilespmem:s11+$0x60];
	_ =	sdelay $0x4  }
0x141: {  	v1 =	vmul.f32 v2, v1;
	_ =	sdelay $0x1  }
0x142: {  	[tilespmem:s13+$0x60] =	vst v1;
	v1 =	vld [tilespmem:s13+$0x70]  }
0x143: {  	v2 =	vld [tilespmem:s11+$0x70];
	_ =	sdelay $0x4  }
0x144: {  	v1 =	vmul.f32 v2, v1;
	_ =	sdelay $0x1  }
0x145: {  	[tilespmem:s13+$0x70] =	vst v1;
	v1 =	vld [tilespmem:s13+$0x80]  }
0x146: {  	v2 =	vld [tilespmem:s11+$0x80];
	_ =	sdelay $0x4  }
0x147: {  	v1 =	vmul.f32 v2, v1;
	_ =	sdelay $0x1  }
0x148: {  	[tilespmem:s13+$0x80] =	vst v1;
	v1 =	vld [tilespmem:s13+$0x90]  }
0x149: {  	v2 =	vld [tilespmem:s11+$0x90];
	_ =	sdelay $0x4  }
0x14a: {  	v1 =	vmul.f32 v2, v1;
	_ =	sdelay $0x1  }
0x14b: {  	[tilespmem:s13+$0x90] =	vst v1;
	v1 =	vld [tilespmem:s13+$0xA0]  }
0x14c: {  	v2 =	vld [tilespmem:s11+$0xA0];
	_ =	sdelay $0x4  }
0x14d: {  	v1 =	vmul.f32 v2, v1;
	_ =	sdelay $0x1  }
0x14e: {  	[tilespmem:s13+$0xA0] =	vst v1;
	v1 =	vld [tilespmem:s13+$0xB0]  }
0x14f: {  	v2 =	vld [tilespmem:s11+$0xB0];
	_ =	sdelay $0x4  }
0x150: {  	v1 =	vmul.f32 v2, v1;
	_ =	sdelay $0x1  }
0x151: {  	[tilespmem:s13+$0xB0] =	vst v1;
	v1 =	vld [tilespmem:s13+$0xC0]  }
0x152: {  	v2 =	vld [tilespmem:s11+$0xC0];
	_ =	sdelay $0x4  }
0x153: {  	v1 =	vmul.f32 v2, v1;
	_ =	sdelay $0x1  }
0x154: {  	[tilespmem:s13+$0xC0] =	vst v1;
	v1 =	vld [tilespmem:s13+$0xD0]  }
0x155: {  	v2 =	vld [tilespmem:s11+$0xD0];
	_ =	sdelay $0x4  }
0x156: {  	v1 =	vmul.f32 v2, v1;
	_ =	sdelay $0x1  }
0x157: {  	[tilespmem:s13+$0xD0] =	vst v1;
	v1 =	vld [tilespmem:s13+$0xE0]  }
0x158: {  	v2 =	vld [tilespmem:s11+$0xE0];
	_ =	sdelay $0x4  }
0x159: {  	v1 =	vmul.f32 v2, v1;
	_ =	sdelay $0x1  }
0x15a: {  	[tilespmem:s13+$0xE0] =	vst v1;
	v1 =	vld [tilespmem:s13+$0xF0]  }
0x15b: {  	v2 =	vld [tilespmem:s11+$0xF0];
	_ =	sdelay $0x1  }
.Ltmp1:
0x15c: {  	(pc) =	sbr.rel @p1 .LBB2_5-.Ltmp1, $3  }
0x15d: {  	_ =	sdelay $0x1  }
0x15e: {  	v1 =	vmul.f32 v2, v1  }
0x15f: {  	s13 =	sadd.s32 $0x200, s13  }
0x160: {  	s9 =	sadd.s32 $0x1, s9  }
0x161: {  	p1 =	sne.s32 s9, $0x7D  }
.Ltmp2:
0x162: {  	[tilespmem:s10+$0xF0] =	vst v1;
	(pc) =	sbr.rel @p1 .LBB2_4-.Ltmp2, $4  }
0x163: {  	[spmem:s3] =	stream.indirect.scatter.add.f32 [tilespmem:s0], [sflag:$0x2], $0x80, s30, s31, $0xb8;
	[tilespmem:$0x1B180] =	vst v63  }
0x164: {  	_ =	swait.ge [sflag:s28], $0x2800  }
0x165: {  	[sflag:s28] =	ssyncset.done $0x0  }
0x166: {  	[sflag:s28] =	ssyncadd.s32 $0xFFFFD800  }
0x167: {  	s9 =	stileid.u32  }
0x168: {  	[bflag:$0x0] =	sbarrier.arrive $0xFFFF;
	s9 =	sshll.u32 s9, $0x6  }
0x169: {  	s10 =	sshrl.u32 s17, $0x3;
	s11 =	rddreg [dreg:$0x4];
	s9 =	sor.u32 $0x1C02, s9  }
0x16a: {  	[hbm:s11], [sflag:s9] =	dma.local [spmem:s10], $0x500  }
0x16b: {  	_ =	swait.ge [sflag:s28], $0x500  }
0x16c: {  	[sflag:s28] =	ssyncset.done $0x0  }
0x16d: {  	s12 =	sshrl.u32 s18, $0x3;
	s13 =	rddreg [dreg:$0x5];
	[sflag:s28] =	ssyncadd.s32 $0xFFFFFB00  }
0x16e: {  	[hbm:s13], [sflag:s9] =	dma.local [spmem:s12], $0x500  }
0x16f: {  	_ =	swait.ge [sflag:s28], $0x500  }
0x170: {  	[sflag:s28] =	ssyncset.done $0x0  }
0x171: {  	s12 =	sshrl.u32 s19, $0x3;
	s13 =	rddreg [dreg:$0x6];
	[sflag:s28] =	ssyncadd.s32 $0xFFFFFB00  }
0x172: {  	[hbm:s13], [sflag:s9] =	dma.local [spmem:s12], $0x500  }
0x173: {  	_ =	swait.ge [sflag:s28], $0x500  }
0x174: {  	[sflag:s28] =	ssyncset.done $0x0  }
0x175: {  	s12 =	sshrl.u32 s20, $0x3;
	s13 =	rddreg [dreg:$0x7];
	[sflag:s28] =	ssyncadd.s32 $0xFFFFFB00  }
0x176: {  	[hbm:s13], [sflag:s9] =	dma.local [spmem:s12], $0x500  }
0x177: {  	_ =	swait.ge [sflag:s28], $0x500  }
0x178: {  	[sflag:s28] =	ssyncset.done $0x0  }
0x179: {  	s12 =	sshrl.u32 s21, $0x3;
	s13 =	rddreg [dreg:$0x8];
	[sflag:s28] =	ssyncadd.s32 $0xFFFFFB00  }
0x17a: {  	[hbm:s13], [sflag:s9] =	dma.local [spmem:s12], $0x500  }
0x17b: {  	_ =	swait.ge [sflag:s28], $0x500  }
0x17c: {  	[sflag:s28] =	ssyncset.done $0x0  }
0x17d: {  	s12 =	sshrl.u32 s22, $0x3;
	s13 =	rddreg [dreg:$0x9];
	[sflag:s28] =	ssyncadd.s32 $0xFFFFFB00  }
0x17e: {  	[hbm:s13], [sflag:s9] =	dma.local [spmem:s12], $0x500  }
0x17f: {  	_ =	swait.ge [sflag:s28], $0x500  }
0x180: {  	[sflag:s28] =	ssyncset.done $0x0  }
0x181: {  	s12 =	sshrl.u32 s23, $0x3;
	s13 =	rddreg [dreg:$0xa];
	[sflag:s28] =	ssyncadd.s32 $0xFFFFFB00  }
0x182: {  	[hbm:s13], [sflag:s9] =	dma.local [spmem:s12], $0x500  }
0x183: {  	_ =	swait.ge [sflag:s28], $0x500  }
0x184: {  	s8 =	sadd.s32 $0x1, s8;
	[sflag:s28] =	ssyncset.done $0x0  }
0x185: {  	p1 =	sne.s32 s8, s25;
	s10 =	sshrl.u32 @!p0 s24, $0x3;
	[sflag:s28] =	ssyncadd.s32 $0xFFFFFB00  }
0x186: {  	[hbm:s14], [sflag:s9] =	dma.local @!p0 [spmem:s10], $0x500  }
.Ltmp3:
0x187: {  	_ = 	snop;
	(pc) =	sbr.rel @p1 .LBB2_1-.Ltmp3, $4  }
0x188: {  	s9 =	simm.s32 @!p0 $0x2  }
0x189: {  	_ =	swait.ge @!p0 [sflag:s9], $0x500  }
0x18a: {  	[sflag:s9] =	ssyncset.done @!p0 $0x0  }
0x18b: {  	[sflag:s9] =	ssyncadd.s32 @!p0 $0xFFFFFB00  }
0x18c: {  	_ =	sfence.sel $0x180000  }
0x18d: {  	[bflag:$0x0] =	sbarrier.arrive $0xFFFF  }
0x18e: {  	_ =	strace $0x9000004A  }
0x18f: {  	s0 =	stileid.u32;
	[bflag:$0x2] =	sbarrier.arrive $0xFFFF  }
0x190: {  	p0 =	sne.s32 s0, $0x0;
	s0 =	rddreg [dreg:$0x3]  }
0x191: {  	s0 =	sadd.s32 @!p0 $0x100000, s0  }
0x192: {  	[sflag:s0] =	ssyncadd.tile.s32 @!p0 $0x1;
	_ =	shalt  }
.Lfunc_end2:
_tile_overlayer_lowered:
.L_overlay_start_2:
0x193: {  	(tag) =	ssettag $0x2  }
0x194: {  	s0 =	rddreg [dreg:$0x0];
	s2 =	stileid.u32  }
0x195: {  	s1 =	rddreg [dreg:$0x1];
	p0 =	sne.s32 s2, $0x0  }
0x196: {  	s3 =	rddreg [dreg:$0x2];
	[bflag:$0x3] =	sbarrier.arrive $0xFFFF;
	s2 =	simm.s32 @!p0 $0x1C02  }
0x197: {  	[timem:s3], [sflag:s2] =	dma.local @!p0 [hbm:s0], s1  }
0x198: {  	s0 =	simm.s32 @!p0 $0x2  }
0x199: {  	_ =	swait.ge @!p0 [sflag:s0], s1  }
0x19a: {  	s1 =	ssub.s32 @!p0 $0x0, s1;
	[sflag:s0] =	ssyncset.done @!p0 $0x0  }
0x19b: {  	[sflag:s0] =	ssyncadd.s32 @!p0 s1  }
0x19c: {  	[bflag:$0x3] =	sbarrier.arrive $0xFFFF  }
0x19d: {  	_ =	shalt  }

// kernel: kernel.8.cloned.1.call-start
scs
__scs_entry_jumppad:
0x0: {  	(pc) =	sbr.rel $0x88, $3  }
0x1: {  	(tag) =	ssettag $0x0;
	lr =	simm.s32 $0x1  }
0x2: {  	[smem:$0x3F8C] =	sst lr;
	_ =	strace $0xD0000000  }
0x3: {  	_ = 	snop  }
0x4: {  	_ = 	snop  }
0x5: {  	_ = 	snop  }
0x6: {  	_ = 	snop  }
0x7: {  	_ = 	snop  }
__scs_overlays_trampoline_lowered:
0x8: {  	[smem:$0x3F9B] =	sst s0  }
0x9: {  	[smem:$0x3F9C] =	sst s1  }
0xa: {  	[smem:$0x3F9D] =	sst s2  }
0xb: {  	[smem:$0x3F9E] =	sst s3  }
0xc: {  	[smem:$0x3F9F] =	sst s4  }
0xd: {  	[smem:$0x3FA0] =	sst s5  }
0xe: {  	[smem:$0x3FA1] =	sst s6  }
0xf: {  	[smem:$0x3FA2] =	sst s7  }
0x10: {  	[smem:$0x3FA3] =	sst s8  }
0x11: {  	[smem:$0x3FA4] =	sst s9;
	s0 =	simm.s32 @!p0 $0x0  }
0x12: {  	s1 =	sld [smem:$0x3F8A];
	s0 =	simm.s32 @p0 $0x1  }
0x13: {  	[smem:$0x3FA5] =	sst s0;
	s0 =	simm.s32 @!p1 $0x0  }
0x14: {  	s2 =	sld [smem:$0x3F89];
	s0 =	simm.s32 @p1 $0x1  }
0x15: {  	[smem:$0x3FA6] =	sst s0;
	s0 =	simm.s32 @!p2 $0x0  }
0x16: {  	s3 =	sld [smem:$0x3FDB];
	s0 =	simm.s32 @p2 $0x1  }
0x17: {  	s4 =	simm.s32 $0x1BF5;
	[smem:$0x3FA8] =	sst s0  }
0x18: {  	s0 =	sld [smem:$0x3F8B];
	_ =	swait.ge [sflag:s4], $0x0  }
0x19: {  	s7 =	sld [smem:$0x3F8C]  }
0x1a: {  	s8 =	sadd.s32 $0xFFFFE003, lr  }
0x1b: {  	s9 =	sadd.s32 $0xFFFFFEF7, lr;
	s5 =	simm.s32 $0xFFFFFFFF;
	p2 =	slt.u32 s8, $0xFFFFF086  }
0x1c: {  	p1 =	slt.u32 s9, $0xF7A;
	s5 =	simm.s32 @!p2 $0x0  }
0x1d: {  	s5 =	simm.s32 @p1 $0x1;
	p0 =	seq.s32 s7, s2  }
0x1e: {  	s7 =	smul.u32 @!p0 $0xF7A, s2;
	p2 =	seq.s32 @!p0 s5, $0x0  }
0x1f: {  	s9 =	smul.u32 $0xF7A, s1;
	s8 =	simm.s32 @!p0 $0x1BF5;
	p2 =	por !p2, p0  }
0x20: {  	[sflag:s8] =	ssyncset.s32 @!p0 $0xFFFFF086;
	s6 =	sadd.s32 @!p0 s3, s7;
	s7 =	simm.s32 @!p0 $0x108  }
0x21: {  	s3 =	sadd.s32 s3, s9;
	s6 =	sadd.s32 @!p0 $0x88, s6;
	s7 =	simm.s32 @p2 $0x1082  }
0x22: {  	[simem:s7], [sflag:s8] =	dma.local @!p0 [hbm:s6], $0xF7A  }
0x23: {  	s9 =	sor.u32 $0xD0000000, s2;
	s6 =	simm.s32 $0x108;
	_ =	swait.ge @!p0 [sflag:s8], $0x0  }
0x24: {  	s3 =	sadd.s32 $0x88, s3;
	s6 =	simm.s32 @!p1 $0x1082;
	[sflag:s4] =	ssyncset.s32 $0xFFFFF086  }
0x25: {  	[simem:s6], [sflag:s4] =	dma.local [hbm:s3], $0xF7A  }
0x26: {  	[smem:$0x3F8C] =	sst s1;
	(tag) =	ssettag s2;
	_ =	strace s9  }
0x27: {  	s1 =	sld [smem:$0x3F9C]  }
0x28: {  	s2 =	sld [smem:$0x3F9D]  }
0x29: {  	s4 =	sld [smem:$0x3F9F]  }
0x2a: {  	p0 =	seq.s32 s5, $0x0;
	s5 =	sld [smem:$0x3FA0]  }
0x2b: {  	s6 =	sld [smem:$0x3FA1]  }
0x2c: {  	s7 =	sld [smem:$0x3FA2]  }
0x2d: {  	s3 =	simm.s32 $0x108;
	s8 =	sld [smem:$0x3FA3]  }
0x2e: {  	s3 =	simm.s32 @!p0 $0x1082;
	s9 =	sld [smem:$0x3FA4]  }
0x2f: {  	lr =	sadd.s32 s0, s3;
	s0 =	sld [smem:$0x3F9B]  }
0x30: {  	s3 =	sld [smem:$0x3F9E]  }
0x31: {  	[smem:$0x3FA7] =	sst s10  }
0x32: {  	s10 =	sld [smem:$0x3FA5];
	_ =	sdelay $0x3  }
0x33: {  	p0 =	seq.s32 s10, $0x1;
	s10 =	sld [smem:$0x3FA7];
	_ =	sdelay $0x3  }
0x34: {  	[smem:$0x3FA7] =	sst s10  }
0x35: {  	s10 =	sld [smem:$0x3FA6];
	_ =	sdelay $0x3  }
0x36: {  	p1 =	seq.s32 s10, $0x1;
	s10 =	sld [smem:$0x3FA7];
	_ =	sdelay $0x3  }
0x37: {  	[smem:$0x3FA7] =	sst s10  }
0x38: {  	s10 =	sld [smem:$0x3FA8]  }
0x39: {  	_ = 	snop;
	(pc) =	sbr.ind lr, $3  }
0x3a: {  	_ = 	snop  }
0x3b: {  	_ = 	snop  }
0x3c: {  	p2 =	seq.s32 s10, $0x1;
	s10 =	sld [smem:$0x3FA7]  }
0x3d: {  	_ =	shalt  }
0x3e: {  	_ =	shalt  }
0x3f: {  	_ =	shalt  }
0x40: {  	_ =	shalt  }
0x41: {  	_ =	shalt  }
0x42: {  	_ =	shalt  }
0x43: {  	_ =	shalt  }
0x44: {  	_ =	shalt  }
0x45: {  	_ =	shalt  }
0x46: {  	_ =	shalt  }
0x47: {  	_ =	shalt  }
0x48: {  	_ =	shalt  }
0x49: {  	_ =	shalt  }
0x4a: {  	_ =	shalt  }
0x4b: {  	_ =	shalt  }
0x4c: {  	_ =	shalt  }
0x4d: {  	_ =	shalt  }
0x4e: {  	_ =	shalt  }
0x4f: {  	_ =	shalt  }
0x50: {  	_ =	shalt  }
0x51: {  	_ =	shalt  }
0x52: {  	_ =	shalt  }
0x53: {  	_ =	shalt  }
0x54: {  	_ =	shalt  }
0x55: {  	_ =	shalt  }
0x56: {  	_ =	shalt  }
0x57: {  	_ =	shalt  }
0x58: {  	_ =	shalt  }
0x59: {  	_ =	shalt  }
0x5a: {  	_ =	shalt  }
0x5b: {  	_ =	shalt  }
0x5c: {  	_ =	shalt  }
0x5d: {  	_ =	shalt  }
0x5e: {  	_ =	shalt  }
0x5f: {  	_ =	shalt  }
0x60: {  	_ =	shalt  }
0x61: {  	_ =	shalt  }
0x62: {  	_ =	shalt  }
0x63: {  	_ =	shalt  }
0x64: {  	_ =	shalt  }
0x65: {  	_ =	shalt  }
0x66: {  	_ =	shalt  }
0x67: {  	_ =	shalt  }
0x68: {  	_ =	shalt  }
0x69: {  	_ =	shalt  }
0x6a: {  	_ =	shalt  }
0x6b: {  	_ =	shalt  }
0x6c: {  	_ =	shalt  }
0x6d: {  	_ =	shalt  }
0x6e: {  	_ =	shalt  }
0x6f: {  	_ =	shalt  }
0x70: {  	_ =	shalt  }
0x71: {  	_ =	shalt  }
0x72: {  	_ =	shalt  }
0x73: {  	_ =	shalt  }
0x74: {  	_ =	shalt  }
0x75: {  	_ =	shalt  }
0x76: {  	_ =	shalt  }
0x77: {  	_ =	shalt  }
0x78: {  	_ =	shalt  }
0x79: {  	_ =	shalt  }
0x7a: {  	_ =	shalt  }
0x7b: {  	_ =	shalt  }
0x7c: {  	_ =	shalt  }
0x7d: {  	_ =	shalt  }
0x7e: {  	_ =	shalt  }
0x7f: {  	_ =	shalt  }
0x80: {  	_ =	shalt  }
0x81: {  	_ =	shalt  }
0x82: {  	_ =	shalt  }
0x83: {  	_ =	shalt  }
0x84: {  	_ =	shalt  }
0x85: {  	_ =	shalt  }
0x86: {  	_ =	shalt  }
0x87: {  	_ =	shalt  }
.Lfunc_end0:
.L_simem_size_0:
called_computation_lowered:
.L_overlay_start_0:
0x88: {  	s2 =	sld [smem:$0x3FD9]  }
0x89: {  	s3 =	sld [smem:$0x3FFE];
	_ =	sdelay $0x1  }
0x8a: {  	s1 =	srdreg.scid  }
0x8b: {  	s0 =	sand.u32 $0x1, s1  }
0x8c: {  	s16 =	sshll.u32 s0, $0xA;
	s2 =	sadd.s32 s3, s2  }
0x8d: {  	s2 =	sadd.s32 s2, s16  }
0x8e: {  	[smem:$0x3FB3] =	sst s2  }
0x8f: {  	_ = 	snop  }
0x90: {  	(tm) =	ssettm $0x1  }
0x91: {  	s17 =	sld [smem:$0x3FFB];
	_ =	sdelay $0x3  }
0x92: {  	_ =	strace s17  }
0x93: {  	s2 =	sld [smem:$0x3FFC];
	_ =	sdelay $0x3  }
0x94: {  	_ =	strace s2  }
0x95: {  	s2 =	sld [smem:$0x3FFD];
	_ =	sdelay $0x3  }
0x96: {  	_ =	strace s2  }
0x97: {  	_ =	strace $0x8FFFFFFF  }
0x98: {  	s18 =	sld [smem:$0x3FDB];
	_ =	sdelay $0x1  }
0x99: {  	s19 =	simm.s32 $_scs_section_size  }
0x9a: {  	s4 =	simm.s32 $_size__tile_overlayer_lowered;
	s5 =	simm.s32 $_tile_overlayer_lowered  }
0x9b: {  	s22 =	simm.s32 $0x1BFF;
	s21 =	sshll.u32 s5, $0x1;
	s2 =	sadd.s32 s19, s18  }
0x9c: {  	s6 =	simm.s32 $0x0;
	s20 =	sshll.u32 s4, $0x1;
	s4 =	sadd.s32 s21, s2  }
0x9d: {  	[timem:s6], [sflag:s22] =	dma.local [hbm:s4], s20  }
0x9e: {  	_ =	swait.ge [sflag:s22], s20  }
0x9f: {  	s3 =	ssub.s32 $0x0, s20;
	[sflag:s22] =	ssyncset.done $0x0  }
0xa0: {  	[sflag:s22] =	ssyncadd.s32 s3;
	_ =	sdelay $0x1  }
0xa1: {  	s23 =	simm.s32 $0x1B8B  }
0xa2: {  	_ =	swait.ge [sflag:s23], $0x1  }
0xa3: {  	[sflag:s23] =	ssyncset.done $0x0  }
0xa4: {  	s25 =	simm.s32 $0x1B8E;
	s24 =	sld [smem:$0x3FFE];
	[sflag:s23] =	ssyncadd.s32 $0xFFFFFFFF  }
0xa5: {  	s26 =	simm.s32 $execute0_lowered;
	[smem:$0x3FD2] =	sst s25  }
0xa6: {  	s4 =	sshll.u32 s26, $0x1;
	_ =	strace $0x80000046;
	[dreg:$0x1] =	wrdreg $0xFFFFFFFF  }
0xa7: {  	s28 =	simm.s32 $_size_execute0_lowered;
	s2 =	sadd.s32 s2, s4;
	[dreg:$0x0] =	wrdreg $0x0  }
0xa8: {  	s4 =	sshll.u32 s28, $0x1;
	[dreg:$0x2] =	wrdreg s2  }
0xa9: {  	[dreg:$0x3] =	wrdreg s4  }
0xaa: {  	[dreg:$0x4] =	wrdreg $0xC0  }
0xab: {  	_ =	task [dreg:s6], $0x5FFFF  }
0xac: {  	[dreg:$0x1] =	wrdreg $0xFFFFFFFF  }
0xad: {  	[dreg:$0x0] =	wrdreg $0x60  }
0xae: {  	[dreg:$0x2] =	wrdreg s24  }
0xaf: {  	[dreg:$0x3] =	wrdreg $0x9  }
0xb0: {  	_ =	task.clear_ibuf [dreg:s6], $0x4FFFF;
	_ =	strace $0x90000046  }
0xb1: {  	s29 =	simm.s32 $0x9;
	_ =	strace $0x80000048  }
0xb2: {  	_ =	swait.ge [sflag:s29], $0x1  }
0xb3: {  	[sflag:s29] =	ssyncadd.s32 $0xFFFFFFFF  }
0xb4: {  	_ =	strace $0x90000048  }
0xb5: {  	_ =	sfence  }
0xb6: {  	s30 =	sld [smem:$0x0];
	_ =	sdelay $0x2  }
0xb7: {  	s31 =	sshll.u32 s1, $0xD;
	s1 =	sshrl.u32 s1, $0x2  }
0xb8: {  	s3 =	sand.u32 $0x4000, s31;
	s1 =	sadd.s32 s1, s30  }
0xb9: {  	s0 =	sor.u32 s3, s0;
	s1 =	sshll.u32 s1, $0x11  }
0xba: {  	s0 =	sor.u32 s1, s0  }
0xbb: {  	s0 =	sadd.s32 $0x8F2B, s0  }
0xbc: {  	[sflag:s0] =	ssyncadd.remote.s32 $0x1  }
0xbd: {  	_ =	sfence.sel $0xFFFF  }
0xbe: {  	[dreg:$0x0] =	wrdreg $0xFFFFFFFF;
	(pc) =	sbr.abs _section_cstart, $3  }
0xbf: {  	[dreg:$0x1] =	wrdreg $0xFFFFFFFF  }
0xc0: {  	_ =	task.clear_ibuf [dreg:s6], $0x2FFFF;
	_ =	strace $0x9FFFFFFF  }
0xc1: {  	(tm) =	ssettm $0x7FFFFFFF  }
tec
execute0_lowered:
.L_overlay_start_1:
0x0: {  	(tag) =	ssettag $0x1  }
0x1: {  	s7 =	rddreg [dreg:$0x0]  }
0x2: {  	s0 =	rddreg [dreg:$0x1];
	s1 =	simm.s32 $0x0;
	s5 =	srdreg.scid  }
0x3: {  	s2 =	stileid.u32;
	s12 =	simm.s32 $0x50;
	s13 =	simm.s32 $0x100  }
0x4: {  	s14 =	simm.s32 $0x2900;
	s15 =	simm.s32 $0x1;
	s16 =	simm.s32 $0x2  }
0x5: {  	s17 =	simm.s32 $0x0;
	[smem:$0x7FF] =	sst s1;
	s3 =	sadd.s32 $0x17800, s7  }
0x6: {  	s4 =	sadd.s32 $0x3EA00, s7;
	s8 =	sand.u32 $0x1, s5;
	s5 =	sadd.s32 $0xDA00, s7  }
0x7: {  	s10 =	sshll.u32 s2, $0x1;
	s6 =	sadd.s32 $0x3C00, s7;
	s9 =	ssub.s32 $0x2, s8  }
0x8: {  	s7 =	sadd.s32 $0x66000, s7;
	_ =	strace $0x80000047;
	s11 =	sshrl.u32 s9, $0x1  }
0x9: {  	s8 =	sor.u32 s8, s10;
	s10 =	simm.s32 $0x3;
	s9 =	ssub.s32 s9, s11  }
0xa: {  	s8 =	smul.u32 $0x2710, s8;
	s11 =	simm.s32 $0x80;
	s9 =	smax.u32 s9, $0x1  }
.LBB2_1:
0xb: {  	s18 =	simm.s32 $0x0  }
.LBB2_2:
0xc: {  	s19 =	smul.u32 $0x50, s18;
	_ =	sdelay $0x1  }
0xd: {  	s19 =	sadd.s32 s8, s19  }
0xe: {  	s20 =	sshrl.u32 s19, $0x3  }
0xf: {  	s21 =	sadd.s32 s5, s20  }
0x10: {  	[tilespmem:s1], [sflag:$0x3] =	stream.linear.gather [hbm4b:s21+s1], $0x50, $0x38;
	[tilespmem:$0x5100] =	vst v63  }
0x11: {  	_ =	swait.ge [sflag:s10], $0x50  }
0x12: {  	[sflag:s10] =	ssyncset.done $0x0  }
0x13: {  	s20 =	sadd.s32 s6, s20;
	[sflag:s10] =	ssyncadd.s32 $0xFFFFFFB0  }
0x14: {  	[tilespmem:s11], [sflag:$0x3] =	stream.linear.gather [hbm4b:s20+s1], $0x50, $0x38;
	[tilespmem:$0x5100] =	vst v63  }
0x15: {  	_ =	swait.ge [sflag:s10], $0x50  }
0x16: {  	[sflag:s10] =	ssyncset.done $0x0  }
0x17: {  	[sflag:s10] =	ssyncadd.s32 $0xFFFFFFB0  }
0x18: {  	[tilespmem:s13], [sflag:$0x1] =	stream.indirect.gather [hbm4b:s3+s12], $0x80, s1, s12, $0xb8;
	[tilespmem:$0x5100] =	vst v63  }
0x19: {  	_ = 	snop  }
0x1a: {  	[tilespmem:s14], [sflag:$0x2] =	stream.indirect.gather [hbm4b:s4+s12], $0x80, s11, s12, $0xb8;
	[tilespmem:$0x5100] =	vst v63  }
0x1b: {  	_ =	swait.ge [sflag:s15], $0x2800  }
0x1c: {  	[sflag:s15] =	ssyncset.done $0x0  }
0x1d: {  	[sflag:s15] =	ssyncadd.s32 $0xFFFFD800  }
0x1e: {  	_ =	swait.ge [sflag:s16], $0x2800  }
0x1f: {  	[sflag:s16] =	ssyncset.done $0x0  }
0x20: {  	s20 =	simm.s32 $0x200;
	[sflag:s16] =	ssyncadd.s32 $0xFFFFD800  }
0x21: {  	s21 =	simm.s32 $0x2A00;
	v0 =	vld [tilespmem:s20+$0xFFFFFF00]  }
0x22: {  	v1 =	vld [tilespmem:s21+$0xFFFFFF00];
	_ =	sdelay $0x4  }
0x23: {  	v0 =	vadd.f32 v1, v0;
	_ =	sdelay $0x1  }
0x24: {  	[tilespmem:s20+$0xFFFFFF00] =	vst v0;
	v0 =	vld [tilespmem:s20+$0xFFFFFF10]  }
0x25: {  	v1 =	vld [tilespmem:s21+$0xFFFFFF10];
	_ =	sdelay $0x4  }
0x26: {  	v0 =	vadd.f32 v1, v0;
	_ =	sdelay $0x1  }
0x27: {  	[tilespmem:s20+$0xFFFFFF10] =	vst v0;
	v0 =	vld [tilespmem:s20+$0xFFFFFF20]  }
0x28: {  	v1 =	vld [tilespmem:s21+$0xFFFFFF20];
	_ =	sdelay $0x4  }
0x29: {  	v0 =	vadd.f32 v1, v0;
	_ =	sdelay $0x1  }
0x2a: {  	[tilespmem:s20+$0xFFFFFF20] =	vst v0;
	v0 =	vld [tilespmem:s20+$0xFFFFFF30]  }
0x2b: {  	v1 =	vld [tilespmem:s21+$0xFFFFFF30];
	_ =	sdelay $0x4  }
0x2c: {  	v0 =	vadd.f32 v1, v0;
	_ =	sdelay $0x1  }
0x2d: {  	[tilespmem:s20+$0xFFFFFF30] =	vst v0;
	v0 =	vld [tilespmem:s20+$0xFFFFFF40]  }
0x2e: {  	v1 =	vld [tilespmem:s21+$0xFFFFFF40];
	_ =	sdelay $0x4  }
0x2f: {  	v0 =	vadd.f32 v1, v0;
	_ =	sdelay $0x1  }
0x30: {  	[tilespmem:s20+$0xFFFFFF40] =	vst v0;
	v0 =	vld [tilespmem:s20+$0xFFFFFF50]  }
0x31: {  	v1 =	vld [tilespmem:s21+$0xFFFFFF50];
	_ =	sdelay $0x4  }
0x32: {  	v0 =	vadd.f32 v1, v0;
	_ =	sdelay $0x1  }
0x33: {  	[tilespmem:s20+$0xFFFFFF50] =	vst v0;
	v0 =	vld [tilespmem:s20+$0xFFFFFF60]  }
0x34: {  	v1 =	vld [tilespmem:s21+$0xFFFFFF60];
	_ =	sdelay $0x4  }
0x35: {  	v0 =	vadd.f32 v1, v0;
	_ =	sdelay $0x1  }
0x36: {  	[tilespmem:s20+$0xFFFFFF60] =	vst v0;
	v0 =	vld [tilespmem:s20+$0xFFFFFF70]  }
0x37: {  	v1 =	vld [tilespmem:s21+$0xFFFFFF70];
	_ =	sdelay $0x4  }
0x38: {  	v0 =	vadd.f32 v1, v0;
	_ =	sdelay $0x1  }
0x39: {  	[tilespmem:s20+$0xFFFFFF70] =	vst v0;
	v0 =	vld [tilespmem:s20+$0xFFFFFF80]  }
0x3a: {  	v1 =	vld [tilespmem:s21+$0xFFFFFF80];
	_ =	sdelay $0x4  }
0x3b: {  	v0 =	vadd.f32 v1, v0;
	_ =	sdelay $0x1  }
0x3c: {  	[tilespmem:s20+$0xFFFFFF80] =	vst v0;
	v0 =	vld [tilespmem:s20+$0xFFFFFF90]  }
0x3d: {  	v1 =	vld [tilespmem:s21+$0xFFFFFF90];
	_ =	sdelay $0x4  }
0x3e: {  	v0 =	vadd.f32 v1, v0;
	_ =	sdelay $0x1  }
0x3f: {  	[tilespmem:s20+$0xFFFFFF90] =	vst v0;
	v0 =	vld [tilespmem:s20+$0xFFFFFFA0]  }
0x40: {  	v1 =	vld [tilespmem:s21+$0xFFFFFFA0];
	_ =	sdelay $0x4  }
0x41: {  	v0 =	vadd.f32 v1, v0;
	_ =	sdelay $0x1  }
0x42: {  	[tilespmem:s20+$0xFFFFFFA0] =	vst v0;
	v0 =	vld [tilespmem:s20+$0xFFFFFFB0]  }
0x43: {  	v1 =	vld [tilespmem:s21+$0xFFFFFFB0];
	_ =	sdelay $0x4  }
0x44: {  	v0 =	vadd.f32 v1, v0;
	_ =	sdelay $0x1  }
0x45: {  	[tilespmem:s20+$0xFFFFFFB0] =	vst v0;
	v0 =	vld [tilespmem:s20+$0xFFFFFFC0]  }
0x46: {  	v1 =	vld [tilespmem:s21+$0xFFFFFFC0];
	_ =	sdelay $0x4  }
0x47: {  	v0 =	vadd.f32 v1, v0;
	_ =	sdelay $0x1  }
0x48: {  	[tilespmem:s20+$0xFFFFFFC0] =	vst v0;
	v0 =	vld [tilespmem:s20+$0xFFFFFFD0]  }
0x49: {  	v1 =	vld [tilespmem:s21+$0xFFFFFFD0];
	_ =	sdelay $0x4  }
0x4a: {  	v0 =	vadd.f32 v1, v0;
	_ =	sdelay $0x1  }
0x4b: {  	[tilespmem:s20+$0xFFFFFFD0] =	vst v0;
	v0 =	vld [tilespmem:s20+$0xFFFFFFE0]  }
0x4c: {  	v1 =	vld [tilespmem:s21+$0xFFFFFFE0];
	_ =	sdelay $0x4  }
0x4d: {  	v0 =	vadd.f32 v1, v0;
	_ =	sdelay $0x1  }
0x4e: {  	[tilespmem:s20+$0xFFFFFFE0] =	vst v0;
	v0 =	vld [tilespmem:s20+$0xFFFFFFF0]  }
0x4f: {  	v1 =	vld [tilespmem:s21+$0xFFFFFFF0];
	_ =	sdelay $0x4  }
0x50: {  	v0 =	vadd.f32 v1, v0;
	_ =	sdelay $0x1  }
0x51: {  	[tilespmem:s20+$0xFFFFFFF0] =	vst v0;
	v0 =	vld [tilespmem:s20+$0x0]  }
0x52: {  	v1 =	vld [tilespmem:s21+$0x0];
	_ =	sdelay $0x4  }
0x53: {  	v0 =	vadd.f32 v1, v0;
	_ =	sdelay $0x1  }
0x54: {  	[tilespmem:s20+$0x0] =	vst v0;
	v0 =	vld [tilespmem:s20+$0x10]  }
0x55: {  	v1 =	vld [tilespmem:s21+$0x10];
	_ =	sdelay $0x4  }
0x56: {  	v0 =	vadd.f32 v1, v0;
	_ =	sdelay $0x1  }
0x57: {  	[tilespmem:s20+$0x10] =	vst v0;
	v0 =	vld [tilespmem:s20+$0x20]  }
0x58: {  	v1 =	vld [tilespmem:s21+$0x20];
	_ =	sdelay $0x4  }
0x59: {  	v0 =	vadd.f32 v1, v0;
	_ =	sdelay $0x1  }
0x5a: {  	[tilespmem:s20+$0x20] =	vst v0;
	v0 =	vld [tilespmem:s20+$0x30]  }
0x5b: {  	v1 =	vld [tilespmem:s21+$0x30];
	_ =	sdelay $0x4  }
0x5c: {  	v0 =	vadd.f32 v1, v0;
	_ =	sdelay $0x1  }
0x5d: {  	[tilespmem:s20+$0x30] =	vst v0;
	v0 =	vld [tilespmem:s20+$0x40]  }
0x5e: {  	v1 =	vld [tilespmem:s21+$0x40];
	_ =	sdelay $0x4  }
0x5f: {  	v0 =	vadd.f32 v1, v0;
	_ =	sdelay $0x1  }
0x60: {  	[tilespmem:s20+$0x40] =	vst v0;
	v0 =	vld [tilespmem:s20+$0x50]  }
0x61: {  	v1 =	vld [tilespmem:s21+$0x50];
	_ =	sdelay $0x4  }
0x62: {  	v0 =	vadd.f32 v1, v0;
	_ =	sdelay $0x1  }
0x63: {  	[tilespmem:s20+$0x50] =	vst v0;
	v0 =	vld [tilespmem:s20+$0x60]  }
0x64: {  	v1 =	vld [tilespmem:s21+$0x60];
	_ =	sdelay $0x4  }
0x65: {  	v0 =	vadd.f32 v1, v0;
	_ =	sdelay $0x1  }
0x66: {  	[tilespmem:s20+$0x60] =	vst v0;
	v0 =	vld [tilespmem:s20+$0x70]  }
0x67: {  	v1 =	vld [tilespmem:s21+$0x70];
	_ =	sdelay $0x4  }
0x68: {  	v0 =	vadd.f32 v1, v0;
	_ =	sdelay $0x1  }
0x69: {  	[tilespmem:s20+$0x70] =	vst v0;
	v0 =	vld [tilespmem:s20+$0x80]  }
0x6a: {  	v1 =	vld [tilespmem:s21+$0x80];
	_ =	sdelay $0x4  }
0x6b: {  	v0 =	vadd.f32 v1, v0;
	_ =	sdelay $0x1  }
0x6c: {  	[tilespmem:s20+$0x80] =	vst v0;
	v0 =	vld [tilespmem:s20+$0x90]  }
0x6d: {  	v1 =	vld [tilespmem:s21+$0x90];
	_ =	sdelay $0x4  }
0x6e: {  	v0 =	vadd.f32 v1, v0;
	_ =	sdelay $0x1  }
0x6f: {  	[tilespmem:s20+$0x90] =	vst v0;
	v0 =	vld [tilespmem:s20+$0xA0]  }
0x70: {  	v1 =	vld [tilespmem:s21+$0xA0];
	_ =	sdelay $0x4  }
0x71: {  	v0 =	vadd.f32 v1, v0;
	_ =	sdelay $0x1  }
0x72: {  	[tilespmem:s20+$0xA0] =	vst v0;
	v0 =	vld [tilespmem:s20+$0xB0]  }
0x73: {  	v1 =	vld [tilespmem:s21+$0xB0];
	_ =	sdelay $0x4  }
0x74: {  	v0 =	vadd.f32 v1, v0;
	_ =	sdelay $0x1  }
0x75: {  	[tilespmem:s20+$0xB0] =	vst v0;
	v0 =	vld [tilespmem:s20+$0xC0]  }
0x76: {  	v1 =	vld [tilespmem:s21+$0xC0];
	_ =	sdelay $0x4  }
0x77: {  	v0 =	vadd.f32 v1, v0;
	_ =	sdelay $0x1  }
0x78: {  	[tilespmem:s20+$0xC0] =	vst v0;
	v0 =	vld [tilespmem:s20+$0xD0]  }
0x79: {  	v1 =	vld [tilespmem:s21+$0xD0];
	_ =	sdelay $0x4  }
0x7a: {  	v0 =	vadd.f32 v1, v0;
	_ =	sdelay $0x1  }
0x7b: {  	[tilespmem:s20+$0xD0] =	vst v0;
	v0 =	vld [tilespmem:s20+$0xE0]  }
0x7c: {  	v1 =	vld [tilespmem:s21+$0xE0];
	_ =	sdelay $0x4  }
0x7d: {  	v0 =	vadd.f32 v1, v0;
	_ =	sdelay $0x1  }
0x7e: {  	[tilespmem:s20+$0xE0] =	vst v0;
	v0 =	vld [tilespmem:s20+$0xF0]  }
0x7f: {  	v1 =	vld [tilespmem:s21+$0xF0];
	_ =	sdelay $0x4  }
0x80: {  	v0 =	vadd.f32 v1, v0  }
0x81: {  	s22 =	simm.s32 $0x0;
	s23 =	simm.s32 $0x400  }
.LBB2_3:
0x82: {  	v1 =	vld [tilespmem:s23+$0xFFFFFF00];
	[tilespmem:s20+$0xF0] =	vst v0;
	s21 =	sadd.s32 $0x200, s21;
	s20 =	smov.u32 s23  }
0x83: {  	s22 =	sadd.s32 $0x4, s22;
	v0 =	vld [tilespmem:s21+$0xFFFFFF00]  }
0x84: {  	p0 =	slt.u32 s22, $0x4C;
	_ =	sdelay $0x3  }
0x85: {  	v0 =	vadd.f32 v0, v1;
	_ =	sdelay $0x1  }
0x86: {  	[tilespmem:s23+$0xFFFFFF00] =	vst v0;
	v0 =	vld [tilespmem:s23+$0xFFFFFF10]  }
0x87: {  	v1 =	vld [tilespmem:s21+$0xFFFFFF10];
	_ =	sdelay $0x4  }
0x88: {  	v0 =	vadd.f32 v1, v0;
	_ =	sdelay $0x1  }
0x89: {  	[tilespmem:s23+$0xFFFFFF10] =	vst v0;
	v0 =	vld [tilespmem:s23+$0xFFFFFF20]  }
0x8a: {  	v1 =	vld [tilespmem:s21+$0xFFFFFF20];
	_ =	sdelay $0x4  }
0x8b: {  	v0 =	vadd.f32 v1, v0;
	_ =	sdelay $0x1  }
0x8c: {  	[tilespmem:s23+$0xFFFFFF20] =	vst v0;
	v0 =	vld [tilespmem:s23+$0xFFFFFF30]  }
0x8d: {  	v1 =	vld [tilespmem:s21+$0xFFFFFF30];
	_ =	sdelay $0x4  }
0x8e: {  	v0 =	vadd.f32 v1, v0;
	_ =	sdelay $0x1  }
0x8f: {  	[tilespmem:s23+$0xFFFFFF30] =	vst v0;
	v0 =	vld [tilespmem:s23+$0xFFFFFF40]  }
0x90: {  	v1 =	vld [tilespmem:s21+$0xFFFFFF40];
	_ =	sdelay $0x4  }
0x91: {  	v0 =	vadd.f32 v1, v0;
	_ =	sdelay $0x1  }
0x92: {  	[tilespmem:s23+$0xFFFFFF40] =	vst v0;
	v0 =	vld [tilespmem:s23+$0xFFFFFF50]  }
0x93: {  	v1 =	vld [tilespmem:s21+$0xFFFFFF50];
	_ =	sdelay $0x4  }
0x94: {  	v0 =	vadd.f32 v1, v0;
	_ =	sdelay $0x1  }
0x95: {  	[tilespmem:s23+$0xFFFFFF50] =	vst v0;
	v0 =	vld [tilespmem:s23+$0xFFFFFF60]  }
0x96: {  	v1 =	vld [tilespmem:s21+$0xFFFFFF60];
	_ =	sdelay $0x4  }
0x97: {  	v0 =	vadd.f32 v1, v0;
	_ =	sdelay $0x1  }
0x98: {  	[tilespmem:s23+$0xFFFFFF60] =	vst v0;
	v0 =	vld [tilespmem:s23+$0xFFFFFF70]  }
0x99: {  	v1 =	vld [tilespmem:s21+$0xFFFFFF70];
	_ =	sdelay $0x4  }
0x9a: {  	v0 =	vadd.f32 v1, v0;
	_ =	sdelay $0x1  }
0x9b: {  	[tilespmem:s23+$0xFFFFFF70] =	vst v0;
	v0 =	vld [tilespmem:s23+$0xFFFFFF80]  }
0x9c: {  	v1 =	vld [tilespmem:s21+$0xFFFFFF80];
	_ =	sdelay $0x4  }
0x9d: {  	v0 =	vadd.f32 v1, v0;
	_ =	sdelay $0x1  }
0x9e: {  	[tilespmem:s23+$0xFFFFFF80] =	vst v0;
	v0 =	vld [tilespmem:s23+$0xFFFFFF90]  }
0x9f: {  	v1 =	vld [tilespmem:s21+$0xFFFFFF90];
	_ =	sdelay $0x4  }
0xa0: {  	v0 =	vadd.f32 v1, v0;
	_ =	sdelay $0x1  }
0xa1: {  	[tilespmem:s23+$0xFFFFFF90] =	vst v0;
	v0 =	vld [tilespmem:s23+$0xFFFFFFA0]  }
0xa2: {  	v1 =	vld [tilespmem:s21+$0xFFFFFFA0];
	_ =	sdelay $0x4  }
0xa3: {  	v0 =	vadd.f32 v1, v0;
	_ =	sdelay $0x1  }
0xa4: {  	[tilespmem:s23+$0xFFFFFFA0] =	vst v0;
	v0 =	vld [tilespmem:s23+$0xFFFFFFB0]  }
0xa5: {  	v1 =	vld [tilespmem:s21+$0xFFFFFFB0];
	_ =	sdelay $0x4  }
0xa6: {  	v0 =	vadd.f32 v1, v0;
	_ =	sdelay $0x1  }
0xa7: {  	[tilespmem:s23+$0xFFFFFFB0] =	vst v0;
	v0 =	vld [tilespmem:s23+$0xFFFFFFC0]  }
0xa8: {  	v1 =	vld [tilespmem:s21+$0xFFFFFFC0];
	_ =	sdelay $0x4  }
0xa9: {  	v0 =	vadd.f32 v1, v0;
	_ =	sdelay $0x1  }
0xaa: {  	[tilespmem:s23+$0xFFFFFFC0] =	vst v0;
	v0 =	vld [tilespmem:s23+$0xFFFFFFD0]  }
0xab: {  	v1 =	vld [tilespmem:s21+$0xFFFFFFD0];
	_ =	sdelay $0x4  }
0xac: {  	v0 =	vadd.f32 v1, v0;
	_ =	sdelay $0x1  }
0xad: {  	[tilespmem:s23+$0xFFFFFFD0] =	vst v0;
	v0 =	vld [tilespmem:s23+$0xFFFFFFE0]  }
0xae: {  	v1 =	vld [tilespmem:s21+$0xFFFFFFE0];
	_ =	sdelay $0x4  }
0xaf: {  	v0 =	vadd.f32 v1, v0;
	_ =	sdelay $0x1  }
0xb0: {  	[tilespmem:s23+$0xFFFFFFE0] =	vst v0;
	v0 =	vld [tilespmem:s23+$0xFFFFFFF0]  }
0xb1: {  	v1 =	vld [tilespmem:s21+$0xFFFFFFF0];
	_ =	sdelay $0x4  }
0xb2: {  	v0 =	vadd.f32 v1, v0;
	_ =	sdelay $0x1  }
0xb3: {  	[tilespmem:s23+$0xFFFFFFF0] =	vst v0;
	v0 =	vld [tilespmem:s23+$0x0]  }
0xb4: {  	v1 =	vld [tilespmem:s21+$0x0];
	_ =	sdelay $0x4  }
0xb5: {  	v0 =	vadd.f32 v1, v0;
	_ =	sdelay $0x1  }
0xb6: {  	[tilespmem:s23+$0x0] =	vst v0;
	v0 =	vld [tilespmem:s23+$0x10]  }
0xb7: {  	v1 =	vld [tilespmem:s21+$0x10];
	_ =	sdelay $0x4  }
0xb8: {  	v0 =	vadd.f32 v1, v0;
	_ =	sdelay $0x1  }
0xb9: {  	[tilespmem:s23+$0x10] =	vst v0;
	v0 =	vld [tilespmem:s23+$0x20]  }
0xba: {  	v1 =	vld [tilespmem:s21+$0x20];
	_ =	sdelay $0x4  }
0xbb: {  	v0 =	vadd.f32 v1, v0;
	_ =	sdelay $0x1  }
0xbc: {  	[tilespmem:s23+$0x20] =	vst v0;
	v0 =	vld [tilespmem:s23+$0x30]  }
0xbd: {  	v1 =	vld [tilespmem:s21+$0x30];
	_ =	sdelay $0x4  }
0xbe: {  	v0 =	vadd.f32 v1, v0;
	_ =	sdelay $0x1  }
0xbf: {  	[tilespmem:s23+$0x30] =	vst v0;
	v0 =	vld [tilespmem:s23+$0x40]  }
0xc0: {  	v1 =	vld [tilespmem:s21+$0x40];
	_ =	sdelay $0x4  }
0xc1: {  	v0 =	vadd.f32 v1, v0;
	_ =	sdelay $0x1  }
0xc2: {  	[tilespmem:s23+$0x40] =	vst v0;
	v0 =	vld [tilespmem:s23+$0x50]  }
0xc3: {  	v1 =	vld [tilespmem:s21+$0x50];
	_ =	sdelay $0x4  }
0xc4: {  	v0 =	vadd.f32 v1, v0;
	_ =	sdelay $0x1  }
0xc5: {  	[tilespmem:s23+$0x50] =	vst v0;
	v0 =	vld [tilespmem:s23+$0x60]  }
0xc6: {  	v1 =	vld [tilespmem:s21+$0x60];
	_ =	sdelay $0x4  }
0xc7: {  	v0 =	vadd.f32 v1, v0;
	_ =	sdelay $0x1  }
0xc8: {  	[tilespmem:s23+$0x60] =	vst v0;
	v0 =	vld [tilespmem:s23+$0x70]  }
0xc9: {  	v1 =	vld [tilespmem:s21+$0x70];
	_ =	sdelay $0x4  }
0xca: {  	v0 =	vadd.f32 v1, v0;
	_ =	sdelay $0x1  }
0xcb: {  	[tilespmem:s23+$0x70] =	vst v0;
	v0 =	vld [tilespmem:s23+$0x80]  }
0xcc: {  	v1 =	vld [tilespmem:s21+$0x80];
	_ =	sdelay $0x4  }
0xcd: {  	v0 =	vadd.f32 v1, v0;
	_ =	sdelay $0x1  }
0xce: {  	[tilespmem:s23+$0x80] =	vst v0;
	v0 =	vld [tilespmem:s23+$0x90]  }
0xcf: {  	v1 =	vld [tilespmem:s21+$0x90];
	_ =	sdelay $0x4  }
0xd0: {  	v0 =	vadd.f32 v1, v0;
	_ =	sdelay $0x1  }
0xd1: {  	[tilespmem:s23+$0x90] =	vst v0;
	v0 =	vld [tilespmem:s23+$0xA0]  }
0xd2: {  	v1 =	vld [tilespmem:s21+$0xA0];
	_ =	sdelay $0x4  }
0xd3: {  	v0 =	vadd.f32 v1, v0;
	_ =	sdelay $0x1  }
0xd4: {  	[tilespmem:s23+$0xA0] =	vst v0;
	v0 =	vld [tilespmem:s23+$0xB0]  }
0xd5: {  	v1 =	vld [tilespmem:s21+$0xB0];
	_ =	sdelay $0x4  }
0xd6: {  	v0 =	vadd.f32 v1, v0;
	_ =	sdelay $0x1  }
0xd7: {  	[tilespmem:s23+$0xB0] =	vst v0;
	v0 =	vld [tilespmem:s23+$0xC0]  }
0xd8: {  	v1 =	vld [tilespmem:s21+$0xC0];
	_ =	sdelay $0x4  }
0xd9: {  	v0 =	vadd.f32 v1, v0;
	_ =	sdelay $0x1  }
0xda: {  	[tilespmem:s23+$0xC0] =	vst v0;
	v0 =	vld [tilespmem:s23+$0xD0]  }
0xdb: {  	v1 =	vld [tilespmem:s21+$0xD0];
	_ =	sdelay $0x4  }
0xdc: {  	v0 =	vadd.f32 v1, v0;
	_ =	sdelay $0x1  }
0xdd: {  	[tilespmem:s23+$0xD0] =	vst v0;
	v0 =	vld [tilespmem:s23+$0xE0]  }
0xde: {  	v1 =	vld [tilespmem:s21+$0xE0];
	_ =	sdelay $0x4  }
0xdf: {  	v0 =	vadd.f32 v1, v0;
	_ =	sdelay $0x1  }
0xe0: {  	[tilespmem:s23+$0xE0] =	vst v0;
	v0 =	vld [tilespmem:s23+$0xF0]  }
0xe1: {  	v1 =	vld [tilespmem:s21+$0xF0];
	_ =	sdelay $0x1  }
.Ltmp0:
0xe2: {  	(pc) =	sbr.rel @p0 .LBB2_3-.Ltmp0, $3  }
0xe3: {  	_ =	sdelay $0x1  }
0xe4: {  	v0 =	vadd.f32 v1, v0  }
0xe5: {  	s23 =	sadd.s32 $0x200, s23  }
0xe6: {  	s18 =	sadd.s32 $0x1, s18  }
0xe7: {  	s19 =	sshll.u32 s19, $0x4;
	p0 =	sne.s32 s18, $0x7D  }
.Ltmp1:
0xe8: {  	[tilespmem:s20+$0xF0] =	vst v0;
	s19 =	sadd.s32 s7, s19;
	(pc) =	sbr.rel @p0 .LBB2_2-.Ltmp1, $4  }
0xe9: {  	[hbm4b:s19+s1] =	stream.linear.scatter [tilespmem:s13], [sflag:$0x3], $0x2800, $0x38;
	[tilespmem:$0x5100] =	vst v63  }
0xea: {  	_ =	swait.ge [sflag:s10], $0x2800  }
0xeb: {  	[sflag:s10] =	ssyncset.done $0x0  }
0xec: {  	[sflag:s10] =	ssyncadd.s32 $0xFFFFD800  }
0xed: {  	s17 =	sadd.s32 $0x1, s17  }
0xee: {  	p0 =	sne.s32 s17, s9  }
.Ltmp2:
0xef: {  	_ = 	snop;
	(pc) =	sbr.rel @p0 .LBB2_1-.Ltmp2, $1  }
0xf0: {  	_ =	sdelay $0x3  }
0xf1: {  	_ =	sfence.sel $0x180000  }
0xf2: {  	[bflag:$0x0] =	sbarrier.arrive $0xFFFF  }
0xf3: {  	p0 =	sne.s32 s2, $0x0;
	_ =	strace $0x90000047  }
0xf4: {  	s0 =	sadd.s32 @!p0 $0x100000, s0;
	[bflag:$0x2] =	sbarrier.arrive $0xFFFF  }
0xf5: {  	[sflag:s0] =	ssyncadd.tile.s32 @!p0 $0x1;
	_ =	shalt  }
.Lfunc_end2:
_tile_overlayer_lowered:
.L_overlay_start_2:
0xf6: {  	(tag) =	ssettag $0x2  }
0xf7: {  	s0 =	rddreg [dreg:$0x0];
	s2 =	stileid.u32  }
0xf8: {  	s1 =	rddreg [dreg:$0x1];
	p0 =	sne.s32 s2, $0x0  }
0xf9: {  	s3 =	rddreg [dreg:$0x2];
	[bflag:$0x3] =	sbarrier.arrive $0xFFFF;
	s2 =	simm.s32 @!p0 $0x1C03  }
0xfa: {  	[timem:s3], [sflag:s2] =	dma.local @!p0 [hbm:s0], s1  }
0xfb: {  	s0 =	simm.s32 @!p0 $0x3  }
0xfc: {  	_ =	swait.ge @!p0 [sflag:s0], s1  }
0xfd: {  	s1 =	ssub.s32 @!p0 $0x0, s1;
	[sflag:s0] =	ssyncset.done @!p0 $0x0  }
0xfe: {  	[sflag:s0] =	ssyncadd.s32 @!p0 s1  }
0xff: {  	[bflag:$0x3] =	sbarrier.arrive $0xFFFF  }
0x100: {  	_ =	shalt  }

</sc_bundles>
